<compile_context>
chip_gen: v7x
topology: tpu7x:2x2x1
jax: 0.10.2.dev20260603
libtpu: 0.0.44.dev20260713+nightly
codegen_flags: <defaults>
</compile_context>

<pallas_src>
import functools

import jax
import jax.numpy as jnp
from jax import lax
from jax.experimental import pallas as pl
from jax.experimental.pallas import tpu as pltpu
from jax.experimental.pallas import tpu_sc as plsc

N = 10000
E = 320000
D = 128
DH = D // 2

NC = 2
NS = 16
NW = NC * NS
K = 128
CH = 80
EPAD = NW * CH * K
NPAD = 10240
RPT = NPAD // NS
NCHK = RPT // K

_sc_mesh = plsc.VectorSubcoreMesh(core_axis_name="c", subcore_axis_name="s")
_sc_params = pltpu.CompilerParams(use_tc_tiling_on_sc=False)


def _zero_rows(ref, nrows, ncols):
    def body(i):
        for c in range(ncols // 16):
            ref[i, pl.ds(c * 16, 16)] = jnp.zeros((16,), jnp.float32)
    lax.fori_loop(0, nrows, lambda i, _: (body(i), 0)[1], 0)


@functools.partial(
    pl.kernel,
    out_type=jax.ShapeDtypeStruct((NC, 2, NPAD), jnp.float32),
    mesh=_sc_mesh,
    compiler_params=_sc_params,
    scratch_types=[
        pltpu.VMEM((CH, K), jnp.int32),
        pltpu.VMEM((CH, K), jnp.int32),
        pltpu.VMEM((K,), jnp.float32),
        pltpu.VMEM((RPT,), jnp.float32),
        pltpu.VMEM_SHARED((NPAD,), jnp.float32),
        pltpu.VMEM_SHARED((NPAD,), jnp.float32),
        pltpu.SemaphoreType.DMA,
        pltpu.SemaphoreType.DMA,
    ],
)
def _count_kernel(src_hbm, dst_hbm, out_hbm, src_v, dst_v, ones_v, zeros_v,
                  cs_sh, cd_sh, sema, semb):
    cid = lax.axis_index("c")
    sid = lax.axis_index("s")
    w = cid * NS + sid

    pltpu.sync_copy(src_hbm.at[pl.ds(w * CH, CH)], src_v)
    pltpu.sync_copy(dst_hbm.at[pl.ds(w * CH, CH)], dst_v)

    def fill(i, _):
        ones_v[pl.ds(i * 16, 16)] = jnp.ones((16,), jnp.float32)
        return 0
    lax.fori_loop(0, K // 16, fill, 0)

    def fillz(i, _):
        zeros_v[pl.ds(i * 16, 16)] = jnp.zeros((16,), jnp.float32)
        return 0
    lax.fori_loop(0, RPT // 16, fillz, 0)

    base = sid * RPT
    pltpu.sync_copy(zeros_v, cs_sh.at[pl.ds(base, RPT)])
    pltpu.sync_copy(zeros_v, cd_sh.at[pl.ds(base, RPT)])
    plsc.subcore_barrier()

    def fire(i):
        def go(b):
            j = 8 * i + b
            pltpu.async_copy(ones_v, cs_sh.at[src_v.at[j]], sema, add=True)
            pltpu.async_copy(ones_v, cd_sh.at[dst_v.at[j]], semb, add=True)
        for b in range(8):
            go(b)

    def drain(i):
        def go(b):
            j = 8 * i + b
            pltpu.make_async_copy(ones_v, cs_sh.at[src_v.at[j]], sema).wait()
            pltpu.make_async_copy(ones_v, cd_sh.at[dst_v.at[j]], semb).wait()
        for b in range(8):
            go(b)

    fire(0)

    def body(i, _):
        @pl.when(i + 1 < CH // 8)
        def _():
            fire(i + 1)
        drain(i)
        return 0
    lax.fori_loop(0, CH // 8, body, 0)
    plsc.subcore_barrier()

    pltpu.sync_copy(cs_sh.at[pl.ds(base, RPT)], out_hbm.at[cid, 0, pl.ds(base, RPT)])
    pltpu.sync_copy(cd_sh.at[pl.ds(base, RPT)], out_hbm.at[cid, 1, pl.ds(base, RPT)])


CPT = NW * CH // NS
NBUF = 5
AHEAD = 4


@functools.partial(
    pl.kernel,
    out_type=jax.ShapeDtypeStruct((NPAD, D), jnp.float32),
    mesh=_sc_mesh,
    compiler_params=_sc_params,
    scratch_types=[
        pltpu.VMEM((CPT, K), jnp.int32),
        pltpu.VMEM((CPT, K), jnp.int32),
        pltpu.VMEM((NBUF, K, DH), jnp.float32),
        pltpu.VMEM_SHARED((NPAD, DH), jnp.float32),
        [pltpu.SemaphoreType.DMA] * NBUF,
        [pltpu.SemaphoreType.DMA] * NBUF,
    ],
)
def _agg_kernel(u_hbm, src_hbm, dst_hbm, out_hbm, src_v, dst_v, rows_v,
                acc_sh, gsems, ssems):
    cid = lax.axis_index("c")
    sid = lax.axis_index("s")

    pltpu.make_async_copy(src_hbm.at[cid, pl.ds(sid * CPT, CPT)], src_v,
                          gsems[0]).start()
    pltpu.make_async_copy(dst_hbm.at[pl.ds(sid * CPT, CPT)], dst_v,
                          gsems[1]).start()

    _zero_rows(rows_v.at[0], K, DH)
    for t in range(NCHK):
        base = sid * RPT + t * K
        pltpu.make_async_copy(rows_v.at[0], acc_sh.at[pl.ds(base, K)],
                              gsems[2]).start()
    for t in range(NCHK):
        base = sid * RPT + t * K
        pltpu.make_async_copy(rows_v.at[0], acc_sh.at[pl.ds(base, K)],
                              gsems[2]).wait()
    pltpu.make_async_copy(src_hbm.at[cid, pl.ds(sid * CPT, CPT)], src_v,
                          gsems[0]).wait()
    pltpu.make_async_copy(dst_hbm.at[pl.ds(sid * CPT, CPT)], dst_v,
                          gsems[1]).wait()
    plsc.subcore_barrier()

    def gather(j, b):
        return pltpu.make_async_copy(u_hbm.at[src_v.at[j]], rows_v.at[b],
                                     gsems[b])

    def scatter_wait(j, b):
        pltpu.make_async_copy(rows_v.at[b], acc_sh.at[dst_v.at[j]],
                              ssems[b]).wait()

    for b in range(AHEAD):
        gather(b, b).start()

    LAG = NBUF - AHEAD

    def body(i, _):
        for b in range(NBUF):
            j = NBUF * i + b
            gather(j, b).wait()
            bn = (b + AHEAD) % NBUF

            @pl.when((j >= LAG) & (j + AHEAD < CPT))
            def _():
                scatter_wait(j - LAG, bn)

            @pl.when(j + AHEAD < CPT)
            def _():
                gather(j + AHEAD, bn).start()

            pltpu.async_copy(rows_v.at[b], acc_sh.at[dst_v.at[j]],
                             ssems[b], add=True)
        return 0
    lax.fori_loop(0, CPT // NBUF, body, 0)

    for b in range(NBUF):
        scatter_wait(CPT - NBUF + b, (CPT - NBUF + b) % NBUF)
    plsc.subcore_barrier()

    for t in range(NCHK):
        base = sid * RPT + t * K
        pltpu.make_async_copy(
            acc_sh.at[pl.ds(base, K)],
            out_hbm.at[pl.ds(base, K), pl.ds(cid * DH, DH)], gsems[0]).start()
    for t in range(NCHK):
        base = sid * RPT + t * K
        pltpu.make_async_copy(
            acc_sh.at[pl.ds(base, K)],
            out_hbm.at[pl.ds(base, K), pl.ds(cid * DH, DH)], gsems[0]).wait()


def _mm0_body(x_ref, w_ref, cs_ref, u_ref):
    ns = lax.rsqrt(jnp.maximum(cs_ref[0] + cs_ref[1], 1.0))
    h = x_ref[...] * ns
    u_ref[...] = jnp.dot(h, w_ref[...], preferred_element_type=jnp.float32)


def _finmm_body(agg_ref, b_ref, wn_ref, cs_ref, cd_ref, z_ref, un_ref):
    nd = lax.rsqrt(jnp.maximum(cd_ref[0] + cd_ref[1], 1.0))
    ns = lax.rsqrt(jnp.maximum(cs_ref[0] + cs_ref[1], 1.0))
    z = agg_ref[...] * nd + b_ref[...]
    z_ref[...] = z
    xn = jnp.maximum(z, 0.0) * ns
    un_ref[...] = jnp.dot(xn, wn_ref[...], preferred_element_type=jnp.float32)


_mm0 = pl.pallas_call(
    _mm0_body,
    out_shape=jax.ShapeDtypeStruct((NPAD, D), jnp.float32),
)

_finmm = pl.pallas_call(
    _finmm_body,
    out_shape=(
        jax.ShapeDtypeStruct((NPAD, D), jnp.float32),
        jax.ShapeDtypeStruct((NPAD, D), jnp.float32),
    ),
)


def kernel(features, edge_index, W1, b1, W2, b2):
    src = edge_index[0].astype(jnp.int32)
    dst = edge_index[1].astype(jnp.int32)
    pad_idx = N + (jnp.arange(EPAD - E, dtype=jnp.int32) % (NPAD - N))
    src_p = jnp.concatenate([src, pad_idx]).reshape(NW * CH, K)
    dst_p = jnp.concatenate([dst, pad_idx]).reshape(NW * CH, K)
    feats_p = jnp.pad(features, ((0, NPAD - N), (0, 0)))
    src2_p = jnp.stack([src_p * 2, src_p * 2 + 1])

    cnt = _count_kernel(src_p, dst_p)
    cs = cnt[:, 0, :, None]
    cd = cnt[:, 1, :, None]

    Ws = jnp.stack([W2, W2])
    bs = jnp.stack([b1.reshape(1, D), b2.reshape(1, D)])

    u1 = _mm0(feats_p, W1, cs)

    def layer(l, carry):
        u, _ = carry
        b = lax.dynamic_index_in_dim(bs, l, keepdims=False)
        wn = lax.dynamic_index_in_dim(Ws, l, keepdims=False)
        u_r = u.reshape(2 * NPAD, DH)
        agg = _agg_kernel(u_r, src2_p, dst_p)
        z, un = _finmm(agg, b, wn, cs, cd)
        return (un, z)

    _, z = lax.fori_loop(0, 2, layer, (u1, feats_p))
    return z[:N]

# --- scband reference (transcript-rebuilt; emitter-appended) ---
"""Pipeline reference for scband-gcn-18923625906892 (READ-ONLY COPY).

The authoritative reference and input builder live on the scoring server;
editing this copy changes nothing except your own understanding.
"""

import jax, jax.numpy as jnp
import numpy as np

N = 10000
E = 320000
D_IN = 128
D_HID = 128
D_OUT = 128


def setup_inputs(seed: int = 0) -> dict:
    key = jax.random.key(seed)
    k1, k2, k3, k4 = jax.random.split(key, 4)
    features = jax.random.normal(k1, (N, D_IN), dtype=jnp.float32)
    edge_index = jax.random.randint(k2, (2, E), 0, N, dtype=jnp.int64)
    W1 = jax.random.normal(k3, (D_IN, D_HID), dtype=jnp.float32) * 0.05
    b1 = jnp.zeros((D_HID,), dtype=jnp.float32)
    W2 = jax.random.normal(k4, (D_HID, D_OUT), dtype=jnp.float32) * 0.05
    b2 = jnp.zeros((D_OUT,), dtype=jnp.float32)
    return {"features": features, "edge_index": edge_index, "W1": W1, "b1": b1, "W2": W2, "b2": b2}


def reference(features, edge_index, W1, b1, W2, b2):
    # DGL GraphConv with norm='both':
    #   h = D_in^{-1/2} A D_out^{-1/2} X W + b, degrees clamped to min 1
    src = edge_index[0]
    dst = edge_index[1]
    deg_out = jnp.clip(jnp.bincount(src, length=N), 1, None).astype(jnp.float32)
    deg_in = jnp.clip(jnp.bincount(dst, length=N), 1, None).astype(jnp.float32)
    norm_src = jnp.power(deg_out, -0.5)
    norm_dst = jnp.power(deg_in, -0.5)

    def graph_conv(x, W, b):
        h = x * norm_src[:, None]
        msgs = jnp.take(h, src, axis=0)
        agg = jax.ops.segment_sum(msgs, dst, num_segments=N)
        h = agg * norm_dst[:, None]
        return h @ W + b

    x = graph_conv(features, W1, b1)
    x = jax.nn.relu(x)
    x = graph_conv(x, W2, b2)
    return x

if __name__ == "__main__":
    import jax
    _d = setup_inputs()
    print(jax.jit(kernel)(*tuple(_d.values())))

</pallas_src>

<mosaic_0001>
#map = affine_map<(d0, d1) -> (0, 0)>
#map1 = affine_map<(d0, d1) -> (0, 0, 0)>
module attributes {stable_mosaic.version = 14 : i64} {
  func.func @_count_kernel(%arg0: i32, %arg1: i32, %arg2: memref<2560x128xi32, #tpu.memory_space<hbm>>, %arg3: memref<2560x128xi32, #tpu.memory_space<hbm>>, %arg4: memref<2x2x10240xf32, #tpu.memory_space<hbm>>, %arg5: memref<80x128xi32, #tpu.memory_space<vmem>>, %arg6: memref<80x128xi32, #tpu.memory_space<vmem>>, %arg7: memref<128xf32, #tpu.memory_space<vmem>>, %arg8: memref<640xf32, #tpu.memory_space<vmem>>, %arg9: memref<10240xf32, #tpu.memory_space<vmem_shared>>, %arg10: memref<10240xf32, #tpu.memory_space<vmem_shared>>, %arg11: memref<!tpu.dma_semaphore, #tpu.memory_space<semaphore_mem>>, %arg12: memref<!tpu.dma_semaphore, #tpu.memory_space<semaphore_mem>>) attributes {dimension_semantics = [#tpu.dimension_semantics<core_parallel>, #tpu.dimension_semantics<subcore_parallel>], iteration_bounds = array<i64: 2, 16>, scalar_prefetch = 0 : i64, scratch_operands = 8 : i64, tpu.core_type = #tpu.core_type<sc_vector_subcore>, window_params = [{transform_indices = #map}, {transform_indices = #map}, {transform_indices = #map1}]} {
    %mul3A = arith.constant 16 : i32
    %mul3A_0 = arith.muli %arg0, %mul3A : i32
    %add3A = arith.addi %mul3A_0, %arg1 : i32
    %mul3A_1 = arith.constant 80 : i32
    %mul3A_2 = arith.muli %add3A, %mul3A_1 : i32
    "tpu.region"() ({
      %run_scoped3A_124 = tpu.sem_alloc : memref<!tpu.dma_semaphore, #tpu.memory_space<semaphore_mem>>
      %dma_start3A_125 = arith.constant 0 : i32
      %dma_start3A_126 = tpu.memref_slice %arg2[%mul3A_2, %dma_start3A_125] : memref<2560x128xi32, #tpu.memory_space<hbm>> -> memref<80x128xi32, #tpu.memory_space<hbm>>
      %dma_start3A_127 = arith.constant 0 : i32
      %dma_start3A_128 = tpu.memref_slice %arg2[%mul3A_2, %dma_start3A_127] : memref<2560x128xi32, #tpu.memory_space<hbm>> -> memref<80x128xi32, #tpu.memory_space<hbm>>
      tpu.enqueue_dma source(%dma_start3A_128 : memref<80x128xi32, #tpu.memory_space<hbm>>) target(%arg5 : memref<80x128xi32, #tpu.memory_space<vmem>>) target_semaphore(%run_scoped3A_124 : memref<!tpu.dma_semaphore, #tpu.memory_space<semaphore_mem>>)
      %dma_wait3A = arith.constant 0 : i32
      %dma_wait3A_129 = tpu.memref_slice %arg2[%mul3A_2, %dma_wait3A] : memref<2560x128xi32, #tpu.memory_space<hbm>> -> memref<80x128xi32, #tpu.memory_space<hbm>>
      %dma_wait3A_130 = arith.constant 0 : i32
      %dma_wait3A_131 = tpu.memref_slice %arg2[%mul3A_2, %dma_wait3A_130] : memref<2560x128xi32, #tpu.memory_space<hbm>> -> memref<80x128xi32, #tpu.memory_space<hbm>>
      tpu.wait_dma2 semaphore(%run_scoped3A_124 : memref<!tpu.dma_semaphore, #tpu.memory_space<semaphore_mem>>) src(%dma_wait3A_131 : memref<80x128xi32, #tpu.memory_space<hbm>>) dst(%arg5 : memref<80x128xi32, #tpu.memory_space<vmem>>)
      tpu.yield
    }) : () -> ()
    %mul3A_3 = arith.constant 80 : i32
    %mul3A_4 = arith.muli %add3A, %mul3A_3 : i32
    "tpu.region"() ({
      %run_scoped3A_124 = tpu.sem_alloc : memref<!tpu.dma_semaphore, #tpu.memory_space<semaphore_mem>>
      %dma_start3A_125 = arith.constant 0 : i32
      %dma_start3A_126 = tpu.memref_slice %arg3[%mul3A_4, %dma_start3A_125] : memref<2560x128xi32, #tpu.memory_space<hbm>> -> memref<80x128xi32, #tpu.memory_space<hbm>>
      %dma_start3A_127 = arith.constant 0 : i32
      %dma_start3A_128 = tpu.memref_slice %arg3[%mul3A_4, %dma_start3A_127] : memref<2560x128xi32, #tpu.memory_space<hbm>> -> memref<80x128xi32, #tpu.memory_space<hbm>>
      tpu.enqueue_dma source(%dma_start3A_128 : memref<80x128xi32, #tpu.memory_space<hbm>>) target(%arg6 : memref<80x128xi32, #tpu.memory_space<vmem>>) target_semaphore(%run_scoped3A_124 : memref<!tpu.dma_semaphore, #tpu.memory_space<semaphore_mem>>)
      %dma_wait3A = arith.constant 0 : i32
      %dma_wait3A_129 = tpu.memref_slice %arg3[%mul3A_4, %dma_wait3A] : memref<2560x128xi32, #tpu.memory_space<hbm>> -> memref<80x128xi32, #tpu.memory_space<hbm>>
      %dma_wait3A_130 = arith.constant 0 : i32
      %dma_wait3A_131 = tpu.memref_slice %arg3[%mul3A_4, %dma_wait3A_130] : memref<2560x128xi32, #tpu.memory_space<hbm>> -> memref<80x128xi32, #tpu.memory_space<hbm>>
      tpu.wait_dma2 semaphore(%run_scoped3A_124 : memref<!tpu.dma_semaphore, #tpu.memory_space<semaphore_mem>>) src(%dma_wait3A_131 : memref<80x128xi32, #tpu.memory_space<hbm>>) dst(%arg6 : memref<80x128xi32, #tpu.memory_space<vmem>>)
      tpu.yield
    }) : () -> ()
    %scan3A = arith.constant 0 : i32
    %scan3A_5 = arith.constant 0 : i32
    %scan3A_6 = arith.constant 8 : i32
    %scan3A_7 = arith.addi %scan3A_5, %scan3A_6 : i32
    %scan3A_8 = arith.constant 1 : i32
    %scan3A_9 = scf.for %scan3A_124 = %scan3A_5 to %scan3A_7 step %scan3A_8 iter_args(%scan3A_125 = %scan3A) -> (i32)  : i32 {
      %broadcast_in_dim3A = arith.constant 1.000000e+00 : f32
      %broadcast_in_dim3A_126 = vector.broadcast %broadcast_in_dim3A : f32 to vector<16xf32>
      %mul3A_127 = arith.constant 16 : i32
      %mul3A_128 = arith.muli %scan3A_124, %mul3A_127 : i32
      %swap3A = arith.index_cast %mul3A_128 : i32 to index
      %swap3A_129 = tpu.vector_load %arg7[%swap3A] {strides = array<i32>} : memref<128xf32, #tpu.memory_space<vmem>>, vector<16xf32>,
      %swap3A_130 = vector.shape_cast %swap3A_129 : vector<16xf32> to vector<16xf32>
      %swap3A_131 = vector.shape_cast %broadcast_in_dim3A_126 : vector<16xf32> to vector<16xf32>
      tpu.vector_store %arg7[%swap3A], %swap3A_131 {strides = array<i32>} : memref<128xf32, #tpu.memory_space<vmem>>, vector<16xf32>,
      %scan3A_132 = arith.constant 0 : i32
      scf.yield %scan3A_132 : i32
    }
    %scan3A_10 = arith.constant 8 : i32
    %scan3A_11 = arith.constant 0 : i32
    %scan3A_12 = arith.constant 0 : i32
    %scan3A_13 = arith.constant 40 : i32
    %scan3A_14 = arith.addi %scan3A_12, %scan3A_13 : i32
    %scan3A_15 = arith.constant 1 : i32
    %scan3A_16 = scf.for %scan3A_124 = %scan3A_12 to %scan3A_14 step %scan3A_15 iter_args(%scan3A_125 = %scan3A_11) -> (i32)  : i32 {
      %broadcast_in_dim3A = arith.constant 0.000000e+00 : f32
      %broadcast_in_dim3A_126 = vector.broadcast %broadcast_in_dim3A : f32 to vector<16xf32>
      %mul3A_127 = arith.constant 16 : i32
      %mul3A_128 = arith.muli %scan3A_124, %mul3A_127 : i32
      %swap3A = arith.index_cast %mul3A_128 : i32 to index
      %swap3A_129 = tpu.vector_load %arg8[%swap3A] {strides = array<i32>} : memref<640xf32, #tpu.memory_space<vmem>>, vector<16xf32>,
      %swap3A_130 = vector.shape_cast %swap3A_129 : vector<16xf32> to vector<16xf32>
      %swap3A_131 = vector.shape_cast %broadcast_in_dim3A_126 : vector<16xf32> to vector<16xf32>
      tpu.vector_store %arg8[%swap3A], %swap3A_131 {strides = array<i32>} : memref<640xf32, #tpu.memory_space<vmem>>, vector<16xf32>,
      %scan3A_132 = arith.constant 0 : i32
      scf.yield %scan3A_132 : i32
    }
    %scan3A_17 = arith.constant 40 : i32
    %mul3A_18 = arith.constant 640 : i32
    %mul3A_19 = arith.muli %arg1, %mul3A_18 : i32
    "tpu.region"() ({
      %run_scoped3A_124 = tpu.sem_alloc : memref<!tpu.dma_semaphore, #tpu.memory_space<semaphore_mem>>
      %dma_start3A_125 = tpu.memref_slice %arg9[%mul3A_19] : memref<10240xf32, #tpu.memory_space<vmem_shared>> -> memref<640xf32, #tpu.memory_space<vmem_shared>>
      %dma_start3A_126 = tpu.memref_slice %arg9[%mul3A_19] : memref<10240xf32, #tpu.memory_space<vmem_shared>> -> memref<640xf32, #tpu.memory_space<vmem_shared>>
      tpu.enqueue_dma source(%arg8 : memref<640xf32, #tpu.memory_space<vmem>>) target(%dma_start3A_126 : memref<640xf32, #tpu.memory_space<vmem_shared>>) target_semaphore(%run_scoped3A_124 : memref<!tpu.dma_semaphore, #tpu.memory_space<semaphore_mem>>)
      %dma_wait3A = tpu.memref_slice %arg9[%mul3A_19] : memref<10240xf32, #tpu.memory_space<vmem_shared>> -> memref<640xf32, #tpu.memory_space<vmem_shared>>
      %dma_wait3A_127 = tpu.memref_slice %arg9[%mul3A_19] : memref<10240xf32, #tpu.memory_space<vmem_shared>> -> memref<640xf32, #tpu.memory_space<vmem_shared>>
      tpu.wait_dma2 semaphore(%run_scoped3A_124 : memref<!tpu.dma_semaphore, #tpu.memory_space<semaphore_mem>>) src(%arg8 : memref<640xf32, #tpu.memory_space<vmem>>) dst(%dma_wait3A_127 : memref<640xf32, #tpu.memory_space<vmem_shared>>)
      tpu.yield
    }) : () -> ()
    "tpu.region"() ({
      %run_scoped3A_124 = tpu.sem_alloc : memref<!tpu.dma_semaphore, #tpu.memory_space<semaphore_mem>>
      %dma_start3A_125 = tpu.memref_slice %arg10[%mul3A_19] : memref<10240xf32, #tpu.memory_space<vmem_shared>> -> memref<640xf32, #tpu.memory_space<vmem_shared>>
      %dma_start3A_126 = tpu.memref_slice %arg10[%mul3A_19] : memref<10240xf32, #tpu.memory_space<vmem_shared>> -> memref<640xf32, #tpu.memory_space<vmem_shared>>
      tpu.enqueue_dma source(%arg8 : memref<640xf32, #tpu.memory_space<vmem>>) target(%dma_start3A_126 : memref<640xf32, #tpu.memory_space<vmem_shared>>) target_semaphore(%run_scoped3A_124 : memref<!tpu.dma_semaphore, #tpu.memory_space<semaphore_mem>>)
      %dma_wait3A = tpu.memref_slice %arg10[%mul3A_19] : memref<10240xf32, #tpu.memory_space<vmem_shared>> -> memref<640xf32, #tpu.memory_space<vmem_shared>>
      %dma_wait3A_127 = tpu.memref_slice %arg10[%mul3A_19] : memref<10240xf32, #tpu.memory_space<vmem_shared>> -> memref<640xf32, #tpu.memory_space<vmem_shared>>
      tpu.wait_dma2 semaphore(%run_scoped3A_124 : memref<!tpu.dma_semaphore, #tpu.memory_space<semaphore_mem>>) src(%arg8 : memref<640xf32, #tpu.memory_space<vmem>>) dst(%dma_wait3A_127 : memref<640xf32, #tpu.memory_space<vmem_shared>>)
      tpu.yield
    }) : () -> ()
    %barrier3A = arith.constant 0 : index
    tpu.barrier barrier_id(%barrier3A)
    %dma_start3A = arith.constant 0 : i32
    %dma_start3A_20 = arith.constant 0 : i32
    %dma_start3A_21 = tpu.memref_slice %arg5[%dma_start3A, %dma_start3A_20] : memref<80x128xi32, #tpu.memory_space<vmem>> -> memref<1x128xi32, #tpu.memory_space<vmem>>
    %dma_start3A_22 = tpu.memref_squeeze %dma_start3A_21 : memref<1x128xi32, #tpu.memory_space<vmem>> -> memref<128xi32, #tpu.memory_space<vmem>>
    %dma_start3A_23 = arith.constant 0 : i32
    %dma_start3A_24 = tpu.memref_slice %arg9[%dma_start3A_23] : memref<10240xf32, #tpu.memory_space<vmem_shared>> -> memref<10240xf32, #tpu.memory_space<vmem_shared>>
    tpu.enqueue_indirect_dma source(%arg7 : memref<128xf32, #tpu.memory_space<vmem>>) target(%dma_start3A_24 : memref<10240xf32, #tpu.memory_space<vmem_shared>>) offsets(%dma_start3A_22 : memref<128xi32, #tpu.memory_space<vmem>>) semaphore(%arg11 : memref<!tpu.dma_semaphore, #tpu.memory_space<semaphore_mem>>) {add = true}
    %dma_start3A_25 = arith.constant 0 : i32
    %dma_start3A_26 = arith.constant 0 : i32
    %dma_start3A_27 = tpu.memref_slice %arg6[%dma_start3A_25, %dma_start3A_26] : memref<80x128xi32, #tpu.memory_space<vmem>> -> memref<1x128xi32, #tpu.memory_space<vmem>>
    %dma_start3A_28 = tpu.memref_squeeze %dma_start3A_27 : memref<1x128xi32, #tpu.memory_space<vmem>> -> memref<128xi32, #tpu.memory_space<vmem>>
    %dma_start3A_29 = arith.constant 0 : i32
    %dma_start3A_30 = tpu.memref_slice %arg10[%dma_start3A_29] : memref<10240xf32, #tpu.memory_space<vmem_shared>> -> memref<10240xf32, #tpu.memory_space<vmem_shared>>
    tpu.enqueue_indirect_dma source(%arg7 : memref<128xf32, #tpu.memory_space<vmem>>) target(%dma_start3A_30 : memref<10240xf32, #tpu.memory_space<vmem_shared>>) offsets(%dma_start3A_28 : memref<128xi32, #tpu.memory_space<vmem>>) semaphore(%arg12 : memref<!tpu.dma_semaphore, #tpu.memory_space<semaphore_mem>>) {add = true}
    %dma_start3A_31 = arith.constant 1 : i32
    %dma_start3A_32 = arith.constant 0 : i32
    %dma_start3A_33 = tpu.memref_slice %arg5[%dma_start3A_31, %dma_start3A_32] : memref<80x128xi32, #tpu.memory_space<vmem>> -> memref<1x128xi32, #tpu.memory_space<vmem>>
    %dma_start3A_34 = tpu.memref_squeeze %dma_start3A_33 : memref<1x128xi32, #tpu.memory_space<vmem>> -> memref<128xi32, #tpu.memory_space<vmem>>
    %dma_start3A_35 = arith.constant 0 : i32
    %dma_start3A_36 = tpu.memref_slice %arg9[%dma_start3A_35] : memref<10240xf32, #tpu.memory_space<vmem_shared>> -> memref<10240xf32, #tpu.memory_space<vmem_shared>>
    tpu.enqueue_indirect_dma source(%arg7 : memref<128xf32, #tpu.memory_space<vmem>>) target(%dma_start3A_36 : memref<10240xf32, #tpu.memory_space<vmem_shared>>) offsets(%dma_start3A_34 : memref<128xi32, #tpu.memory_space<vmem>>) semaphore(%arg11 : memref<!tpu.dma_semaphore, #tpu.memory_space<semaphore_mem>>) {add = true}
    %dma_start3A_37 = arith.constant 1 : i32
    %dma_start3A_38 = arith.constant 0 : i32
    %dma_start3A_39 = tpu.memref_slice %arg6[%dma_start3A_37, %dma_start3A_38] : memref<80x128xi32, #tpu.memory_space<vmem>> -> memref<1x128xi32, #tpu.memory_space<vmem>>
    %dma_start3A_40 = tpu.memref_squeeze %dma_start3A_39 : memref<1x128xi32, #tpu.memory_space<vmem>> -> memref<128xi32, #tpu.memory_space<vmem>>
    %dma_start3A_41 = arith.constant 0 : i32
    %dma_start3A_42 = tpu.memref_slice %arg10[%dma_start3A_41] : memref<10240xf32, #tpu.memory_space<vmem_shared>> -> memref<10240xf32, #tpu.memory_space<vmem_shared>>
    tpu.enqueue_indirect_dma source(%arg7 : memref<128xf32, #tpu.memory_space<vmem>>) target(%dma_start3A_42 : memref<10240xf32, #tpu.memory_space<vmem_shared>>) offsets(%dma_start3A_40 : memref<128xi32, #tpu.memory_space<vmem>>) semaphore(%arg12 : memref<!tpu.dma_semaphore, #tpu.memory_space<semaphore_mem>>) {add = true}
    %dma_start3A_43 = arith.constant 2 : i32
    %dma_start3A_44 = arith.constant 0 : i32
    %dma_start3A_45 = tpu.memref_slice %arg5[%dma_start3A_43, %dma_start3A_44] : memref<80x128xi32, #tpu.memory_space<vmem>> -> memref<1x128xi32, #tpu.memory_space<vmem>>
    %dma_start3A_46 = tpu.memref_squeeze %dma_start3A_45 : memref<1x128xi32, #tpu.memory_space<vmem>> -> memref<128xi32, #tpu.memory_space<vmem>>
    %dma_start3A_47 = arith.constant 0 : i32
    %dma_start3A_48 = tpu.memref_slice %arg9[%dma_start3A_47] : memref<10240xf32, #tpu.memory_space<vmem_shared>> -> memref<10240xf32, #tpu.memory_space<vmem_shared>>
    tpu.enqueue_indirect_dma source(%arg7 : memref<128xf32, #tpu.memory_space<vmem>>) target(%dma_start3A_48 : memref<10240xf32, #tpu.memory_space<vmem_shared>>) offsets(%dma_start3A_46 : memref<128xi32, #tpu.memory_space<vmem>>) semaphore(%arg11 : memref<!tpu.dma_semaphore, #tpu.memory_space<semaphore_mem>>) {add = true}
    %dma_start3A_49 = arith.constant 2 : i32
    %dma_start3A_50 = arith.constant 0 : i32
    %dma_start3A_51 = tpu.memref_slice %arg6[%dma_start3A_49, %dma_start3A_50] : memref<80x128xi32, #tpu.memory_space<vmem>> -> memref<1x128xi32, #tpu.memory_space<vmem>>
    %dma_start3A_52 = tpu.memref_squeeze %dma_start3A_51 : memref<1x128xi32, #tpu.memory_space<vmem>> -> memref<128xi32, #tpu.memory_space<vmem>>
    %dma_start3A_53 = arith.constant 0 : i32
    %dma_start3A_54 = tpu.memref_slice %arg10[%dma_start3A_53] : memref<10240xf32, #tpu.memory_space<vmem_shared>> -> memref<10240xf32, #tpu.memory_space<vmem_shared>>
    tpu.enqueue_indirect_dma source(%arg7 : memref<128xf32, #tpu.memory_space<vmem>>) target(%dma_start3A_54 : memref<10240xf32, #tpu.memory_space<vmem_shared>>) offsets(%dma_start3A_52 : memref<128xi32, #tpu.memory_space<vmem>>) semaphore(%arg12 : memref<!tpu.dma_semaphore, #tpu.memory_space<semaphore_mem>>) {add = true}
    %dma_start3A_55 = arith.constant 3 : i32
    %dma_start3A_56 = arith.constant 0 : i32
    %dma_start3A_57 = tpu.memref_slice %arg5[%dma_start3A_55, %dma_start3A_56] : memref<80x128xi32, #tpu.memory_space<vmem>> -> memref<1x128xi32, #tpu.memory_space<vmem>>
    %dma_start3A_58 = tpu.memref_squeeze %dma_start3A_57 : memref<1x128xi32, #tpu.memory_space<vmem>> -> memref<128xi32, #tpu.memory_space<vmem>>
    %dma_start3A_59 = arith.constant 0 : i32
    %dma_start3A_60 = tpu.memref_slice %arg9[%dma_start3A_59] : memref<10240xf32, #tpu.memory_space<vmem_shared>> -> memref<10240xf32, #tpu.memory_space<vmem_shared>>
    tpu.enqueue_indirect_dma source(%arg7 : memref<128xf32, #tpu.memory_space<vmem>>) target(%dma_start3A_60 : memref<10240xf32, #tpu.memory_space<vmem_shared>>) offsets(%dma_start3A_58 : memref<128xi32, #tpu.memory_space<vmem>>) semaphore(%arg11 : memref<!tpu.dma_semaphore, #tpu.memory_space<semaphore_mem>>) {add = true}
    %dma_start3A_61 = arith.constant 3 : i32
    %dma_start3A_62 = arith.constant 0 : i32
    %dma_start3A_63 = tpu.memref_slice %arg6[%dma_start3A_61, %dma_start3A_62] : memref<80x128xi32, #tpu.memory_space<vmem>> -> memref<1x128xi32, #tpu.memory_space<vmem>>
    %dma_start3A_64 = tpu.memref_squeeze %dma_start3A_63 : memref<1x128xi32, #tpu.memory_space<vmem>> -> memref<128xi32, #tpu.memory_space<vmem>>
    %dma_start3A_65 = arith.constant 0 : i32
    %dma_start3A_66 = tpu.memref_slice %arg10[%dma_start3A_65] : memref<10240xf32, #tpu.memory_space<vmem_shared>> -> memref<10240xf32, #tpu.memory_space<vmem_shared>>
    tpu.enqueue_indirect_dma source(%arg7 : memref<128xf32, #tpu.memory_space<vmem>>) target(%dma_start3A_66 : memref<10240xf32, #tpu.memory_space<vmem_shared>>) offsets(%dma_start3A_64 : memref<128xi32, #tpu.memory_space<vmem>>) semaphore(%arg12 : memref<!tpu.dma_semaphore, #tpu.memory_space<semaphore_mem>>) {add = true}
    %dma_start3A_67 = arith.constant 4 : i32
    %dma_start3A_68 = arith.constant 0 : i32
    %dma_start3A_69 = tpu.memref_slice %arg5[%dma_start3A_67, %dma_start3A_68] : memref<80x128xi32, #tpu.memory_space<vmem>> -> memref<1x128xi32, #tpu.memory_space<vmem>>
    %dma_start3A_70 = tpu.memref_squeeze %dma_start3A_69 : memref<1x128xi32, #tpu.memory_space<vmem>> -> memref<128xi32, #tpu.memory_space<vmem>>
    %dma_start3A_71 = arith.constant 0 : i32
    %dma_start3A_72 = tpu.memref_slice %arg9[%dma_start3A_71] : memref<10240xf32, #tpu.memory_space<vmem_shared>> -> memref<10240xf32, #tpu.memory_space<vmem_shared>>
    tpu.enqueue_indirect_dma source(%arg7 : memref<128xf32, #tpu.memory_space<vmem>>) target(%dma_start3A_72 : memref<10240xf32, #tpu.memory_space<vmem_shared>>) offsets(%dma_start3A_70 : memref<128xi32, #tpu.memory_space<vmem>>) semaphore(%arg11 : memref<!tpu.dma_semaphore, #tpu.memory_space<semaphore_mem>>) {add = true}
    %dma_start3A_73 = arith.constant 4 : i32
    %dma_start3A_74 = arith.constant 0 : i32
    %dma_start3A_75 = tpu.memref_slice %arg6[%dma_start3A_73, %dma_start3A_74] : memref<80x128xi32, #tpu.memory_space<vmem>> -> memref<1x128xi32, #tpu.memory_space<vmem>>
    %dma_start3A_76 = tpu.memref_squeeze %dma_start3A_75 : memref<1x128xi32, #tpu.memory_space<vmem>> -> memref<128xi32, #tpu.memory_space<vmem>>
    %dma_start3A_77 = arith.constant 0 : i32
    %dma_start3A_78 = tpu.memref_slice %arg10[%dma_start3A_77] : memref<10240xf32, #tpu.memory_space<vmem_shared>> -> memref<10240xf32, #tpu.memory_space<vmem_shared>>
    tpu.enqueue_indirect_dma source(%arg7 : memref<128xf32, #tpu.memory_space<vmem>>) target(%dma_start3A_78 : memref<10240xf32, #tpu.memory_space<vmem_shared>>) offsets(%dma_start3A_76 : memref<128xi32, #tpu.memory_space<vmem>>) semaphore(%arg12 : memref<!tpu.dma_semaphore, #tpu.memory_space<semaphore_mem>>) {add = true}
    %dma_start3A_79 = arith.constant 5 : i32
    %dma_start3A_80 = arith.constant 0 : i32
    %dma_start3A_81 = tpu.memref_slice %arg5[%dma_start3A_79, %dma_start3A_80] : memref<80x128xi32, #tpu.memory_space<vmem>> -> memref<1x128xi32, #tpu.memory_space<vmem>>
    %dma_start3A_82 = tpu.memref_squeeze %dma_start3A_81 : memref<1x128xi32, #tpu.memory_space<vmem>> -> memref<128xi32, #tpu.memory_space<vmem>>
    %dma_start3A_83 = arith.constant 0 : i32
    %dma_start3A_84 = tpu.memref_slice %arg9[%dma_start3A_83] : memref<10240xf32, #tpu.memory_space<vmem_shared>> -> memref<10240xf32, #tpu.memory_space<vmem_shared>>
    tpu.enqueue_indirect_dma source(%arg7 : memref<128xf32, #tpu.memory_space<vmem>>) target(%dma_start3A_84 : memref<10240xf32, #tpu.memory_space<vmem_shared>>) offsets(%dma_start3A_82 : memref<128xi32, #tpu.memory_space<vmem>>) semaphore(%arg11 : memref<!tpu.dma_semaphore, #tpu.memory_space<semaphore_mem>>) {add = true}
    %dma_start3A_85 = arith.constant 5 : i32
    %dma_start3A_86 = arith.constant 0 : i32
    %dma_start3A_87 = tpu.memref_slice %arg6[%dma_start3A_85, %dma_start3A_86] : memref<80x128xi32, #tpu.memory_space<vmem>> -> memref<1x128xi32, #tpu.memory_space<vmem>>
    %dma_start3A_88 = tpu.memref_squeeze %dma_start3A_87 : memref<1x128xi32, #tpu.memory_space<vmem>> -> memref<128xi32, #tpu.memory_space<vmem>>
    %dma_start3A_89 = arith.constant 0 : i32
    %dma_start3A_90 = tpu.memref_slice %arg10[%dma_start3A_89] : memref<10240xf32, #tpu.memory_space<vmem_shared>> -> memref<10240xf32, #tpu.memory_space<vmem_shared>>
    tpu.enqueue_indirect_dma source(%arg7 : memref<128xf32, #tpu.memory_space<vmem>>) target(%dma_start3A_90 : memref<10240xf32, #tpu.memory_space<vmem_shared>>) offsets(%dma_start3A_88 : memref<128xi32, #tpu.memory_space<vmem>>) semaphore(%arg12 : memref<!tpu.dma_semaphore, #tpu.memory_space<semaphore_mem>>) {add = true}
    %dma_start3A_91 = arith.constant 6 : i32
    %dma_start3A_92 = arith.constant 0 : i32
    %dma_start3A_93 = tpu.memref_slice %arg5[%dma_start3A_91, %dma_start3A_92] : memref<80x128xi32, #tpu.memory_space<vmem>> -> memref<1x128xi32, #tpu.memory_space<vmem>>
    %dma_start3A_94 = tpu.memref_squeeze %dma_start3A_93 : memref<1x128xi32, #tpu.memory_space<vmem>> -> memref<128xi32, #tpu.memory_space<vmem>>
    %dma_start3A_95 = arith.constant 0 : i32
    %dma_start3A_96 = tpu.memref_slice %arg9[%dma_start3A_95] : memref<10240xf32, #tpu.memory_space<vmem_shared>> -> memref<10240xf32, #tpu.memory_space<vmem_shared>>
    tpu.enqueue_indirect_dma source(%arg7 : memref<128xf32, #tpu.memory_space<vmem>>) target(%dma_start3A_96 : memref<10240xf32, #tpu.memory_space<vmem_shared>>) offsets(%dma_start3A_94 : memref<128xi32, #tpu.memory_space<vmem>>) semaphore(%arg11 : memref<!tpu.dma_semaphore, #tpu.memory_space<semaphore_mem>>) {add = true}
    %dma_start3A_97 = arith.constant 6 : i32
    %dma_start3A_98 = arith.constant 0 : i32
    %dma_start3A_99 = tpu.memref_slice %arg6[%dma_start3A_97, %dma_start3A_98] : memref<80x128xi32, #tpu.memory_space<vmem>> -> memref<1x128xi32, #tpu.memory_space<vmem>>
    %dma_start3A_100 = tpu.memref_squeeze %dma_start3A_99 : memref<1x128xi32, #tpu.memory_space<vmem>> -> memref<128xi32, #tpu.memory_space<vmem>>
    %dma_start3A_101 = arith.constant 0 : i32
    %dma_start3A_102 = tpu.memref_slice %arg10[%dma_start3A_101] : memref<10240xf32, #tpu.memory_space<vmem_shared>> -> memref<10240xf32, #tpu.memory_space<vmem_shared>>
    tpu.enqueue_indirect_dma source(%arg7 : memref<128xf32, #tpu.memory_space<vmem>>) target(%dma_start3A_102 : memref<10240xf32, #tpu.memory_space<vmem_shared>>) offsets(%dma_start3A_100 : memref<128xi32, #tpu.memory_space<vmem>>) semaphore(%arg12 : memref<!tpu.dma_semaphore, #tpu.memory_space<semaphore_mem>>) {add = true}
    %dma_start3A_103 = arith.constant 7 : i32
    %dma_start3A_104 = arith.constant 0 : i32
    %dma_start3A_105 = tpu.memref_slice %arg5[%dma_start3A_103, %dma_start3A_104] : memref<80x128xi32, #tpu.memory_space<vmem>> -> memref<1x128xi32, #tpu.memory_space<vmem>>
    %dma_start3A_106 = tpu.memref_squeeze %dma_start3A_105 : memref<1x128xi32, #tpu.memory_space<vmem>> -> memref<128xi32, #tpu.memory_space<vmem>>
    %dma_start3A_107 = arith.constant 0 : i32
    %dma_start3A_108 = tpu.memref_slice %arg9[%dma_start3A_107] : memref<10240xf32, #tpu.memory_space<vmem_shared>> -> memref<10240xf32, #tpu.memory_space<vmem_shared>>
    tpu.enqueue_indirect_dma source(%arg7 : memref<128xf32, #tpu.memory_space<vmem>>) target(%dma_start3A_108 : memref<10240xf32, #tpu.memory_space<vmem_shared>>) offsets(%dma_start3A_106 : memref<128xi32, #tpu.memory_space<vmem>>) semaphore(%arg11 : memref<!tpu.dma_semaphore, #tpu.memory_space<semaphore_mem>>) {add = true}
    %dma_start3A_109 = arith.constant 7 : i32
    %dma_start3A_110 = arith.constant 0 : i32
    %dma_start3A_111 = tpu.memref_slice %arg6[%dma_start3A_109, %dma_start3A_110] : memref<80x128xi32, #tpu.memory_space<vmem>> -> memref<1x128xi32, #tpu.memory_space<vmem>>
    %dma_start3A_112 = tpu.memref_squeeze %dma_start3A_111 : memref<1x128xi32, #tpu.memory_space<vmem>> -> memref<128xi32, #tpu.memory_space<vmem>>
    %dma_start3A_113 = arith.constant 0 : i32
    %dma_start3A_114 = tpu.memref_slice %arg10[%dma_start3A_113] : memref<10240xf32, #tpu.memory_space<vmem_shared>> -> memref<10240xf32, #tpu.memory_space<vmem_shared>>
    tpu.enqueue_indirect_dma source(%arg7 : memref<128xf32, #tpu.memory_space<vmem>>) target(%dma_start3A_114 : memref<10240xf32, #tpu.memory_space<vmem_shared>>) offsets(%dma_start3A_112 : memref<128xi32, #tpu.memory_space<vmem>>) semaphore(%arg12 : memref<!tpu.dma_semaphore, #tpu.memory_space<semaphore_mem>>) {add = true}
    %scan3A_115 = arith.constant 0 : i32
    %scan3A_116 = arith.constant 0 : i32
    %scan3A_117 = arith.constant 10 : i32
    %scan3A_118 = arith.addi %scan3A_116, %scan3A_117 : i32
    %scan3A_119 = arith.constant 1 : i32
    %scan3A_120 = scf.for %scan3A_124 = %scan3A_116 to %scan3A_118 step %scan3A_119 iter_args(%scan3A_125 = %scan3A_115) -> (i32)  : i32 {
      %add3A_126 = arith.constant 1 : i32
      %add3A_127 = arith.addi %scan3A_124, %add3A_126 : i32
      %lt3A = arith.constant 10 : i32
      %lt3A_128 = arith.cmpi slt, %add3A_127, %lt3A : i32
      %convert_element_type3A = arith.extui %lt3A_128 : i1 to i32
      %cond3A = arith.constant 0 : i32
      %cond3A_129 = arith.cmpi ne, %convert_element_type3A, %cond3A : i32
      scf.if %cond3A_129 {
        %add3A_242 = arith.constant 1 : i32
        %add3A_243 = arith.addi %scan3A_124, %add3A_242 : i32
        %mul3A_244 = arith.constant 8 : i32
        %mul3A_245 = arith.muli %mul3A_244, %add3A_243 : i32
        %add3A_246 = arith.constant 0 : i32
        %add3A_247 = arith.addi %mul3A_245, %add3A_246 : i32
        %dma_start3A_248 = arith.constant 0 : i32
        %dma_start3A_249 = tpu.memref_slice %arg5[%add3A_247, %dma_start3A_248] : memref<80x128xi32, #tpu.memory_space<vmem>> -> memref<1x128xi32, #tpu.memory_space<vmem>>
        %dma_start3A_250 = tpu.memref_squeeze %dma_start3A_249 : memref<1x128xi32, #tpu.memory_space<vmem>> -> memref<128xi32, #tpu.memory_space<vmem>>
        %dma_start3A_251 = arith.constant 0 : i32
        %dma_start3A_252 = tpu.memref_slice %arg9[%dma_start3A_251] : memref<10240xf32, #tpu.memory_space<vmem_shared>> -> memref<10240xf32, #tpu.memory_space<vmem_shared>>
        tpu.enqueue_indirect_dma source(%arg7 : memref<128xf32, #tpu.memory_space<vmem>>) target(%dma_start3A_252 : memref<10240xf32, #tpu.memory_space<vmem_shared>>) offsets(%dma_start3A_250 : memref<128xi32, #tpu.memory_space<vmem>>) semaphore(%arg11 : memref<!tpu.dma_semaphore, #tpu.memory_space<semaphore_mem>>) {add = true}
        %dma_start3A_253 = arith.constant 0 : i32
        %dma_start3A_254 = tpu.memref_slice %arg6[%add3A_247, %dma_start3A_253] : memref<80x128xi32, #tpu.memory_space<vmem>> -> memref<1x128xi32, #tpu.memory_space<vmem>>
        %dma_start3A_255 = tpu.memref_squeeze %dma_start3A_254 : memref<1x128xi32, #tpu.memory_space<vmem>> -> memref<128xi32, #tpu.memory_space<vmem>>
        %dma_start3A_256 = arith.constant 0 : i32
        %dma_start3A_257 = tpu.memref_slice %arg10[%dma_start3A_256] : memref<10240xf32, #tpu.memory_space<vmem_shared>> -> memref<10240xf32, #tpu.memory_space<vmem_shared>>
        tpu.enqueue_indirect_dma source(%arg7 : memref<128xf32, #tpu.memory_space<vmem>>) target(%dma_start3A_257 : memref<10240xf32, #tpu.memory_space<vmem_shared>>) offsets(%dma_start3A_255 : memref<128xi32, #tpu.memory_space<vmem>>) semaphore(%arg12 : memref<!tpu.dma_semaphore, #tpu.memory_space<semaphore_mem>>) {add = true}
        %mul3A_258 = arith.constant 8 : i32
        %mul3A_259 = arith.muli %mul3A_258, %add3A_243 : i32
        %add3A_260 = arith.constant 1 : i32
        %add3A_261 = arith.addi %mul3A_259, %add3A_260 : i32
        %dma_start3A_262 = arith.constant 0 : i32
        %dma_start3A_263 = tpu.memref_slice %arg5[%add3A_261, %dma_start3A_262] : memref<80x128xi32, #tpu.memory_space<vmem>> -> memref<1x128xi32, #tpu.memory_space<vmem>>
        %dma_start3A_264 = tpu.memref_squeeze %dma_start3A_263 : memref<1x128xi32, #tpu.memory_space<vmem>> -> memref<128xi32, #tpu.memory_space<vmem>>
        %dma_start3A_265 = arith.constant 0 : i32
        %dma_start3A_266 = tpu.memref_slice %arg9[%dma_start3A_265] : memref<10240xf32, #tpu.memory_space<vmem_shared>> -> memref<10240xf32, #tpu.memory_space<vmem_shared>>
        tpu.enqueue_indirect_dma source(%arg7 : memref<128xf32, #tpu.memory_space<vmem>>) target(%dma_start3A_266 : memref<10240xf32, #tpu.memory_space<vmem_shared>>) offsets(%dma_start3A_264 : memref<128xi32, #tpu.memory_space<vmem>>) semaphore(%arg11 : memref<!tpu.dma_semaphore, #tpu.memory_space<semaphore_mem>>) {add = true}
        %dma_start3A_267 = arith.constant 0 : i32
        %dma_start3A_268 = tpu.memref_slice %arg6[%add3A_261, %dma_start3A_267] : memref<80x128xi32, #tpu.memory_space<vmem>> -> memref<1x128xi32, #tpu.memory_space<vmem>>
        %dma_start3A_269 = tpu.memref_squeeze %dma_start3A_268 : memref<1x128xi32, #tpu.memory_space<vmem>> -> memref<128xi32, #tpu.memory_space<vmem>>
        %dma_start3A_270 = arith.constant 0 : i32
        %dma_start3A_271 = tpu.memref_slice %arg10[%dma_start3A_270] : memref<10240xf32, #tpu.memory_space<vmem_shared>> -> memref<10240xf32, #tpu.memory_space<vmem_shared>>
        tpu.enqueue_indirect_dma source(%arg7 : memref<128xf32, #tpu.memory_space<vmem>>) target(%dma_start3A_271 : memref<10240xf32, #tpu.memory_space<vmem_shared>>) offsets(%dma_start3A_269 : memref<128xi32, #tpu.memory_space<vmem>>) semaphore(%arg12 : memref<!tpu.dma_semaphore, #tpu.memory_space<semaphore_mem>>) {add = true}
        %mul3A_272 = arith.constant 8 : i32
        %mul3A_273 = arith.muli %mul3A_272, %add3A_243 : i32
        %add3A_274 = arith.constant 2 : i32
        %add3A_275 = arith.addi %mul3A_273, %add3A_274 : i32
        %dma_start3A_276 = arith.constant 0 : i32
        %dma_start3A_277 = tpu.memref_slice %arg5[%add3A_275, %dma_start3A_276] : memref<80x128xi32, #tpu.memory_space<vmem>> -> memref<1x128xi32, #tpu.memory_space<vmem>>
        %dma_start3A_278 = tpu.memref_squeeze %dma_start3A_277 : memref<1x128xi32, #tpu.memory_space<vmem>> -> memref<128xi32, #tpu.memory_space<vmem>>
        %dma_start3A_279 = arith.constant 0 : i32
        %dma_start3A_280 = tpu.memref_slice %arg9[%dma_start3A_279] : memref<10240xf32, #tpu.memory_space<vmem_shared>> -> memref<10240xf32, #tpu.memory_space<vmem_shared>>
        tpu.enqueue_indirect_dma source(%arg7 : memref<128xf32, #tpu.memory_space<vmem>>) target(%dma_start3A_280 : memref<10240xf32, #tpu.memory_space<vmem_shared>>) offsets(%dma_start3A_278 : memref<128xi32, #tpu.memory_space<vmem>>) semaphore(%arg11 : memref<!tpu.dma_semaphore, #tpu.memory_space<semaphore_mem>>) {add = true}
        %dma_start3A_281 = arith.constant 0 : i32
        %dma_start3A_282 = tpu.memref_slice %arg6[%add3A_275, %dma_start3A_281] : memref<80x128xi32, #tpu.memory_space<vmem>> -> memref<1x128xi32, #tpu.memory_space<vmem>>
        %dma_start3A_283 = tpu.memref_squeeze %dma_start3A_282 : memref<1x128xi32, #tpu.memory_space<vmem>> -> memref<128xi32, #tpu.memory_space<vmem>>
        %dma_start3A_284 = arith.constant 0 : i32
        %dma_start3A_285 = tpu.memref_slice %arg10[%dma_start3A_284] : memref<10240xf32, #tpu.memory_space<vmem_shared>> -> memref<10240xf32, #tpu.memory_space<vmem_shared>>
        tpu.enqueue_indirect_dma source(%arg7 : memref<128xf32, #tpu.memory_space<vmem>>) target(%dma_start3A_285 : memref<10240xf32, #tpu.memory_space<vmem_shared>>) offsets(%dma_start3A_283 : memref<128xi32, #tpu.memory_space<vmem>>) semaphore(%arg12 : memref<!tpu.dma_semaphore, #tpu.memory_space<semaphore_mem>>) {add = true}
        %mul3A_286 = arith.constant 8 : i32
        %mul3A_287 = arith.muli %mul3A_286, %add3A_243 : i32
        %add3A_288 = arith.constant 3 : i32
        %add3A_289 = arith.addi %mul3A_287, %add3A_288 : i32
        %dma_start3A_290 = arith.constant 0 : i32
        %dma_start3A_291 = tpu.memref_slice %arg5[%add3A_289, %dma_start3A_290] : memref<80x128xi32, #tpu.memory_space<vmem>> -> memref<1x128xi32, #tpu.memory_space<vmem>>
        %dma_start3A_292 = tpu.memref_squeeze %dma_start3A_291 : memref<1x128xi32, #tpu.memory_space<vmem>> -> memref<128xi32, #tpu.memory_space<vmem>>
        %dma_start3A_293 = arith.constant 0 : i32
        %dma_start3A_294 = tpu.memref_slice %arg9[%dma_start3A_293] : memref<10240xf32, #tpu.memory_space<vmem_shared>> -> memref<10240xf32, #tpu.memory_space<vmem_shared>>
        tpu.enqueue_indirect_dma source(%arg7 : memref<128xf32, #tpu.memory_space<vmem>>) target(%dma_start3A_294 : memref<10240xf32, #tpu.memory_space<vmem_shared>>) offsets(%dma_start3A_292 : memref<128xi32, #tpu.memory_space<vmem>>) semaphore(%arg11 : memref<!tpu.dma_semaphore, #tpu.memory_space<semaphore_mem>>) {add = true}
        %dma_start3A_295 = arith.constant 0 : i32
        %dma_start3A_296 = tpu.memref_slice %arg6[%add3A_289, %dma_start3A_295] : memref<80x128xi32, #tpu.memory_space<vmem>> -> memref<1x128xi32, #tpu.memory_space<vmem>>
        %dma_start3A_297 = tpu.memref_squeeze %dma_start3A_296 : memref<1x128xi32, #tpu.memory_space<vmem>> -> memref<128xi32, #tpu.memory_space<vmem>>
        %dma_start3A_298 = arith.constant 0 : i32
        %dma_start3A_299 = tpu.memref_slice %arg10[%dma_start3A_298] : memref<10240xf32, #tpu.memory_space<vmem_shared>> -> memref<10240xf32, #tpu.memory_space<vmem_shared>>
        tpu.enqueue_indirect_dma source(%arg7 : memref<128xf32, #tpu.memory_space<vmem>>) target(%dma_start3A_299 : memref<10240xf32, #tpu.memory_space<vmem_shared>>) offsets(%dma_start3A_297 : memref<128xi32, #tpu.memory_space<vmem>>) semaphore(%arg12 : memref<!tpu.dma_semaphore, #tpu.memory_space<semaphore_mem>>) {add = true}
        %mul3A_300 = arith.constant 8 : i32
        %mul3A_301 = arith.muli %mul3A_300, %add3A_243 : i32
        %add3A_302 = arith.constant 4 : i32
        %add3A_303 = arith.addi %mul3A_301, %add3A_302 : i32
        %dma_start3A_304 = arith.constant 0 : i32
        %dma_start3A_305 = tpu.memref_slice %arg5[%add3A_303, %dma_start3A_304] : memref<80x128xi32, #tpu.memory_space<vmem>> -> memref<1x128xi32, #tpu.memory_space<vmem>>
        %dma_start3A_306 = tpu.memref_squeeze %dma_start3A_305 : memref<1x128xi32, #tpu.memory_space<vmem>> -> memref<128xi32, #tpu.memory_space<vmem>>
        %dma_start3A_307 = arith.constant 0 : i32
        %dma_start3A_308 = tpu.memref_slice %arg9[%dma_start3A_307] : memref<10240xf32, #tpu.memory_space<vmem_shared>> -> memref<10240xf32, #tpu.memory_space<vmem_shared>>
        tpu.enqueue_indirect_dma source(%arg7 : memref<128xf32, #tpu.memory_space<vmem>>) target(%dma_start3A_308 : memref<10240xf32, #tpu.memory_space<vmem_shared>>) offsets(%dma_start3A_306 : memref<128xi32, #tpu.memory_space<vmem>>) semaphore(%arg11 : memref<!tpu.dma_semaphore, #tpu.memory_space<semaphore_mem>>) {add = true}
        %dma_start3A_309 = arith.constant 0 : i32
        %dma_start3A_310 = tpu.memref_slice %arg6[%add3A_303, %dma_start3A_309] : memref<80x128xi32, #tpu.memory_space<vmem>> -> memref<1x128xi32, #tpu.memory_space<vmem>>
        %dma_start3A_311 = tpu.memref_squeeze %dma_start3A_310 : memref<1x128xi32, #tpu.memory_space<vmem>> -> memref<128xi32, #tpu.memory_space<vmem>>
        %dma_start3A_312 = arith.constant 0 : i32
        %dma_start3A_313 = tpu.memref_slice %arg10[%dma_start3A_312] : memref<10240xf32, #tpu.memory_space<vmem_shared>> -> memref<10240xf32, #tpu.memory_space<vmem_shared>>
        tpu.enqueue_indirect_dma source(%arg7 : memref<128xf32, #tpu.memory_space<vmem>>) target(%dma_start3A_313 : memref<10240xf32, #tpu.memory_space<vmem_shared>>) offsets(%dma_start3A_311 : memref<128xi32, #tpu.memory_space<vmem>>) semaphore(%arg12 : memref<!tpu.dma_semaphore, #tpu.memory_space<semaphore_mem>>) {add = true}
        %mul3A_314 = arith.constant 8 : i32
        %mul3A_315 = arith.muli %mul3A_314, %add3A_243 : i32
        %add3A_316 = arith.constant 5 : i32
        %add3A_317 = arith.addi %mul3A_315, %add3A_316 : i32
        %dma_start3A_318 = arith.constant 0 : i32
        %dma_start3A_319 = tpu.memref_slice %arg5[%add3A_317, %dma_start3A_318] : memref<80x128xi32, #tpu.memory_space<vmem>> -> memref<1x128xi32, #tpu.memory_space<vmem>>
        %dma_start3A_320 = tpu.memref_squeeze %dma_start3A_319 : memref<1x128xi32, #tpu.memory_space<vmem>> -> memref<128xi32, #tpu.memory_space<vmem>>
        %dma_start3A_321 = arith.constant 0 : i32
        %dma_start3A_322 = tpu.memref_slice %arg9[%dma_start3A_321] : memref<10240xf32, #tpu.memory_space<vmem_shared>> -> memref<10240xf32, #tpu.memory_space<vmem_shared>>
        tpu.enqueue_indirect_dma source(%arg7 : memref<128xf32, #tpu.memory_space<vmem>>) target(%dma_start3A_322 : memref<10240xf32, #tpu.memory_space<vmem_shared>>) offsets(%dma_start3A_320 : memref<128xi32, #tpu.memory_space<vmem>>) semaphore(%arg11 : memref<!tpu.dma_semaphore, #tpu.memory_space<semaphore_mem>>) {add = true}
        %dma_start3A_323 = arith.constant 0 : i32
        %dma_start3A_324 = tpu.memref_slice %arg6[%add3A_317, %dma_start3A_323] : memref<80x128xi32, #tpu.memory_space<vmem>> -> memref<1x128xi32, #tpu.memory_space<vmem>>
        %dma_start3A_325 = tpu.memref_squeeze %dma_start3A_324 : memref<1x128xi32, #tpu.memory_space<vmem>> -> memref<128xi32, #tpu.memory_space<vmem>>
        %dma_start3A_326 = arith.constant 0 : i32
        %dma_start3A_327 = tpu.memref_slice %arg10[%dma_start3A_326] : memref<10240xf32, #tpu.memory_space<vmem_shared>> -> memref<10240xf32, #tpu.memory_space<vmem_shared>>
        tpu.enqueue_indirect_dma source(%arg7 : memref<128xf32, #tpu.memory_space<vmem>>) target(%dma_start3A_327 : memref<10240xf32, #tpu.memory_space<vmem_shared>>) offsets(%dma_start3A_325 : memref<128xi32, #tpu.memory_space<vmem>>) semaphore(%arg12 : memref<!tpu.dma_semaphore, #tpu.memory_space<semaphore_mem>>) {add = true}
        %mul3A_328 = arith.constant 8 : i32
        %mul3A_329 = arith.muli %mul3A_328, %add3A_243 : i32
        %add3A_330 = arith.constant 6 : i32
        %add3A_331 = arith.addi %mul3A_329, %add3A_330 : i32
        %dma_start3A_332 = arith.constant 0 : i32
        %dma_start3A_333 = tpu.memref_slice %arg5[%add3A_331, %dma_start3A_332] : memref<80x128xi32, #tpu.memory_space<vmem>> -> memref<1x128xi32, #tpu.memory_space<vmem>>
        %dma_start3A_334 = tpu.memref_squeeze %dma_start3A_333 : memref<1x128xi32, #tpu.memory_space<vmem>> -> memref<128xi32, #tpu.memory_space<vmem>>
        %dma_start3A_335 = arith.constant 0 : i32
        %dma_start3A_336 = tpu.memref_slice %arg9[%dma_start3A_335] : memref<10240xf32, #tpu.memory_space<vmem_shared>> -> memref<10240xf32, #tpu.memory_space<vmem_shared>>
        tpu.enqueue_indirect_dma source(%arg7 : memref<128xf32, #tpu.memory_space<vmem>>) target(%dma_start3A_336 : memref<10240xf32, #tpu.memory_space<vmem_shared>>) offsets(%dma_start3A_334 : memref<128xi32, #tpu.memory_space<vmem>>) semaphore(%arg11 : memref<!tpu.dma_semaphore, #tpu.memory_space<semaphore_mem>>) {add = true}
        %dma_start3A_337 = arith.constant 0 : i32
        %dma_start3A_338 = tpu.memref_slice %arg6[%add3A_331, %dma_start3A_337] : memref<80x128xi32, #tpu.memory_space<vmem>> -> memref<1x128xi32, #tpu.memory_space<vmem>>
        %dma_start3A_339 = tpu.memref_squeeze %dma_start3A_338 : memref<1x128xi32, #tpu.memory_space<vmem>> -> memref<128xi32, #tpu.memory_space<vmem>>
        %dma_start3A_340 = arith.constant 0 : i32
        %dma_start3A_341 = tpu.memref_slice %arg10[%dma_start3A_340] : memref<10240xf32, #tpu.memory_space<vmem_shared>> -> memref<10240xf32, #tpu.memory_space<vmem_shared>>
        tpu.enqueue_indirect_dma source(%arg7 : memref<128xf32, #tpu.memory_space<vmem>>) target(%dma_start3A_341 : memref<10240xf32, #tpu.memory_space<vmem_shared>>) offsets(%dma_start3A_339 : memref<128xi32, #tpu.memory_space<vmem>>) semaphore(%arg12 : memref<!tpu.dma_semaphore, #tpu.memory_space<semaphore_mem>>) {add = true}
        %mul3A_342 = arith.constant 8 : i32
        %mul3A_343 = arith.muli %mul3A_342, %add3A_243 : i32
        %add3A_344 = arith.constant 7 : i32
        %add3A_345 = arith.addi %mul3A_343, %add3A_344 : i32
        %dma_start3A_346 = arith.constant 0 : i32
        %dma_start3A_347 = tpu.memref_slice %arg5[%add3A_345, %dma_start3A_346] : memref<80x128xi32, #tpu.memory_space<vmem>> -> memref<1x128xi32, #tpu.memory_space<vmem>>
        %dma_start3A_348 = tpu.memref_squeeze %dma_start3A_347 : memref<1x128xi32, #tpu.memory_space<vmem>> -> memref<128xi32, #tpu.memory_space<vmem>>
        %dma_start3A_349 = arith.constant 0 : i32
        %dma_start3A_350 = tpu.memref_slice %arg9[%dma_start3A_349] : memref<10240xf32, #tpu.memory_space<vmem_shared>> -> memref<10240xf32, #tpu.memory_space<vmem_shared>>
        tpu.enqueue_indirect_dma source(%arg7 : memref<128xf32, #tpu.memory_space<vmem>>) target(%dma_start3A_350 : memref<10240xf32, #tpu.memory_space<vmem_shared>>) offsets(%dma_start3A_348 : memref<128xi32, #tpu.memory_space<vmem>>) semaphore(%arg11 : memref<!tpu.dma_semaphore, #tpu.memory_space<semaphore_mem>>) {add = true}
        %dma_start3A_351 = arith.constant 0 : i32
        %dma_start3A_352 = tpu.memref_slice %arg6[%add3A_345, %dma_start3A_351] : memref<80x128xi32, #tpu.memory_space<vmem>> -> memref<1x128xi32, #tpu.memory_space<vmem>>
        %dma_start3A_353 = tpu.memref_squeeze %dma_start3A_352 : memref<1x128xi32, #tpu.memory_space<vmem>> -> memref<128xi32, #tpu.memory_space<vmem>>
        %dma_start3A_354 = arith.constant 0 : i32
        %dma_start3A_355 = tpu.memref_slice %arg10[%dma_start3A_354] : memref<10240xf32, #tpu.memory_space<vmem_shared>> -> memref<10240xf32, #tpu.memory_space<vmem_shared>>
        tpu.enqueue_indirect_dma source(%arg7 : memref<128xf32, #tpu.memory_space<vmem>>) target(%dma_start3A_355 : memref<10240xf32, #tpu.memory_space<vmem_shared>>) offsets(%dma_start3A_353 : memref<128xi32, #tpu.memory_space<vmem>>) semaphore(%arg12 : memref<!tpu.dma_semaphore, #tpu.memory_space<semaphore_mem>>) {add = true}
      } else {
      }
      %mul3A_130 = arith.constant 8 : i32
      %mul3A_131 = arith.muli %mul3A_130, %scan3A_124 : i32
      %add3A_132 = arith.constant 0 : i32
      %add3A_133 = arith.addi %mul3A_131, %add3A_132 : i32
      %dma_wait3A = arith.constant 0 : i32
      %dma_wait3A_134 = tpu.memref_slice %arg5[%add3A_133, %dma_wait3A] : memref<80x128xi32, #tpu.memory_space<vmem>> -> memref<1x128xi32, #tpu.memory_space<vmem>>
      %dma_wait3A_135 = tpu.memref_squeeze %dma_wait3A_134 : memref<1x128xi32, #tpu.memory_space<vmem>> -> memref<128xi32, #tpu.memory_space<vmem>>
      %dma_wait3A_136 = arith.constant 0 : i32
      %dma_wait3A_137 = tpu.memref_slice %arg9[%dma_wait3A_136] : memref<10240xf32, #tpu.memory_space<vmem_shared>> -> memref<10240xf32, #tpu.memory_space<vmem_shared>>
      tpu.wait_indirect_dma semaphore(%arg11 : memref<!tpu.dma_semaphore, #tpu.memory_space<semaphore_mem>>) src(%arg7 : memref<128xf32, #tpu.memory_space<vmem>>) dst(%dma_wait3A_137 : memref<10240xf32, #tpu.memory_space<vmem_shared>>)
      %dma_wait3A_138 = arith.constant 0 : i32
      %dma_wait3A_139 = tpu.memref_slice %arg6[%add3A_133, %dma_wait3A_138] : memref<80x128xi32, #tpu.memory_space<vmem>> -> memref<1x128xi32, #tpu.memory_space<vmem>>
      %dma_wait3A_140 = tpu.memref_squeeze %dma_wait3A_139 : memref<1x128xi32, #tpu.memory_space<vmem>> -> memref<128xi32, #tpu.memory_space<vmem>>
      %dma_wait3A_141 = arith.constant 0 : i32
      %dma_wait3A_142 = tpu.memref_slice %arg10[%dma_wait3A_141] : memref<10240xf32, #tpu.memory_space<vmem_shared>> -> memref<10240xf32, #tpu.memory_space<vmem_shared>>
      tpu.wait_indirect_dma semaphore(%arg12 : memref<!tpu.dma_semaphore, #tpu.memory_space<semaphore_mem>>) src(%arg7 : memref<128xf32, #tpu.memory_space<vmem>>) dst(%dma_wait3A_142 : memref<10240xf32, #tpu.memory_space<vmem_shared>>)
      %mul3A_143 = arith.constant 8 : i32
      %mul3A_144 = arith.muli %mul3A_143, %scan3A_124 : i32
      %add3A_145 = arith.constant 1 : i32
      %add3A_146 = arith.addi %mul3A_144, %add3A_145 : i32
      %dma_wait3A_147 = arith.constant 0 : i32
      %dma_wait3A_148 = tpu.memref_slice %arg5[%add3A_146, %dma_wait3A_147] : memref<80x128xi32, #tpu.memory_space<vmem>> -> memref<1x128xi32, #tpu.memory_space<vmem>>
      %dma_wait3A_149 = tpu.memref_squeeze %dma_wait3A_148 : memref<1x128xi32, #tpu.memory_space<vmem>> -> memref<128xi32, #tpu.memory_space<vmem>>
      %dma_wait3A_150 = arith.constant 0 : i32
      %dma_wait3A_151 = tpu.memref_slice %arg9[%dma_wait3A_150] : memref<10240xf32, #tpu.memory_space<vmem_shared>> -> memref<10240xf32, #tpu.memory_space<vmem_shared>>
      tpu.wait_indirect_dma semaphore(%arg11 : memref<!tpu.dma_semaphore, #tpu.memory_space<semaphore_mem>>) src(%arg7 : memref<128xf32, #tpu.memory_space<vmem>>) dst(%dma_wait3A_151 : memref<10240xf32, #tpu.memory_space<vmem_shared>>)
      %dma_wait3A_152 = arith.constant 0 : i32
      %dma_wait3A_153 = tpu.memref_slice %arg6[%add3A_146, %dma_wait3A_152] : memref<80x128xi32, #tpu.memory_space<vmem>> -> memref<1x128xi32, #tpu.memory_space<vmem>>
      %dma_wait3A_154 = tpu.memref_squeeze %dma_wait3A_153 : memref<1x128xi32, #tpu.memory_space<vmem>> -> memref<128xi32, #tpu.memory_space<vmem>>
      %dma_wait3A_155 = arith.constant 0 : i32
      %dma_wait3A_156 = tpu.memref_slice %arg10[%dma_wait3A_155] : memref<10240xf32, #tpu.memory_space<vmem_shared>> -> memref<10240xf32, #tpu.memory_space<vmem_shared>>
      tpu.wait_indirect_dma semaphore(%arg12 : memref<!tpu.dma_semaphore, #tpu.memory_space<semaphore_mem>>) src(%arg7 : memref<128xf32, #tpu.memory_space<vmem>>) dst(%dma_wait3A_156 : memref<10240xf32, #tpu.memory_space<vmem_shared>>)
      %mul3A_157 = arith.constant 8 : i32
      %mul3A_158 = arith.muli %mul3A_157, %scan3A_124 : i32
      %add3A_159 = arith.constant 2 : i32
      %add3A_160 = arith.addi %mul3A_158, %add3A_159 : i32
      %dma_wait3A_161 = arith.constant 0 : i32
      %dma_wait3A_162 = tpu.memref_slice %arg5[%add3A_160, %dma_wait3A_161] : memref<80x128xi32, #tpu.memory_space<vmem>> -> memref<1x128xi32, #tpu.memory_space<vmem>>
      %dma_wait3A_163 = tpu.memref_squeeze %dma_wait3A_162 : memref<1x128xi32, #tpu.memory_space<vmem>> -> memref<128xi32, #tpu.memory_space<vmem>>
      %dma_wait3A_164 = arith.constant 0 : i32
      %dma_wait3A_165 = tpu.memref_slice %arg9[%dma_wait3A_164] : memref<10240xf32, #tpu.memory_space<vmem_shared>> -> memref<10240xf32, #tpu.memory_space<vmem_shared>>
      tpu.wait_indirect_dma semaphore(%arg11 : memref<!tpu.dma_semaphore, #tpu.memory_space<semaphore_mem>>) src(%arg7 : memref<128xf32, #tpu.memory_space<vmem>>) dst(%dma_wait3A_165 : memref<10240xf32, #tpu.memory_space<vmem_shared>>)
      %dma_wait3A_166 = arith.constant 0 : i32
      %dma_wait3A_167 = tpu.memref_slice %arg6[%add3A_160, %dma_wait3A_166] : memref<80x128xi32, #tpu.memory_space<vmem>> -> memref<1x128xi32, #tpu.memory_space<vmem>>
      %dma_wait3A_168 = tpu.memref_squeeze %dma_wait3A_167 : memref<1x128xi32, #tpu.memory_space<vmem>> -> memref<128xi32, #tpu.memory_space<vmem>>
      %dma_wait3A_169 = arith.constant 0 : i32
      %dma_wait3A_170 = tpu.memref_slice %arg10[%dma_wait3A_169] : memref<10240xf32, #tpu.memory_space<vmem_shared>> -> memref<10240xf32, #tpu.memory_space<vmem_shared>>
      tpu.wait_indirect_dma semaphore(%arg12 : memref<!tpu.dma_semaphore, #tpu.memory_space<semaphore_mem>>) src(%arg7 : memref<128xf32, #tpu.memory_space<vmem>>) dst(%dma_wait3A_170 : memref<10240xf32, #tpu.memory_space<vmem_shared>>)
      %mul3A_171 = arith.constant 8 : i32
      %mul3A_172 = arith.muli %mul3A_171, %scan3A_124 : i32
      %add3A_173 = arith.constant 3 : i32
      %add3A_174 = arith.addi %mul3A_172, %add3A_173 : i32
      %dma_wait3A_175 = arith.constant 0 : i32
      %dma_wait3A_176 = tpu.memref_slice %arg5[%add3A_174, %dma_wait3A_175] : memref<80x128xi32, #tpu.memory_space<vmem>> -> memref<1x128xi32, #tpu.memory_space<vmem>>
      %dma_wait3A_177 = tpu.memref_squeeze %dma_wait3A_176 : memref<1x128xi32, #tpu.memory_space<vmem>> -> memref<128xi32, #tpu.memory_space<vmem>>
      %dma_wait3A_178 = arith.constant 0 : i32
      %dma_wait3A_179 = tpu.memref_slice %arg9[%dma_wait3A_178] : memref<10240xf32, #tpu.memory_space<vmem_shared>> -> memref<10240xf32, #tpu.memory_space<vmem_shared>>
      tpu.wait_indirect_dma semaphore(%arg11 : memref<!tpu.dma_semaphore, #tpu.memory_space<semaphore_mem>>) src(%arg7 : memref<128xf32, #tpu.memory_space<vmem>>) dst(%dma_wait3A_179 : memref<10240xf32, #tpu.memory_space<vmem_shared>>)
      %dma_wait3A_180 = arith.constant 0 : i32
      %dma_wait3A_181 = tpu.memref_slice %arg6[%add3A_174, %dma_wait3A_180] : memref<80x128xi32, #tpu.memory_space<vmem>> -> memref<1x128xi32, #tpu.memory_space<vmem>>
      %dma_wait3A_182 = tpu.memref_squeeze %dma_wait3A_181 : memref<1x128xi32, #tpu.memory_space<vmem>> -> memref<128xi32, #tpu.memory_space<vmem>>
      %dma_wait3A_183 = arith.constant 0 : i32
      %dma_wait3A_184 = tpu.memref_slice %arg10[%dma_wait3A_183] : memref<10240xf32, #tpu.memory_space<vmem_shared>> -> memref<10240xf32, #tpu.memory_space<vmem_shared>>
      tpu.wait_indirect_dma semaphore(%arg12 : memref<!tpu.dma_semaphore, #tpu.memory_space<semaphore_mem>>) src(%arg7 : memref<128xf32, #tpu.memory_space<vmem>>) dst(%dma_wait3A_184 : memref<10240xf32, #tpu.memory_space<vmem_shared>>)
      %mul3A_185 = arith.constant 8 : i32
      %mul3A_186 = arith.muli %mul3A_185, %scan3A_124 : i32
      %add3A_187 = arith.constant 4 : i32
      %add3A_188 = arith.addi %mul3A_186, %add3A_187 : i32
      %dma_wait3A_189 = arith.constant 0 : i32
      %dma_wait3A_190 = tpu.memref_slice %arg5[%add3A_188, %dma_wait3A_189] : memref<80x128xi32, #tpu.memory_space<vmem>> -> memref<1x128xi32, #tpu.memory_space<vmem>>
      %dma_wait3A_191 = tpu.memref_squeeze %dma_wait3A_190 : memref<1x128xi32, #tpu.memory_space<vmem>> -> memref<128xi32, #tpu.memory_space<vmem>>
      %dma_wait3A_192 = arith.constant 0 : i32
      %dma_wait3A_193 = tpu.memref_slice %arg9[%dma_wait3A_192] : memref<10240xf32, #tpu.memory_space<vmem_shared>> -> memref<10240xf32, #tpu.memory_space<vmem_shared>>
      tpu.wait_indirect_dma semaphore(%arg11 : memref<!tpu.dma_semaphore, #tpu.memory_space<semaphore_mem>>) src(%arg7 : memref<128xf32, #tpu.memory_space<vmem>>) dst(%dma_wait3A_193 : memref<10240xf32, #tpu.memory_space<vmem_shared>>)
      %dma_wait3A_194 = arith.constant 0 : i32
      %dma_wait3A_195 = tpu.memref_slice %arg6[%add3A_188, %dma_wait3A_194] : memref<80x128xi32, #tpu.memory_space<vmem>> -> memref<1x128xi32, #tpu.memory_space<vmem>>
      %dma_wait3A_196 = tpu.memref_squeeze %dma_wait3A_195 : memref<1x128xi32, #tpu.memory_space<vmem>> -> memref<128xi32, #tpu.memory_space<vmem>>
      %dma_wait3A_197 = arith.constant 0 : i32
      %dma_wait3A_198 = tpu.memref_slice %arg10[%dma_wait3A_197] : memref<10240xf32, #tpu.memory_space<vmem_shared>> -> memref<10240xf32, #tpu.memory_space<vmem_shared>>
      tpu.wait_indirect_dma semaphore(%arg12 : memref<!tpu.dma_semaphore, #tpu.memory_space<semaphore_mem>>) src(%arg7 : memref<128xf32, #tpu.memory_space<vmem>>) dst(%dma_wait3A_198 : memref<10240xf32, #tpu.memory_space<vmem_shared>>)
      %mul3A_199 = arith.constant 8 : i32
      %mul3A_200 = arith.muli %mul3A_199, %scan3A_124 : i32
      %add3A_201 = arith.constant 5 : i32
      %add3A_202 = arith.addi %mul3A_200, %add3A_201 : i32
      %dma_wait3A_203 = arith.constant 0 : i32
      %dma_wait3A_204 = tpu.memref_slice %arg5[%add3A_202, %dma_wait3A_203] : memref<80x128xi32, #tpu.memory_space<vmem>> -> memref<1x128xi32, #tpu.memory_space<vmem>>
      %dma_wait3A_205 = tpu.memref_squeeze %dma_wait3A_204 : memref<1x128xi32, #tpu.memory_space<vmem>> -> memref<128xi32, #tpu.memory_space<vmem>>
      %dma_wait3A_206 = arith.constant 0 : i32
      %dma_wait3A_207 = tpu.memref_slice %arg9[%dma_wait3A_206] : memref<10240xf32, #tpu.memory_space<vmem_shared>> -> memref<10240xf32, #tpu.memory_space<vmem_shared>>
      tpu.wait_indirect_dma semaphore(%arg11 : memref<!tpu.dma_semaphore, #tpu.memory_space<semaphore_mem>>) src(%arg7 : memref<128xf32, #tpu.memory_space<vmem>>) dst(%dma_wait3A_207 : memref<10240xf32, #tpu.memory_space<vmem_shared>>)
      %dma_wait3A_208 = arith.constant 0 : i32
      %dma_wait3A_209 = tpu.memref_slice %arg6[%add3A_202, %dma_wait3A_208] : memref<80x128xi32, #tpu.memory_space<vmem>> -> memref<1x128xi32, #tpu.memory_space<vmem>>
      %dma_wait3A_210 = tpu.memref_squeeze %dma_wait3A_209 : memref<1x128xi32, #tpu.memory_space<vmem>> -> memref<128xi32, #tpu.memory_space<vmem>>
      %dma_wait3A_211 = arith.constant 0 : i32
      %dma_wait3A_212 = tpu.memref_slice %arg10[%dma_wait3A_211] : memref<10240xf32, #tpu.memory_space<vmem_shared>> -> memref<10240xf32, #tpu.memory_space<vmem_shared>>
      tpu.wait_indirect_dma semaphore(%arg12 : memref<!tpu.dma_semaphore, #tpu.memory_space<semaphore_mem>>) src(%arg7 : memref<128xf32, #tpu.memory_space<vmem>>) dst(%dma_wait3A_212 : memref<10240xf32, #tpu.memory_space<vmem_shared>>)
      %mul3A_213 = arith.constant 8 : i32
      %mul3A_214 = arith.muli %mul3A_213, %scan3A_124 : i32
      %add3A_215 = arith.constant 6 : i32
      %add3A_216 = arith.addi %mul3A_214, %add3A_215 : i32
      %dma_wait3A_217 = arith.constant 0 : i32
      %dma_wait3A_218 = tpu.memref_slice %arg5[%add3A_216, %dma_wait3A_217] : memref<80x128xi32, #tpu.memory_space<vmem>> -> memref<1x128xi32, #tpu.memory_space<vmem>>
      %dma_wait3A_219 = tpu.memref_squeeze %dma_wait3A_218 : memref<1x128xi32, #tpu.memory_space<vmem>> -> memref<128xi32, #tpu.memory_space<vmem>>
      %dma_wait3A_220 = arith.constant 0 : i32
      %dma_wait3A_221 = tpu.memref_slice %arg9[%dma_wait3A_220] : memref<10240xf32, #tpu.memory_space<vmem_shared>> -> memref<10240xf32, #tpu.memory_space<vmem_shared>>
      tpu.wait_indirect_dma semaphore(%arg11 : memref<!tpu.dma_semaphore, #tpu.memory_space<semaphore_mem>>) src(%arg7 : memref<128xf32, #tpu.memory_space<vmem>>) dst(%dma_wait3A_221 : memref<10240xf32, #tpu.memory_space<vmem_shared>>)
      %dma_wait3A_222 = arith.constant 0 : i32
      %dma_wait3A_223 = tpu.memref_slice %arg6[%add3A_216, %dma_wait3A_222] : memref<80x128xi32, #tpu.memory_space<vmem>> -> memref<1x128xi32, #tpu.memory_space<vmem>>
      %dma_wait3A_224 = tpu.memref_squeeze %dma_wait3A_223 : memref<1x128xi32, #tpu.memory_space<vmem>> -> memref<128xi32, #tpu.memory_space<vmem>>
      %dma_wait3A_225 = arith.constant 0 : i32
      %dma_wait3A_226 = tpu.memref_slice %arg10[%dma_wait3A_225] : memref<10240xf32, #tpu.memory_space<vmem_shared>> -> memref<10240xf32, #tpu.memory_space<vmem_shared>>
      tpu.wait_indirect_dma semaphore(%arg12 : memref<!tpu.dma_semaphore, #tpu.memory_space<semaphore_mem>>) src(%arg7 : memref<128xf32, #tpu.memory_space<vmem>>) dst(%dma_wait3A_226 : memref<10240xf32, #tpu.memory_space<vmem_shared>>)
      %mul3A_227 = arith.constant 8 : i32
      %mul3A_228 = arith.muli %mul3A_227, %scan3A_124 : i32
      %add3A_229 = arith.constant 7 : i32
      %add3A_230 = arith.addi %mul3A_228, %add3A_229 : i32
      %dma_wait3A_231 = arith.constant 0 : i32
      %dma_wait3A_232 = tpu.memref_slice %arg5[%add3A_230, %dma_wait3A_231] : memref<80x128xi32, #tpu.memory_space<vmem>> -> memref<1x128xi32, #tpu.memory_space<vmem>>
      %dma_wait3A_233 = tpu.memref_squeeze %dma_wait3A_232 : memref<1x128xi32, #tpu.memory_space<vmem>> -> memref<128xi32, #tpu.memory_space<vmem>>
      %dma_wait3A_234 = arith.constant 0 : i32
      %dma_wait3A_235 = tpu.memref_slice %arg9[%dma_wait3A_234] : memref<10240xf32, #tpu.memory_space<vmem_shared>> -> memref<10240xf32, #tpu.memory_space<vmem_shared>>
      tpu.wait_indirect_dma semaphore(%arg11 : memref<!tpu.dma_semaphore, #tpu.memory_space<semaphore_mem>>) src(%arg7 : memref<128xf32, #tpu.memory_space<vmem>>) dst(%dma_wait3A_235 : memref<10240xf32, #tpu.memory_space<vmem_shared>>)
      %dma_wait3A_236 = arith.constant 0 : i32
      %dma_wait3A_237 = tpu.memref_slice %arg6[%add3A_230, %dma_wait3A_236] : memref<80x128xi32, #tpu.memory_space<vmem>> -> memref<1x128xi32, #tpu.memory_space<vmem>>
      %dma_wait3A_238 = tpu.memref_squeeze %dma_wait3A_237 : memref<1x128xi32, #tpu.memory_space<vmem>> -> memref<128xi32, #tpu.memory_space<vmem>>
      %dma_wait3A_239 = arith.constant 0 : i32
      %dma_wait3A_240 = tpu.memref_slice %arg10[%dma_wait3A_239] : memref<10240xf32, #tpu.memory_space<vmem_shared>> -> memref<10240xf32, #tpu.memory_space<vmem_shared>>
      tpu.wait_indirect_dma semaphore(%arg12 : memref<!tpu.dma_semaphore, #tpu.memory_space<semaphore_mem>>) src(%arg7 : memref<128xf32, #tpu.memory_space<vmem>>) dst(%dma_wait3A_240 : memref<10240xf32, #tpu.memory_space<vmem_shared>>)
      %scan3A_241 = arith.constant 0 : i32
      scf.yield %scan3A_241 : i32
    }
    %scan3A_121 = arith.constant 10 : i32
    %barrier3A_122 = arith.constant 0 : index
    tpu.barrier barrier_id(%barrier3A_122)
    %run_scoped3A = arith.constant 0 : i32
    "tpu.region"() ({
      %run_scoped3A_124 = tpu.sem_alloc : memref<!tpu.dma_semaphore, #tpu.memory_space<semaphore_mem>>
      %dma_start3A_125 = tpu.memref_slice %arg4[%arg0, %run_scoped3A, %mul3A_19] : memref<2x2x10240xf32, #tpu.memory_space<hbm>> -> memref<1x1x640xf32, #tpu.memory_space<hbm>>
      %dma_start3A_126 = tpu.memref_squeeze %dma_start3A_125 : memref<1x1x640xf32, #tpu.memory_space<hbm>> -> memref<640xf32, #tpu.memory_space<hbm>>
      %dma_start3A_127 = tpu.memref_slice %arg9[%mul3A_19] : memref<10240xf32, #tpu.memory_space<vmem_shared>> -> memref<640xf32, #tpu.memory_space<vmem_shared>>
      tpu.enqueue_dma source(%dma_start3A_127 : memref<640xf32, #tpu.memory_space<vmem_shared>>) target(%dma_start3A_126 : memref<640xf32, #tpu.memory_space<hbm>>) target_semaphore(%run_scoped3A_124 : memref<!tpu.dma_semaphore, #tpu.memory_space<semaphore_mem>>)
      %dma_wait3A = tpu.memref_slice %arg4[%arg0, %run_scoped3A, %mul3A_19] : memref<2x2x10240xf32, #tpu.memory_space<hbm>> -> memref<1x1x640xf32, #tpu.memory_space<hbm>>
      %dma_wait3A_128 = tpu.memref_squeeze %dma_wait3A : memref<1x1x640xf32, #tpu.memory_space<hbm>> -> memref<640xf32, #tpu.memory_space<hbm>>
      %dma_wait3A_129 = tpu.memref_slice %arg9[%mul3A_19] : memref<10240xf32, #tpu.memory_space<vmem_shared>> -> memref<640xf32, #tpu.memory_space<vmem_shared>>
      tpu.wait_dma2 semaphore(%run_scoped3A_124 : memref<!tpu.dma_semaphore, #tpu.memory_space<semaphore_mem>>) src(%dma_wait3A_129 : memref<640xf32, #tpu.memory_space<vmem_shared>>) dst(%dma_wait3A_128 : memref<640xf32, #tpu.memory_space<hbm>>)
      tpu.yield
    }) : () -> ()
    %run_scoped3A_123 = arith.constant 1 : i32
    "tpu.region"() ({
      %run_scoped3A_124 = tpu.sem_alloc : memref<!tpu.dma_semaphore, #tpu.memory_space<semaphore_mem>>
      %dma_start3A_125 = tpu.memref_slice %arg4[%arg0, %run_scoped3A_123, %mul3A_19] : memref<2x2x10240xf32, #tpu.memory_space<hbm>> -> memref<1x1x640xf32, #tpu.memory_space<hbm>>
      %dma_start3A_126 = tpu.memref_squeeze %dma_start3A_125 : memref<1x1x640xf32, #tpu.memory_space<hbm>> -> memref<640xf32, #tpu.memory_space<hbm>>
      %dma_start3A_127 = tpu.memref_slice %arg10[%mul3A_19] : memref<10240xf32, #tpu.memory_space<vmem_shared>> -> memref<640xf32, #tpu.memory_space<vmem_shared>>
      tpu.enqueue_dma source(%dma_start3A_127 : memref<640xf32, #tpu.memory_space<vmem_shared>>) target(%dma_start3A_126 : memref<640xf32, #tpu.memory_space<hbm>>) target_semaphore(%run_scoped3A_124 : memref<!tpu.dma_semaphore, #tpu.memory_space<semaphore_mem>>)
      %dma_wait3A = tpu.memref_slice %arg4[%arg0, %run_scoped3A_123, %mul3A_19] : memref<2x2x10240xf32, #tpu.memory_space<hbm>> -> memref<1x1x640xf32, #tpu.memory_space<hbm>>
      %dma_wait3A_128 = tpu.memref_squeeze %dma_wait3A : memref<1x1x640xf32, #tpu.memory_space<hbm>> -> memref<640xf32, #tpu.memory_space<hbm>>
      %dma_wait3A_129 = tpu.memref_slice %arg10[%mul3A_19] : memref<10240xf32, #tpu.memory_space<vmem_shared>> -> memref<640xf32, #tpu.memory_space<vmem_shared>>
      tpu.wait_dma2 semaphore(%run_scoped3A_124 : memref<!tpu.dma_semaphore, #tpu.memory_space<semaphore_mem>>) src(%dma_wait3A_129 : memref<640xf32, #tpu.memory_space<vmem_shared>>) dst(%dma_wait3A_128 : memref<640xf32, #tpu.memory_space<hbm>>)
      tpu.yield
    }) : () -> ()
    return
  }
}

#map = affine_map<(d0, d1) -> (0, 0)>
#map1 = affine_map<(d0, d1) -> (0, 0, 0)>
module attributes {stable_mosaic.version = 14 : i64} {
  func.func @_agg_kernel(%arg0: i32, %arg1: i32, %arg2: memref<20480x64xf32, #tpu.memory_space<hbm>>, %arg3: memref<2x2560x128xi32, #tpu.memory_space<hbm>>, %arg4: memref<2560x128xi32, #tpu.memory_space<hbm>>, %arg5: memref<10240x128xf32, #tpu.memory_space<hbm>>, %arg6: memref<160x128xi32, #tpu.memory_space<vmem>>, %arg7: memref<160x128xi32, #tpu.memory_space<vmem>>, %arg8: memref<5x128x64xf32, #tpu.memory_space<vmem>>, %arg9: memref<10240x64xf32, #tpu.memory_space<vmem_shared>>, %arg10: memref<!tpu.dma_semaphore, #tpu.memory_space<semaphore_mem>>, %arg11: memref<!tpu.dma_semaphore, #tpu.memory_space<semaphore_mem>>, %arg12: memref<!tpu.dma_semaphore, #tpu.memory_space<semaphore_mem>>, %arg13: memref<!tpu.dma_semaphore, #tpu.memory_space<semaphore_mem>>, %arg14: memref<!tpu.dma_semaphore, #tpu.memory_space<semaphore_mem>>, %arg15: memref<!tpu.dma_semaphore, #tpu.memory_space<semaphore_mem>>, %arg16: memref<!tpu.dma_semaphore, #tpu.memory_space<semaphore_mem>>, %arg17: memref<!tpu.dma_semaphore, #tpu.memory_space<semaphore_mem>>, %arg18: memref<!tpu.dma_semaphore, #tpu.memory_space<semaphore_mem>>, %arg19: memref<!tpu.dma_semaphore, #tpu.memory_space<semaphore_mem>>) attributes {dimension_semantics = [#tpu.dimension_semantics<core_parallel>, #tpu.dimension_semantics<subcore_parallel>], iteration_bounds = array<i64: 2, 16>, scalar_prefetch = 0 : i64, scratch_operands = 14 : i64, tpu.core_type = #tpu.core_type<sc_vector_subcore>, window_params = [{transform_indices = #map}, {transform_indices = #map1}, {transform_indices = #map}, {transform_indices = #map}]} {
    %mul3A = arith.constant 160 : i32
    %mul3A_0 = arith.muli %arg1, %mul3A : i32
    %dma_start3A = arith.constant 0 : i32
    %dma_start3A_1 = tpu.memref_slice %arg3[%arg0, %mul3A_0, %dma_start3A] : memref<2x2560x128xi32, #tpu.memory_space<hbm>> -> memref<1x160x128xi32, #tpu.memory_space<hbm>>
    %dma_start3A_2 = tpu.memref_squeeze %dma_start3A_1 : memref<1x160x128xi32, #tpu.memory_space<hbm>> -> memref<160x128xi32, #tpu.memory_space<hbm>>
    %dma_start3A_3 = arith.constant 0 : i32
    %dma_start3A_4 = tpu.memref_slice %arg3[%arg0, %mul3A_0, %dma_start3A_3] : memref<2x2560x128xi32, #tpu.memory_space<hbm>> -> memref<1x160x128xi32, #tpu.memory_space<hbm>>
    %dma_start3A_5 = tpu.memref_squeeze %dma_start3A_4 : memref<1x160x128xi32, #tpu.memory_space<hbm>> -> memref<160x128xi32, #tpu.memory_space<hbm>>
    tpu.enqueue_dma source(%dma_start3A_5 : memref<160x128xi32, #tpu.memory_space<hbm>>) target(%arg6 : memref<160x128xi32, #tpu.memory_space<vmem>>) target_semaphore(%arg10 : memref<!tpu.dma_semaphore, #tpu.memory_space<semaphore_mem>>)
    %mul3A_6 = arith.constant 160 : i32
    %mul3A_7 = arith.muli %arg1, %mul3A_6 : i32
    %dma_start3A_8 = arith.constant 0 : i32
    %dma_start3A_9 = tpu.memref_slice %arg4[%mul3A_7, %dma_start3A_8] : memref<2560x128xi32, #tpu.memory_space<hbm>> -> memref<160x128xi32, #tpu.memory_space<hbm>>
    %dma_start3A_10 = arith.constant 0 : i32
    %dma_start3A_11 = tpu.memref_slice %arg4[%mul3A_7, %dma_start3A_10] : memref<2560x128xi32, #tpu.memory_space<hbm>> -> memref<160x128xi32, #tpu.memory_space<hbm>>
    tpu.enqueue_dma source(%dma_start3A_11 : memref<160x128xi32, #tpu.memory_space<hbm>>) target(%arg7 : memref<160x128xi32, #tpu.memory_space<vmem>>) target_semaphore(%arg11 : memref<!tpu.dma_semaphore, #tpu.memory_space<semaphore_mem>>)
    %scan3A = arith.constant 0 : i32
    %scan3A_12 = arith.constant 0 : i32
    %scan3A_13 = arith.constant 0 : i32
    %scan3A_14 = arith.constant 128 : i32
    %scan3A_15 = arith.addi %scan3A_13, %scan3A_14 : i32
    %scan3A_16 = arith.constant 1 : i32
    %scan3A_17 = scf.for %scan3A_407 = %scan3A_13 to %scan3A_15 step %scan3A_16 iter_args(%scan3A_408 = %scan3A_12) -> (i32)  : i32 {
      %broadcast_in_dim3A = arith.constant 0.000000e+00 : f32
      %broadcast_in_dim3A_409 = vector.broadcast %broadcast_in_dim3A : f32 to vector<16xf32>
      %swap3A = arith.constant 0 : i32
      %swap3A_410 = arith.constant 0 : i32
      %swap3A_411 = tpu.memref_slice %arg8[%scan3A, %swap3A, %swap3A_410] : memref<5x128x64xf32, #tpu.memory_space<vmem>> -> memref<1x128x64xf32, #tpu.memory_space<vmem>>
      %swap3A_412 = tpu.memref_squeeze %swap3A_411 : memref<1x128x64xf32, #tpu.memory_space<vmem>> -> memref<128x64xf32, #tpu.memory_space<vmem>>
      %swap3A_413 = arith.index_cast %scan3A_407 : i32 to index
      %swap3A_414 = arith.constant 0 : index
      %swap3A_415 = tpu.vector_load %swap3A_412[%swap3A_413, %swap3A_414] {strides = array<i32>} : memref<128x64xf32, #tpu.memory_space<vmem>>, vector<1x16xf32>,
      %swap3A_416 = vector.shape_cast %swap3A_415 : vector<1x16xf32> to vector<16xf32>
      %swap3A_417 = vector.shape_cast %broadcast_in_dim3A_409 : vector<16xf32> to vector<1x16xf32>
      tpu.vector_store %swap3A_412[%swap3A_413, %swap3A_414], %swap3A_417 {strides = array<i32>} : memref<128x64xf32, #tpu.memory_space<vmem>>, vector<1x16xf32>,
      %broadcast_in_dim3A_418 = arith.constant 0.000000e+00 : f32
      %broadcast_in_dim3A_419 = vector.broadcast %broadcast_in_dim3A_418 : f32 to vector<16xf32>
      %swap3A_420 = arith.constant 0 : i32
      %swap3A_421 = arith.constant 0 : i32
      %swap3A_422 = tpu.memref_slice %arg8[%scan3A, %swap3A_420, %swap3A_421] : memref<5x128x64xf32, #tpu.memory_space<vmem>> -> memref<1x128x64xf32, #tpu.memory_space<vmem>>
      %swap3A_423 = tpu.memref_squeeze %swap3A_422 : memref<1x128x64xf32, #tpu.memory_space<vmem>> -> memref<128x64xf32, #tpu.memory_space<vmem>>
      %swap3A_424 = arith.index_cast %scan3A_407 : i32 to index
      %swap3A_425 = arith.constant 16 : index
      %swap3A_426 = tpu.vector_load %swap3A_423[%swap3A_424, %swap3A_425] {strides = array<i32>} : memref<128x64xf32, #tpu.memory_space<vmem>>, vector<1x16xf32>,
      %swap3A_427 = vector.shape_cast %swap3A_426 : vector<1x16xf32> to vector<16xf32>
      %swap3A_428 = vector.shape_cast %broadcast_in_dim3A_419 : vector<16xf32> to vector<1x16xf32>
      tpu.vector_store %swap3A_423[%swap3A_424, %swap3A_425], %swap3A_428 {strides = array<i32>} : memref<128x64xf32, #tpu.memory_space<vmem>>, vector<1x16xf32>,
      %broadcast_in_dim3A_429 = arith.constant 0.000000e+00 : f32
      %broadcast_in_dim3A_430 = vector.broadcast %broadcast_in_dim3A_429 : f32 to vector<16xf32>
      %swap3A_431 = arith.constant 0 : i32
      %swap3A_432 = arith.constant 0 : i32
      %swap3A_433 = tpu.memref_slice %arg8[%scan3A, %swap3A_431, %swap3A_432] : memref<5x128x64xf32, #tpu.memory_space<vmem>> -> memref<1x128x64xf32, #tpu.memory_space<vmem>>
      %swap3A_434 = tpu.memref_squeeze %swap3A_433 : memref<1x128x64xf32, #tpu.memory_space<vmem>> -> memref<128x64xf32, #tpu.memory_space<vmem>>
      %swap3A_435 = arith.index_cast %scan3A_407 : i32 to index
      %swap3A_436 = arith.constant 32 : index
      %swap3A_437 = tpu.vector_load %swap3A_434[%swap3A_435, %swap3A_436] {strides = array<i32>} : memref<128x64xf32, #tpu.memory_space<vmem>>, vector<1x16xf32>,
      %swap3A_438 = vector.shape_cast %swap3A_437 : vector<1x16xf32> to vector<16xf32>
      %swap3A_439 = vector.shape_cast %broadcast_in_dim3A_430 : vector<16xf32> to vector<1x16xf32>
      tpu.vector_store %swap3A_434[%swap3A_435, %swap3A_436], %swap3A_439 {strides = array<i32>} : memref<128x64xf32, #tpu.memory_space<vmem>>, vector<1x16xf32>,
      %broadcast_in_dim3A_440 = arith.constant 0.000000e+00 : f32
      %broadcast_in_dim3A_441 = vector.broadcast %broadcast_in_dim3A_440 : f32 to vector<16xf32>
      %swap3A_442 = arith.constant 0 : i32
      %swap3A_443 = arith.constant 0 : i32
      %swap3A_444 = tpu.memref_slice %arg8[%scan3A, %swap3A_442, %swap3A_443] : memref<5x128x64xf32, #tpu.memory_space<vmem>> -> memref<1x128x64xf32, #tpu.memory_space<vmem>>
      %swap3A_445 = tpu.memref_squeeze %swap3A_444 : memref<1x128x64xf32, #tpu.memory_space<vmem>> -> memref<128x64xf32, #tpu.memory_space<vmem>>
      %swap3A_446 = arith.index_cast %scan3A_407 : i32 to index
      %swap3A_447 = arith.constant 48 : index
      %swap3A_448 = tpu.vector_load %swap3A_445[%swap3A_446, %swap3A_447] {strides = array<i32>} : memref<128x64xf32, #tpu.memory_space<vmem>>, vector<1x16xf32>,
      %swap3A_449 = vector.shape_cast %swap3A_448 : vector<1x16xf32> to vector<16xf32>
      %swap3A_450 = vector.shape_cast %broadcast_in_dim3A_441 : vector<16xf32> to vector<1x16xf32>
      tpu.vector_store %swap3A_445[%swap3A_446, %swap3A_447], %swap3A_450 {strides = array<i32>} : memref<128x64xf32, #tpu.memory_space<vmem>>, vector<1x16xf32>,
      %scan3A_451 = arith.constant 0 : i32
      scf.yield %scan3A_451 : i32
    }
    %scan3A_18 = arith.constant 128 : i32
    %mul3A_19 = arith.constant 640 : i32
    %mul3A_20 = arith.muli %arg1, %mul3A_19 : i32
    %add3A = arith.constant 0 : i32
    %add3A_21 = arith.addi %mul3A_20, %add3A : i32
    %dma_start3A_22 = arith.constant 0 : i32
    %dma_start3A_23 = arith.constant 0 : i32
    %dma_start3A_24 = arith.constant 0 : i32
    %dma_start3A_25 = tpu.memref_slice %arg8[%dma_start3A_22, %dma_start3A_23, %dma_start3A_24] : memref<5x128x64xf32, #tpu.memory_space<vmem>> -> memref<1x128x64xf32, #tpu.memory_space<vmem>>
    %dma_start3A_26 = tpu.memref_squeeze %dma_start3A_25 : memref<1x128x64xf32, #tpu.memory_space<vmem>> -> memref<128x64xf32, #tpu.memory_space<vmem>>
    %dma_start3A_27 = arith.constant 0 : i32
    %dma_start3A_28 = tpu.memref_slice %arg9[%add3A_21, %dma_start3A_27] : memref<10240x64xf32, #tpu.memory_space<vmem_shared>> -> memref<128x64xf32, #tpu.memory_space<vmem_shared>>
    %dma_start3A_29 = arith.constant 0 : i32
    %dma_start3A_30 = tpu.memref_slice %arg9[%add3A_21, %dma_start3A_29] : memref<10240x64xf32, #tpu.memory_space<vmem_shared>> -> memref<128x64xf32, #tpu.memory_space<vmem_shared>>
    %dma_start3A_31 = arith.constant 0 : i32
    %dma_start3A_32 = arith.constant 0 : i32
    %dma_start3A_33 = tpu.memref_slice %arg8[%dma_start3A_22, %dma_start3A_31, %dma_start3A_32] : memref<5x128x64xf32, #tpu.memory_space<vmem>> -> memref<1x128x64xf32, #tpu.memory_space<vmem>>
    %dma_start3A_34 = tpu.memref_squeeze %dma_start3A_33 : memref<1x128x64xf32, #tpu.memory_space<vmem>> -> memref<128x64xf32, #tpu.memory_space<vmem>>
    tpu.enqueue_dma source(%dma_start3A_34 : memref<128x64xf32, #tpu.memory_space<vmem>>) target(%dma_start3A_30 : memref<128x64xf32, #tpu.memory_space<vmem_shared>>) target_semaphore(%arg12 : memref<!tpu.dma_semaphore, #tpu.memory_space<semaphore_mem>>)
    %mul3A_35 = arith.constant 640 : i32
    %mul3A_36 = arith.muli %arg1, %mul3A_35 : i32
    %add3A_37 = arith.constant 128 : i32
    %add3A_38 = arith.addi %mul3A_36, %add3A_37 : i32
    %dma_start3A_39 = arith.constant 0 : i32
    %dma_start3A_40 = arith.constant 0 : i32
    %dma_start3A_41 = arith.constant 0 : i32
    %dma_start3A_42 = tpu.memref_slice %arg8[%dma_start3A_39, %dma_start3A_40, %dma_start3A_41] : memref<5x128x64xf32, #tpu.memory_space<vmem>> -> memref<1x128x64xf32, #tpu.memory_space<vmem>>
    %dma_start3A_43 = tpu.memref_squeeze %dma_start3A_42 : memref<1x128x64xf32, #tpu.memory_space<vmem>> -> memref<128x64xf32, #tpu.memory_space<vmem>>
    %dma_start3A_44 = arith.constant 0 : i32
    %dma_start3A_45 = tpu.memref_slice %arg9[%add3A_38, %dma_start3A_44] : memref<10240x64xf32, #tpu.memory_space<vmem_shared>> -> memref<128x64xf32, #tpu.memory_space<vmem_shared>>
    %dma_start3A_46 = arith.constant 0 : i32
    %dma_start3A_47 = tpu.memref_slice %arg9[%add3A_38, %dma_start3A_46] : memref<10240x64xf32, #tpu.memory_space<vmem_shared>> -> memref<128x64xf32, #tpu.memory_space<vmem_shared>>
    %dma_start3A_48 = arith.constant 0 : i32
    %dma_start3A_49 = arith.constant 0 : i32
    %dma_start3A_50 = tpu.memref_slice %arg8[%dma_start3A_39, %dma_start3A_48, %dma_start3A_49] : memref<5x128x64xf32, #tpu.memory_space<vmem>> -> memref<1x128x64xf32, #tpu.memory_space<vmem>>
    %dma_start3A_51 = tpu.memref_squeeze %dma_start3A_50 : memref<1x128x64xf32, #tpu.memory_space<vmem>> -> memref<128x64xf32, #tpu.memory_space<vmem>>
    tpu.enqueue_dma source(%dma_start3A_51 : memref<128x64xf32, #tpu.memory_space<vmem>>) target(%dma_start3A_47 : memref<128x64xf32, #tpu.memory_space<vmem_shared>>) target_semaphore(%arg12 : memref<!tpu.dma_semaphore, #tpu.memory_space<semaphore_mem>>)
    %mul3A_52 = arith.constant 640 : i32
    %mul3A_53 = arith.muli %arg1, %mul3A_52 : i32
    %add3A_54 = arith.constant 256 : i32
    %add3A_55 = arith.addi %mul3A_53, %add3A_54 : i32
    %dma_start3A_56 = arith.constant 0 : i32
    %dma_start3A_57 = arith.constant 0 : i32
    %dma_start3A_58 = arith.constant 0 : i32
    %dma_start3A_59 = tpu.memref_slice %arg8[%dma_start3A_56, %dma_start3A_57, %dma_start3A_58] : memref<5x128x64xf32, #tpu.memory_space<vmem>> -> memref<1x128x64xf32, #tpu.memory_space<vmem>>
    %dma_start3A_60 = tpu.memref_squeeze %dma_start3A_59 : memref<1x128x64xf32, #tpu.memory_space<vmem>> -> memref<128x64xf32, #tpu.memory_space<vmem>>
    %dma_start3A_61 = arith.constant 0 : i32
    %dma_start3A_62 = tpu.memref_slice %arg9[%add3A_55, %dma_start3A_61] : memref<10240x64xf32, #tpu.memory_space<vmem_shared>> -> memref<128x64xf32, #tpu.memory_space<vmem_shared>>
    %dma_start3A_63 = arith.constant 0 : i32
    %dma_start3A_64 = tpu.memref_slice %arg9[%add3A_55, %dma_start3A_63] : memref<10240x64xf32, #tpu.memory_space<vmem_shared>> -> memref<128x64xf32, #tpu.memory_space<vmem_shared>>
    %dma_start3A_65 = arith.constant 0 : i32
    %dma_start3A_66 = arith.constant 0 : i32
    %dma_start3A_67 = tpu.memref_slice %arg8[%dma_start3A_56, %dma_start3A_65, %dma_start3A_66] : memref<5x128x64xf32, #tpu.memory_space<vmem>> -> memref<1x128x64xf32, #tpu.memory_space<vmem>>
    %dma_start3A_68 = tpu.memref_squeeze %dma_start3A_67 : memref<1x128x64xf32, #tpu.memory_space<vmem>> -> memref<128x64xf32, #tpu.memory_space<vmem>>
    tpu.enqueue_dma source(%dma_start3A_68 : memref<128x64xf32, #tpu.memory_space<vmem>>) target(%dma_start3A_64 : memref<128x64xf32, #tpu.memory_space<vmem_shared>>) target_semaphore(%arg12 : memref<!tpu.dma_semaphore, #tpu.memory_space<semaphore_mem>>)
    %mul3A_69 = arith.constant 640 : i32
    %mul3A_70 = arith.muli %arg1, %mul3A_69 : i32
    %add3A_71 = arith.constant 384 : i32
    %add3A_72 = arith.addi %mul3A_70, %add3A_71 : i32
    %dma_start3A_73 = arith.constant 0 : i32
    %dma_start3A_74 = arith.constant 0 : i32
    %dma_start3A_75 = arith.constant 0 : i32
    %dma_start3A_76 = tpu.memref_slice %arg8[%dma_start3A_73, %dma_start3A_74, %dma_start3A_75] : memref<5x128x64xf32, #tpu.memory_space<vmem>> -> memref<1x128x64xf32, #tpu.memory_space<vmem>>
    %dma_start3A_77 = tpu.memref_squeeze %dma_start3A_76 : memref<1x128x64xf32, #tpu.memory_space<vmem>> -> memref<128x64xf32, #tpu.memory_space<vmem>>
    %dma_start3A_78 = arith.constant 0 : i32
    %dma_start3A_79 = tpu.memref_slice %arg9[%add3A_72, %dma_start3A_78] : memref<10240x64xf32, #tpu.memory_space<vmem_shared>> -> memref<128x64xf32, #tpu.memory_space<vmem_shared>>
    %dma_start3A_80 = arith.constant 0 : i32
    %dma_start3A_81 = tpu.memref_slice %arg9[%add3A_72, %dma_start3A_80] : memref<10240x64xf32, #tpu.memory_space<vmem_shared>> -> memref<128x64xf32, #tpu.memory_space<vmem_shared>>
    %dma_start3A_82 = arith.constant 0 : i32
    %dma_start3A_83 = arith.constant 0 : i32
    %dma_start3A_84 = tpu.memref_slice %arg8[%dma_start3A_73, %dma_start3A_82, %dma_start3A_83] : memref<5x128x64xf32, #tpu.memory_space<vmem>> -> memref<1x128x64xf32, #tpu.memory_space<vmem>>
    %dma_start3A_85 = tpu.memref_squeeze %dma_start3A_84 : memref<1x128x64xf32, #tpu.memory_space<vmem>> -> memref<128x64xf32, #tpu.memory_space<vmem>>
    tpu.enqueue_dma source(%dma_start3A_85 : memref<128x64xf32, #tpu.memory_space<vmem>>) target(%dma_start3A_81 : memref<128x64xf32, #tpu.memory_space<vmem_shared>>) target_semaphore(%arg12 : memref<!tpu.dma_semaphore, #tpu.memory_space<semaphore_mem>>)
    %mul3A_86 = arith.constant 640 : i32
    %mul3A_87 = arith.muli %arg1, %mul3A_86 : i32
    %add3A_88 = arith.constant 512 : i32
    %add3A_89 = arith.addi %mul3A_87, %add3A_88 : i32
    %dma_start3A_90 = arith.constant 0 : i32
    %dma_start3A_91 = arith.constant 0 : i32
    %dma_start3A_92 = arith.constant 0 : i32
    %dma_start3A_93 = tpu.memref_slice %arg8[%dma_start3A_90, %dma_start3A_91, %dma_start3A_92] : memref<5x128x64xf32, #tpu.memory_space<vmem>> -> memref<1x128x64xf32, #tpu.memory_space<vmem>>
    %dma_start3A_94 = tpu.memref_squeeze %dma_start3A_93 : memref<1x128x64xf32, #tpu.memory_space<vmem>> -> memref<128x64xf32, #tpu.memory_space<vmem>>
    %dma_start3A_95 = arith.constant 0 : i32
    %dma_start3A_96 = tpu.memref_slice %arg9[%add3A_89, %dma_start3A_95] : memref<10240x64xf32, #tpu.memory_space<vmem_shared>> -> memref<128x64xf32, #tpu.memory_space<vmem_shared>>
    %dma_start3A_97 = arith.constant 0 : i32
    %dma_start3A_98 = tpu.memref_slice %arg9[%add3A_89, %dma_start3A_97] : memref<10240x64xf32, #tpu.memory_space<vmem_shared>> -> memref<128x64xf32, #tpu.memory_space<vmem_shared>>
    %dma_start3A_99 = arith.constant 0 : i32
    %dma_start3A_100 = arith.constant 0 : i32
    %dma_start3A_101 = tpu.memref_slice %arg8[%dma_start3A_90, %dma_start3A_99, %dma_start3A_100] : memref<5x128x64xf32, #tpu.memory_space<vmem>> -> memref<1x128x64xf32, #tpu.memory_space<vmem>>
    %dma_start3A_102 = tpu.memref_squeeze %dma_start3A_101 : memref<1x128x64xf32, #tpu.memory_space<vmem>> -> memref<128x64xf32, #tpu.memory_space<vmem>>
    tpu.enqueue_dma source(%dma_start3A_102 : memref<128x64xf32, #tpu.memory_space<vmem>>) target(%dma_start3A_98 : memref<128x64xf32, #tpu.memory_space<vmem_shared>>) target_semaphore(%arg12 : memref<!tpu.dma_semaphore, #tpu.memory_space<semaphore_mem>>)
    %mul3A_103 = arith.constant 640 : i32
    %mul3A_104 = arith.muli %arg1, %mul3A_103 : i32
    %add3A_105 = arith.constant 0 : i32
    %add3A_106 = arith.addi %mul3A_104, %add3A_105 : i32
    %dma_wait3A = arith.constant 0 : i32
    %dma_wait3A_107 = arith.constant 0 : i32
    %dma_wait3A_108 = arith.constant 0 : i32
    %dma_wait3A_109 = tpu.memref_slice %arg8[%dma_wait3A, %dma_wait3A_107, %dma_wait3A_108] : memref<5x128x64xf32, #tpu.memory_space<vmem>> -> memref<1x128x64xf32, #tpu.memory_space<vmem>>
    %dma_wait3A_110 = tpu.memref_squeeze %dma_wait3A_109 : memref<1x128x64xf32, #tpu.memory_space<vmem>> -> memref<128x64xf32, #tpu.memory_space<vmem>>
    %dma_wait3A_111 = arith.constant 0 : i32
    %dma_wait3A_112 = tpu.memref_slice %arg9[%add3A_106, %dma_wait3A_111] : memref<10240x64xf32, #tpu.memory_space<vmem_shared>> -> memref<128x64xf32, #tpu.memory_space<vmem_shared>>
    %dma_wait3A_113 = arith.constant 0 : i32
    %dma_wait3A_114 = tpu.memref_slice %arg9[%add3A_106, %dma_wait3A_113] : memref<10240x64xf32, #tpu.memory_space<vmem_shared>> -> memref<128x64xf32, #tpu.memory_space<vmem_shared>>
    %dma_wait3A_115 = arith.constant 0 : i32
    %dma_wait3A_116 = arith.constant 0 : i32
    %dma_wait3A_117 = tpu.memref_slice %arg8[%dma_wait3A, %dma_wait3A_115, %dma_wait3A_116] : memref<5x128x64xf32, #tpu.memory_space<vmem>> -> memref<1x128x64xf32, #tpu.memory_space<vmem>>
    %dma_wait3A_118 = tpu.memref_squeeze %dma_wait3A_117 : memref<1x128x64xf32, #tpu.memory_space<vmem>> -> memref<128x64xf32, #tpu.memory_space<vmem>>
    tpu.wait_dma2 semaphore(%arg12 : memref<!tpu.dma_semaphore, #tpu.memory_space<semaphore_mem>>) src(%dma_wait3A_118 : memref<128x64xf32, #tpu.memory_space<vmem>>) dst(%dma_wait3A_114 : memref<128x64xf32, #tpu.memory_space<vmem_shared>>)
    %mul3A_119 = arith.constant 640 : i32
    %mul3A_120 = arith.muli %arg1, %mul3A_119 : i32
    %add3A_121 = arith.constant 128 : i32
    %add3A_122 = arith.addi %mul3A_120, %add3A_121 : i32
    %dma_wait3A_123 = arith.constant 0 : i32
    %dma_wait3A_124 = arith.constant 0 : i32
    %dma_wait3A_125 = arith.constant 0 : i32
    %dma_wait3A_126 = tpu.memref_slice %arg8[%dma_wait3A_123, %dma_wait3A_124, %dma_wait3A_125] : memref<5x128x64xf32, #tpu.memory_space<vmem>> -> memref<1x128x64xf32, #tpu.memory_space<vmem>>
    %dma_wait3A_127 = tpu.memref_squeeze %dma_wait3A_126 : memref<1x128x64xf32, #tpu.memory_space<vmem>> -> memref<128x64xf32, #tpu.memory_space<vmem>>
    %dma_wait3A_128 = arith.constant 0 : i32
    %dma_wait3A_129 = tpu.memref_slice %arg9[%add3A_122, %dma_wait3A_128] : memref<10240x64xf32, #tpu.memory_space<vmem_shared>> -> memref<128x64xf32, #tpu.memory_space<vmem_shared>>
    %dma_wait3A_130 = arith.constant 0 : i32
    %dma_wait3A_131 = tpu.memref_slice %arg9[%add3A_122, %dma_wait3A_130] : memref<10240x64xf32, #tpu.memory_space<vmem_shared>> -> memref<128x64xf32, #tpu.memory_space<vmem_shared>>
    %dma_wait3A_132 = arith.constant 0 : i32
    %dma_wait3A_133 = arith.constant 0 : i32
    %dma_wait3A_134 = tpu.memref_slice %arg8[%dma_wait3A_123, %dma_wait3A_132, %dma_wait3A_133] : memref<5x128x64xf32, #tpu.memory_space<vmem>> -> memref<1x128x64xf32, #tpu.memory_space<vmem>>
    %dma_wait3A_135 = tpu.memref_squeeze %dma_wait3A_134 : memref<1x128x64xf32, #tpu.memory_space<vmem>> -> memref<128x64xf32, #tpu.memory_space<vmem>>
    tpu.wait_dma2 semaphore(%arg12 : memref<!tpu.dma_semaphore, #tpu.memory_space<semaphore_mem>>) src(%dma_wait3A_135 : memref<128x64xf32, #tpu.memory_space<vmem>>) dst(%dma_wait3A_131 : memref<128x64xf32, #tpu.memory_space<vmem_shared>>)
    %mul3A_136 = arith.constant 640 : i32
    %mul3A_137 = arith.muli %arg1, %mul3A_136 : i32
    %add3A_138 = arith.constant 256 : i32
    %add3A_139 = arith.addi %mul3A_137, %add3A_138 : i32
    %dma_wait3A_140 = arith.constant 0 : i32
    %dma_wait3A_141 = arith.constant 0 : i32
    %dma_wait3A_142 = arith.constant 0 : i32
    %dma_wait3A_143 = tpu.memref_slice %arg8[%dma_wait3A_140, %dma_wait3A_141, %dma_wait3A_142] : memref<5x128x64xf32, #tpu.memory_space<vmem>> -> memref<1x128x64xf32, #tpu.memory_space<vmem>>
    %dma_wait3A_144 = tpu.memref_squeeze %dma_wait3A_143 : memref<1x128x64xf32, #tpu.memory_space<vmem>> -> memref<128x64xf32, #tpu.memory_space<vmem>>
    %dma_wait3A_145 = arith.constant 0 : i32
    %dma_wait3A_146 = tpu.memref_slice %arg9[%add3A_139, %dma_wait3A_145] : memref<10240x64xf32, #tpu.memory_space<vmem_shared>> -> memref<128x64xf32, #tpu.memory_space<vmem_shared>>
    %dma_wait3A_147 = arith.constant 0 : i32
    %dma_wait3A_148 = tpu.memref_slice %arg9[%add3A_139, %dma_wait3A_147] : memref<10240x64xf32, #tpu.memory_space<vmem_shared>> -> memref<128x64xf32, #tpu.memory_space<vmem_shared>>
    %dma_wait3A_149 = arith.constant 0 : i32
    %dma_wait3A_150 = arith.constant 0 : i32
    %dma_wait3A_151 = tpu.memref_slice %arg8[%dma_wait3A_140, %dma_wait3A_149, %dma_wait3A_150] : memref<5x128x64xf32, #tpu.memory_space<vmem>> -> memref<1x128x64xf32, #tpu.memory_space<vmem>>
    %dma_wait3A_152 = tpu.memref_squeeze %dma_wait3A_151 : memref<1x128x64xf32, #tpu.memory_space<vmem>> -> memref<128x64xf32, #tpu.memory_space<vmem>>
    tpu.wait_dma2 semaphore(%arg12 : memref<!tpu.dma_semaphore, #tpu.memory_space<semaphore_mem>>) src(%dma_wait3A_152 : memref<128x64xf32, #tpu.memory_space<vmem>>) dst(%dma_wait3A_148 : memref<128x64xf32, #tpu.memory_space<vmem_shared>>)
    %mul3A_153 = arith.constant 640 : i32
    %mul3A_154 = arith.muli %arg1, %mul3A_153 : i32
    %add3A_155 = arith.constant 384 : i32
    %add3A_156 = arith.addi %mul3A_154, %add3A_155 : i32
    %dma_wait3A_157 = arith.constant 0 : i32
    %dma_wait3A_158 = arith.constant 0 : i32
    %dma_wait3A_159 = arith.constant 0 : i32
    %dma_wait3A_160 = tpu.memref_slice %arg8[%dma_wait3A_157, %dma_wait3A_158, %dma_wait3A_159] : memref<5x128x64xf32, #tpu.memory_space<vmem>> -> memref<1x128x64xf32, #tpu.memory_space<vmem>>
    %dma_wait3A_161 = tpu.memref_squeeze %dma_wait3A_160 : memref<1x128x64xf32, #tpu.memory_space<vmem>> -> memref<128x64xf32, #tpu.memory_space<vmem>>
    %dma_wait3A_162 = arith.constant 0 : i32
    %dma_wait3A_163 = tpu.memref_slice %arg9[%add3A_156, %dma_wait3A_162] : memref<10240x64xf32, #tpu.memory_space<vmem_shared>> -> memref<128x64xf32, #tpu.memory_space<vmem_shared>>
    %dma_wait3A_164 = arith.constant 0 : i32
    %dma_wait3A_165 = tpu.memref_slice %arg9[%add3A_156, %dma_wait3A_164] : memref<10240x64xf32, #tpu.memory_space<vmem_shared>> -> memref<128x64xf32, #tpu.memory_space<vmem_shared>>
    %dma_wait3A_166 = arith.constant 0 : i32
    %dma_wait3A_167 = arith.constant 0 : i32
    %dma_wait3A_168 = tpu.memref_slice %arg8[%dma_wait3A_157, %dma_wait3A_166, %dma_wait3A_167] : memref<5x128x64xf32, #tpu.memory_space<vmem>> -> memref<1x128x64xf32, #tpu.memory_space<vmem>>
    %dma_wait3A_169 = tpu.memref_squeeze %dma_wait3A_168 : memref<1x128x64xf32, #tpu.memory_space<vmem>> -> memref<128x64xf32, #tpu.memory_space<vmem>>
    tpu.wait_dma2 semaphore(%arg12 : memref<!tpu.dma_semaphore, #tpu.memory_space<semaphore_mem>>) src(%dma_wait3A_169 : memref<128x64xf32, #tpu.memory_space<vmem>>) dst(%dma_wait3A_165 : memref<128x64xf32, #tpu.memory_space<vmem_shared>>)
    %mul3A_170 = arith.constant 640 : i32
    %mul3A_171 = arith.muli %arg1, %mul3A_170 : i32
    %add3A_172 = arith.constant 512 : i32
    %add3A_173 = arith.addi %mul3A_171, %add3A_172 : i32
    %dma_wait3A_174 = arith.constant 0 : i32
    %dma_wait3A_175 = arith.constant 0 : i32
    %dma_wait3A_176 = arith.constant 0 : i32
    %dma_wait3A_177 = tpu.memref_slice %arg8[%dma_wait3A_174, %dma_wait3A_175, %dma_wait3A_176] : memref<5x128x64xf32, #tpu.memory_space<vmem>> -> memref<1x128x64xf32, #tpu.memory_space<vmem>>
    %dma_wait3A_178 = tpu.memref_squeeze %dma_wait3A_177 : memref<1x128x64xf32, #tpu.memory_space<vmem>> -> memref<128x64xf32, #tpu.memory_space<vmem>>
    %dma_wait3A_179 = arith.constant 0 : i32
    %dma_wait3A_180 = tpu.memref_slice %arg9[%add3A_173, %dma_wait3A_179] : memref<10240x64xf32, #tpu.memory_space<vmem_shared>> -> memref<128x64xf32, #tpu.memory_space<vmem_shared>>
    %dma_wait3A_181 = arith.constant 0 : i32
    %dma_wait3A_182 = tpu.memref_slice %arg9[%add3A_173, %dma_wait3A_181] : memref<10240x64xf32, #tpu.memory_space<vmem_shared>> -> memref<128x64xf32, #tpu.memory_space<vmem_shared>>
    %dma_wait3A_183 = arith.constant 0 : i32
    %dma_wait3A_184 = arith.constant 0 : i32
    %dma_wait3A_185 = tpu.memref_slice %arg8[%dma_wait3A_174, %dma_wait3A_183, %dma_wait3A_184] : memref<5x128x64xf32, #tpu.memory_space<vmem>> -> memref<1x128x64xf32, #tpu.memory_space<vmem>>
    %dma_wait3A_186 = tpu.memref_squeeze %dma_wait3A_185 : memref<1x128x64xf32, #tpu.memory_space<vmem>> -> memref<128x64xf32, #tpu.memory_space<vmem>>
    tpu.wait_dma2 semaphore(%arg12 : memref<!tpu.dma_semaphore, #tpu.memory_space<semaphore_mem>>) src(%dma_wait3A_186 : memref<128x64xf32, #tpu.memory_space<vmem>>) dst(%dma_wait3A_182 : memref<128x64xf32, #tpu.memory_space<vmem_shared>>)
    %mul3A_187 = arith.constant 160 : i32
    %mul3A_188 = arith.muli %arg1, %mul3A_187 : i32
    %dma_wait3A_189 = arith.constant 0 : i32
    %dma_wait3A_190 = tpu.memref_slice %arg3[%arg0, %mul3A_188, %dma_wait3A_189] : memref<2x2560x128xi32, #tpu.memory_space<hbm>> -> memref<1x160x128xi32, #tpu.memory_space<hbm>>
    %dma_wait3A_191 = tpu.memref_squeeze %dma_wait3A_190 : memref<1x160x128xi32, #tpu.memory_space<hbm>> -> memref<160x128xi32, #tpu.memory_space<hbm>>
    %dma_wait3A_192 = arith.constant 0 : i32
    %dma_wait3A_193 = tpu.memref_slice %arg3[%arg0, %mul3A_188, %dma_wait3A_192] : memref<2x2560x128xi32, #tpu.memory_space<hbm>> -> memref<1x160x128xi32, #tpu.memory_space<hbm>>
    %dma_wait3A_194 = tpu.memref_squeeze %dma_wait3A_193 : memref<1x160x128xi32, #tpu.memory_space<hbm>> -> memref<160x128xi32, #tpu.memory_space<hbm>>
    tpu.wait_dma2 semaphore(%arg10 : memref<!tpu.dma_semaphore, #tpu.memory_space<semaphore_mem>>) src(%dma_wait3A_194 : memref<160x128xi32, #tpu.memory_space<hbm>>) dst(%arg6 : memref<160x128xi32, #tpu.memory_space<vmem>>)
    %mul3A_195 = arith.constant 160 : i32
    %mul3A_196 = arith.muli %arg1, %mul3A_195 : i32
    %dma_wait3A_197 = arith.constant 0 : i32
    %dma_wait3A_198 = tpu.memref_slice %arg4[%mul3A_196, %dma_wait3A_197] : memref<2560x128xi32, #tpu.memory_space<hbm>> -> memref<160x128xi32, #tpu.memory_space<hbm>>
    %dma_wait3A_199 = arith.constant 0 : i32
    %dma_wait3A_200 = tpu.memref_slice %arg4[%mul3A_196, %dma_wait3A_199] : memref<2560x128xi32, #tpu.memory_space<hbm>> -> memref<160x128xi32, #tpu.memory_space<hbm>>
    tpu.wait_dma2 semaphore(%arg11 : memref<!tpu.dma_semaphore, #tpu.memory_space<semaphore_mem>>) src(%dma_wait3A_200 : memref<160x128xi32, #tpu.memory_space<hbm>>) dst(%arg7 : memref<160x128xi32, #tpu.memory_space<vmem>>)
    %barrier3A = arith.constant 0 : index
    tpu.barrier barrier_id(%barrier3A)
    %dma_start3A_201 = arith.constant 0 : i32
    %dma_start3A_202 = arith.constant 0 : i32
    %dma_start3A_203 = arith.constant 0 : i32
    %dma_start3A_204 = arith.constant 0 : i32
    %dma_start3A_205 = tpu.memref_slice %arg8[%dma_start3A_202, %dma_start3A_203, %dma_start3A_204] : memref<5x128x64xf32, #tpu.memory_space<vmem>> -> memref<1x128x64xf32, #tpu.memory_space<vmem>>
    %dma_start3A_206 = tpu.memref_squeeze %dma_start3A_205 : memref<1x128x64xf32, #tpu.memory_space<vmem>> -> memref<128x64xf32, #tpu.memory_space<vmem>>
    %dma_start3A_207 = arith.constant 0 : i32
    %dma_start3A_208 = tpu.memref_slice %arg6[%dma_start3A_201, %dma_start3A_207] : memref<160x128xi32, #tpu.memory_space<vmem>> -> memref<1x128xi32, #tpu.memory_space<vmem>>
    %dma_start3A_209 = tpu.memref_squeeze %dma_start3A_208 : memref<1x128xi32, #tpu.memory_space<vmem>> -> memref<128xi32, #tpu.memory_space<vmem>>
    %dma_start3A_210 = arith.constant 0 : i32
    %dma_start3A_211 = arith.constant 0 : i32
    %dma_start3A_212 = tpu.memref_slice %arg2[%dma_start3A_210, %dma_start3A_211] : memref<20480x64xf32, #tpu.memory_space<hbm>> -> memref<20480x64xf32, #tpu.memory_space<hbm>>
    tpu.enqueue_indirect_dma source(%dma_start3A_212 : memref<20480x64xf32, #tpu.memory_space<hbm>>) target(%dma_start3A_206 : memref<128x64xf32, #tpu.memory_space<vmem>>) offsets(%dma_start3A_209 : memref<128xi32, #tpu.memory_space<vmem>>) semaphore(%arg10 : memref<!tpu.dma_semaphore, #tpu.memory_space<semaphore_mem>>)
    %dma_start3A_213 = arith.constant 1 : i32
    %dma_start3A_214 = arith.constant 1 : i32
    %dma_start3A_215 = arith.constant 0 : i32
    %dma_start3A_216 = arith.constant 0 : i32
    %dma_start3A_217 = tpu.memref_slice %arg8[%dma_start3A_214, %dma_start3A_215, %dma_start3A_216] : memref<5x128x64xf32, #tpu.memory_space<vmem>> -> memref<1x128x64xf32, #tpu.memory_space<vmem>>
    %dma_start3A_218 = tpu.memref_squeeze %dma_start3A_217 : memref<1x128x64xf32, #tpu.memory_space<vmem>> -> memref<128x64xf32, #tpu.memory_space<vmem>>
    %dma_start3A_219 = arith.constant 0 : i32
    %dma_start3A_220 = tpu.memref_slice %arg6[%dma_start3A_213, %dma_start3A_219] : memref<160x128xi32, #tpu.memory_space<vmem>> -> memref<1x128xi32, #tpu.memory_space<vmem>>
    %dma_start3A_221 = tpu.memref_squeeze %dma_start3A_220 : memref<1x128xi32, #tpu.memory_space<vmem>> -> memref<128xi32, #tpu.memory_space<vmem>>
    %dma_start3A_222 = arith.constant 0 : i32
    %dma_start3A_223 = arith.constant 0 : i32
    %dma_start3A_224 = tpu.memref_slice %arg2[%dma_start3A_222, %dma_start3A_223] : memref<20480x64xf32, #tpu.memory_space<hbm>> -> memref<20480x64xf32, #tpu.memory_space<hbm>>
    tpu.enqueue_indirect_dma source(%dma_start3A_224 : memref<20480x64xf32, #tpu.memory_space<hbm>>) target(%dma_start3A_218 : memref<128x64xf32, #tpu.memory_space<vmem>>) offsets(%dma_start3A_221 : memref<128xi32, #tpu.memory_space<vmem>>) semaphore(%arg11 : memref<!tpu.dma_semaphore, #tpu.memory_space<semaphore_mem>>)
    %dma_start3A_225 = arith.constant 2 : i32
    %dma_start3A_226 = arith.constant 2 : i32
    %dma_start3A_227 = arith.constant 0 : i32
    %dma_start3A_228 = arith.constant 0 : i32
    %dma_start3A_229 = tpu.memref_slice %arg8[%dma_start3A_226, %dma_start3A_227, %dma_start3A_228] : memref<5x128x64xf32, #tpu.memory_space<vmem>> -> memref<1x128x64xf32, #tpu.memory_space<vmem>>
    %dma_start3A_230 = tpu.memref_squeeze %dma_start3A_229 : memref<1x128x64xf32, #tpu.memory_space<vmem>> -> memref<128x64xf32, #tpu.memory_space<vmem>>
    %dma_start3A_231 = arith.constant 0 : i32
    %dma_start3A_232 = tpu.memref_slice %arg6[%dma_start3A_225, %dma_start3A_231] : memref<160x128xi32, #tpu.memory_space<vmem>> -> memref<1x128xi32, #tpu.memory_space<vmem>>
    %dma_start3A_233 = tpu.memref_squeeze %dma_start3A_232 : memref<1x128xi32, #tpu.memory_space<vmem>> -> memref<128xi32, #tpu.memory_space<vmem>>
    %dma_start3A_234 = arith.constant 0 : i32
    %dma_start3A_235 = arith.constant 0 : i32
    %dma_start3A_236 = tpu.memref_slice %arg2[%dma_start3A_234, %dma_start3A_235] : memref<20480x64xf32, #tpu.memory_space<hbm>> -> memref<20480x64xf32, #tpu.memory_space<hbm>>
    tpu.enqueue_indirect_dma source(%dma_start3A_236 : memref<20480x64xf32, #tpu.memory_space<hbm>>) target(%dma_start3A_230 : memref<128x64xf32, #tpu.memory_space<vmem>>) offsets(%dma_start3A_233 : memref<128xi32, #tpu.memory_space<vmem>>) semaphore(%arg12 : memref<!tpu.dma_semaphore, #tpu.memory_space<semaphore_mem>>)
    %dma_start3A_237 = arith.constant 3 : i32
    %dma_start3A_238 = arith.constant 3 : i32
    %dma_start3A_239 = arith.constant 0 : i32
    %dma_start3A_240 = arith.constant 0 : i32
    %dma_start3A_241 = tpu.memref_slice %arg8[%dma_start3A_238, %dma_start3A_239, %dma_start3A_240] : memref<5x128x64xf32, #tpu.memory_space<vmem>> -> memref<1x128x64xf32, #tpu.memory_space<vmem>>
    %dma_start3A_242 = tpu.memref_squeeze %dma_start3A_241 : memref<1x128x64xf32, #tpu.memory_space<vmem>> -> memref<128x64xf32, #tpu.memory_space<vmem>>
    %dma_start3A_243 = arith.constant 0 : i32
    %dma_start3A_244 = tpu.memref_slice %arg6[%dma_start3A_237, %dma_start3A_243] : memref<160x128xi32, #tpu.memory_space<vmem>> -> memref<1x128xi32, #tpu.memory_space<vmem>>
    %dma_start3A_245 = tpu.memref_squeeze %dma_start3A_244 : memref<1x128xi32, #tpu.memory_space<vmem>> -> memref<128xi32, #tpu.memory_space<vmem>>
    %dma_start3A_246 = arith.constant 0 : i32
    %dma_start3A_247 = arith.constant 0 : i32
    %dma_start3A_248 = tpu.memref_slice %arg2[%dma_start3A_246, %dma_start3A_247] : memref<20480x64xf32, #tpu.memory_space<hbm>> -> memref<20480x64xf32, #tpu.memory_space<hbm>>
    tpu.enqueue_indirect_dma source(%dma_start3A_248 : memref<20480x64xf32, #tpu.memory_space<hbm>>) target(%dma_start3A_242 : memref<128x64xf32, #tpu.memory_space<vmem>>) offsets(%dma_start3A_245 : memref<128xi32, #tpu.memory_space<vmem>>) semaphore(%arg13 : memref<!tpu.dma_semaphore, #tpu.memory_space<semaphore_mem>>)
    %scan3A_249 = arith.constant 0 : i32
    %scan3A_250 = arith.constant 0 : i32
    %scan3A_251 = arith.constant 32 : i32
    %scan3A_252 = arith.addi %scan3A_250, %scan3A_251 : i32
    %scan3A_253 = arith.constant 1 : i32
    %scan3A_254 = scf.for %scan3A_407 = %scan3A_250 to %scan3A_252 step %scan3A_253 iter_args(%scan3A_408 = %scan3A_249) -> (i32)  : i32 {
      %mul3A_409 = arith.constant 5 : i32
      %mul3A_410 = arith.muli %mul3A_409, %scan3A_407 : i32
      %add3A_411 = arith.constant 0 : i32
      %add3A_412 = arith.addi %mul3A_410, %add3A_411 : i32
      %dma_wait3A_413 = arith.constant 0 : i32
      %dma_wait3A_414 = arith.constant 0 : i32
      %dma_wait3A_415 = arith.constant 0 : i32
      %dma_wait3A_416 = tpu.memref_slice %arg8[%dma_wait3A_413, %dma_wait3A_414, %dma_wait3A_415] : memref<5x128x64xf32, #tpu.memory_space<vmem>> -> memref<1x128x64xf32, #tpu.memory_space<vmem>>
      %dma_wait3A_417 = tpu.memref_squeeze %dma_wait3A_416 : memref<1x128x64xf32, #tpu.memory_space<vmem>> -> memref<128x64xf32, #tpu.memory_space<vmem>>
      %dma_wait3A_418 = arith.constant 0 : i32
      %dma_wait3A_419 = tpu.memref_slice %arg6[%add3A_412, %dma_wait3A_418] : memref<160x128xi32, #tpu.memory_space<vmem>> -> memref<1x128xi32, #tpu.memory_space<vmem>>
      %dma_wait3A_420 = tpu.memref_squeeze %dma_wait3A_419 : memref<1x128xi32, #tpu.memory_space<vmem>> -> memref<128xi32, #tpu.memory_space<vmem>>
      %dma_wait3A_421 = arith.constant 0 : i32
      %dma_wait3A_422 = arith.constant 0 : i32
      %dma_wait3A_423 = tpu.memref_slice %arg2[%dma_wait3A_421, %dma_wait3A_422] : memref<20480x64xf32, #tpu.memory_space<hbm>> -> memref<20480x64xf32, #tpu.memory_space<hbm>>
      tpu.wait_indirect_dma semaphore(%arg10 : memref<!tpu.dma_semaphore, #tpu.memory_space<semaphore_mem>>) src(%dma_wait3A_423 : memref<20480x64xf32, #tpu.memory_space<hbm>>) dst(%dma_wait3A_417 : memref<128x64xf32, #tpu.memory_space<vmem>>)
      %ge3A = arith.constant 1 : i32
      %ge3A_424 = arith.cmpi sge, %add3A_412, %ge3A : i32
      %add3A_425 = arith.constant 4 : i32
      %add3A_426 = arith.addi %add3A_412, %add3A_425 : i32
      %lt3A = arith.constant 160 : i32
      %lt3A_427 = arith.cmpi slt, %add3A_426, %lt3A : i32
      %and3A = arith.andi %ge3A_424, %lt3A_427 : i1
      %convert_element_type3A = arith.extui %and3A : i1 to i32
      %cond3A = arith.constant 0 : i32
      %cond3A_428 = arith.cmpi ne, %convert_element_type3A, %cond3A : i32
      scf.if %cond3A_428 {
        %sub3A = arith.constant 1 : i32
        %sub3A_620 = arith.subi %add3A_412, %sub3A : i32
        %dma_wait3A_621 = arith.constant 4 : i32
        %dma_wait3A_622 = arith.constant 0 : i32
        %dma_wait3A_623 = arith.constant 0 : i32
        %dma_wait3A_624 = tpu.memref_slice %arg8[%dma_wait3A_621, %dma_wait3A_622, %dma_wait3A_623] : memref<5x128x64xf32, #tpu.memory_space<vmem>> -> memref<1x128x64xf32, #tpu.memory_space<vmem>>
        %dma_wait3A_625 = tpu.memref_squeeze %dma_wait3A_624 : memref<1x128x64xf32, #tpu.memory_space<vmem>> -> memref<128x64xf32, #tpu.memory_space<vmem>>
        %dma_wait3A_626 = arith.constant 0 : i32
        %dma_wait3A_627 = tpu.memref_slice %arg7[%sub3A_620, %dma_wait3A_626] : memref<160x128xi32, #tpu.memory_space<vmem>> -> memref<1x128xi32, #tpu.memory_space<vmem>>
        %dma_wait3A_628 = tpu.memref_squeeze %dma_wait3A_627 : memref<1x128xi32, #tpu.memory_space<vmem>> -> memref<128xi32, #tpu.memory_space<vmem>>
        %dma_wait3A_629 = arith.constant 0 : i32
        %dma_wait3A_630 = arith.constant 0 : i32
        %dma_wait3A_631 = tpu.memref_slice %arg9[%dma_wait3A_629, %dma_wait3A_630] : memref<10240x64xf32, #tpu.memory_space<vmem_shared>> -> memref<10240x64xf32, #tpu.memory_space<vmem_shared>>
        tpu.wait_indirect_dma semaphore(%arg19 : memref<!tpu.dma_semaphore, #tpu.memory_space<semaphore_mem>>) src(%dma_wait3A_625 : memref<128x64xf32, #tpu.memory_space<vmem>>) dst(%dma_wait3A_631 : memref<10240x64xf32, #tpu.memory_space<vmem_shared>>)
      } else {
      }
      %add3A_429 = arith.constant 4 : i32
      %add3A_430 = arith.addi %add3A_412, %add3A_429 : i32
      %lt3A_431 = arith.constant 160 : i32
      %lt3A_432 = arith.cmpi slt, %add3A_430, %lt3A_431 : i32
      %convert_element_type3A_433 = arith.extui %lt3A_432 : i1 to i32
      %cond3A_434 = arith.constant 0 : i32
      %cond3A_435 = arith.cmpi ne, %convert_element_type3A_433, %cond3A_434 : i32
      scf.if %cond3A_435 {
        %add3A_620 = arith.constant 4 : i32
        %add3A_621 = arith.addi %add3A_412, %add3A_620 : i32
        %dma_start3A_622 = arith.constant 4 : i32
        %dma_start3A_623 = arith.constant 0 : i32
        %dma_start3A_624 = arith.constant 0 : i32
        %dma_start3A_625 = tpu.memref_slice %arg8[%dma_start3A_622, %dma_start3A_623, %dma_start3A_624] : memref<5x128x64xf32, #tpu.memory_space<vmem>> -> memref<1x128x64xf32, #tpu.memory_space<vmem>>
        %dma_start3A_626 = tpu.memref_squeeze %dma_start3A_625 : memref<1x128x64xf32, #tpu.memory_space<vmem>> -> memref<128x64xf32, #tpu.memory_space<vmem>>
        %dma_start3A_627 = arith.constant 0 : i32
        %dma_start3A_628 = tpu.memref_slice %arg6[%add3A_621, %dma_start3A_627] : memref<160x128xi32, #tpu.memory_space<vmem>> -> memref<1x128xi32, #tpu.memory_space<vmem>>
        %dma_start3A_629 = tpu.memref_squeeze %dma_start3A_628 : memref<1x128xi32, #tpu.memory_space<vmem>> -> memref<128xi32, #tpu.memory_space<vmem>>
        %dma_start3A_630 = arith.constant 0 : i32
        %dma_start3A_631 = arith.constant 0 : i32
        %dma_start3A_632 = tpu.memref_slice %arg2[%dma_start3A_630, %dma_start3A_631] : memref<20480x64xf32, #tpu.memory_space<hbm>> -> memref<20480x64xf32, #tpu.memory_space<hbm>>
        tpu.enqueue_indirect_dma source(%dma_start3A_632 : memref<20480x64xf32, #tpu.memory_space<hbm>>) target(%dma_start3A_626 : memref<128x64xf32, #tpu.memory_space<vmem>>) offsets(%dma_start3A_629 : memref<128xi32, #tpu.memory_space<vmem>>) semaphore(%arg14 : memref<!tpu.dma_semaphore, #tpu.memory_space<semaphore_mem>>)
      } else {
      }
      %dma_start3A_436 = arith.constant 0 : i32
      %dma_start3A_437 = arith.constant 0 : i32
      %dma_start3A_438 = arith.constant 0 : i32
      %dma_start3A_439 = tpu.memref_slice %arg8[%dma_start3A_436, %dma_start3A_437, %dma_start3A_438] : memref<5x128x64xf32, #tpu.memory_space<vmem>> -> memref<1x128x64xf32, #tpu.memory_space<vmem>>
      %dma_start3A_440 = tpu.memref_squeeze %dma_start3A_439 : memref<1x128x64xf32, #tpu.memory_space<vmem>> -> memref<128x64xf32, #tpu.memory_space<vmem>>
      %dma_start3A_441 = arith.constant 0 : i32
      %dma_start3A_442 = tpu.memref_slice %arg7[%add3A_412, %dma_start3A_441] : memref<160x128xi32, #tpu.memory_space<vmem>> -> memref<1x128xi32, #tpu.memory_space<vmem>>
      %dma_start3A_443 = tpu.memref_squeeze %dma_start3A_442 : memref<1x128xi32, #tpu.memory_space<vmem>> -> memref<128xi32, #tpu.memory_space<vmem>>
      %dma_start3A_444 = arith.constant 0 : i32
      %dma_start3A_445 = arith.constant 0 : i32
      %dma_start3A_446 = tpu.memref_slice %arg9[%dma_start3A_444, %dma_start3A_445] : memref<10240x64xf32, #tpu.memory_space<vmem_shared>> -> memref<10240x64xf32, #tpu.memory_space<vmem_shared>>
      tpu.enqueue_indirect_dma source(%dma_start3A_440 : memref<128x64xf32, #tpu.memory_space<vmem>>) target(%dma_start3A_446 : memref<10240x64xf32, #tpu.memory_space<vmem_shared>>) offsets(%dma_start3A_443 : memref<128xi32, #tpu.memory_space<vmem>>) semaphore(%arg15 : memref<!tpu.dma_semaphore, #tpu.memory_space<semaphore_mem>>) {add = true}
      %mul3A_447 = arith.constant 5 : i32
      %mul3A_448 = arith.muli %mul3A_447, %scan3A_407 : i32
      %add3A_449 = arith.constant 1 : i32
      %add3A_450 = arith.addi %mul3A_448, %add3A_449 : i32
      %dma_wait3A_451 = arith.constant 1 : i32
      %dma_wait3A_452 = arith.constant 0 : i32
      %dma_wait3A_453 = arith.constant 0 : i32
      %dma_wait3A_454 = tpu.memref_slice %arg8[%dma_wait3A_451, %dma_wait3A_452, %dma_wait3A_453] : memref<5x128x64xf32, #tpu.memory_space<vmem>> -> memref<1x128x64xf32, #tpu.memory_space<vmem>>
      %dma_wait3A_455 = tpu.memref_squeeze %dma_wait3A_454 : memref<1x128x64xf32, #tpu.memory_space<vmem>> -> memref<128x64xf32, #tpu.memory_space<vmem>>
      %dma_wait3A_456 = arith.constant 0 : i32
      %dma_wait3A_457 = tpu.memref_slice %arg6[%add3A_450, %dma_wait3A_456] : memref<160x128xi32, #tpu.memory_space<vmem>> -> memref<1x128xi32, #tpu.memory_space<vmem>>
      %dma_wait3A_458 = tpu.memref_squeeze %dma_wait3A_457 : memref<1x128xi32, #tpu.memory_space<vmem>> -> memref<128xi32, #tpu.memory_space<vmem>>
      %dma_wait3A_459 = arith.constant 0 : i32
      %dma_wait3A_460 = arith.constant 0 : i32
      %dma_wait3A_461 = tpu.memref_slice %arg2[%dma_wait3A_459, %dma_wait3A_460] : memref<20480x64xf32, #tpu.memory_space<hbm>> -> memref<20480x64xf32, #tpu.memory_space<hbm>>
      tpu.wait_indirect_dma semaphore(%arg11 : memref<!tpu.dma_semaphore, #tpu.memory_space<semaphore_mem>>) src(%dma_wait3A_461 : memref<20480x64xf32, #tpu.memory_space<hbm>>) dst(%dma_wait3A_455 : memref<128x64xf32, #tpu.memory_space<vmem>>)
      %ge3A_462 = arith.constant 1 : i32
      %ge3A_463 = arith.cmpi sge, %add3A_450, %ge3A_462 : i32
      %add3A_464 = arith.constant 4 : i32
      %add3A_465 = arith.addi %add3A_450, %add3A_464 : i32
      %lt3A_466 = arith.constant 160 : i32
      %lt3A_467 = arith.cmpi slt, %add3A_465, %lt3A_466 : i32
      %and3A_468 = arith.andi %ge3A_463, %lt3A_467 : i1
      %convert_element_type3A_469 = arith.extui %and3A_468 : i1 to i32
      %cond3A_470 = arith.constant 0 : i32
      %cond3A_471 = arith.cmpi ne, %convert_element_type3A_469, %cond3A_470 : i32
      scf.if %cond3A_471 {
        %sub3A = arith.constant 1 : i32
        %sub3A_620 = arith.subi %add3A_450, %sub3A : i32
        %dma_wait3A_621 = arith.constant 0 : i32
        %dma_wait3A_622 = arith.constant 0 : i32
        %dma_wait3A_623 = arith.constant 0 : i32
        %dma_wait3A_624 = tpu.memref_slice %arg8[%dma_wait3A_621, %dma_wait3A_622, %dma_wait3A_623] : memref<5x128x64xf32, #tpu.memory_space<vmem>> -> memref<1x128x64xf32, #tpu.memory_space<vmem>>
        %dma_wait3A_625 = tpu.memref_squeeze %dma_wait3A_624 : memref<1x128x64xf32, #tpu.memory_space<vmem>> -> memref<128x64xf32, #tpu.memory_space<vmem>>
        %dma_wait3A_626 = arith.constant 0 : i32
        %dma_wait3A_627 = tpu.memref_slice %arg7[%sub3A_620, %dma_wait3A_626] : memref<160x128xi32, #tpu.memory_space<vmem>> -> memref<1x128xi32, #tpu.memory_space<vmem>>
        %dma_wait3A_628 = tpu.memref_squeeze %dma_wait3A_627 : memref<1x128xi32, #tpu.memory_space<vmem>> -> memref<128xi32, #tpu.memory_space<vmem>>
        %dma_wait3A_629 = arith.constant 0 : i32
        %dma_wait3A_630 = arith.constant 0 : i32
        %dma_wait3A_631 = tpu.memref_slice %arg9[%dma_wait3A_629, %dma_wait3A_630] : memref<10240x64xf32, #tpu.memory_space<vmem_shared>> -> memref<10240x64xf32, #tpu.memory_space<vmem_shared>>
        tpu.wait_indirect_dma semaphore(%arg15 : memref<!tpu.dma_semaphore, #tpu.memory_space<semaphore_mem>>) src(%dma_wait3A_625 : memref<128x64xf32, #tpu.memory_space<vmem>>) dst(%dma_wait3A_631 : memref<10240x64xf32, #tpu.memory_space<vmem_shared>>)
      } else {
      }
      %add3A_472 = arith.constant 4 : i32
      %add3A_473 = arith.addi %add3A_450, %add3A_472 : i32
      %lt3A_474 = arith.constant 160 : i32
      %lt3A_475 = arith.cmpi slt, %add3A_473, %lt3A_474 : i32
      %convert_element_type3A_476 = arith.extui %lt3A_475 : i1 to i32
      %cond3A_477 = arith.constant 0 : i32
      %cond3A_478 = arith.cmpi ne, %convert_element_type3A_476, %cond3A_477 : i32
      scf.if %cond3A_478 {
        %add3A_620 = arith.constant 4 : i32
        %add3A_621 = arith.addi %add3A_450, %add3A_620 : i32
        %dma_start3A_622 = arith.constant 0 : i32
        %dma_start3A_623 = arith.constant 0 : i32
        %dma_start3A_624 = arith.constant 0 : i32
        %dma_start3A_625 = tpu.memref_slice %arg8[%dma_start3A_622, %dma_start3A_623, %dma_start3A_624] : memref<5x128x64xf32, #tpu.memory_space<vmem>> -> memref<1x128x64xf32, #tpu.memory_space<vmem>>
        %dma_start3A_626 = tpu.memref_squeeze %dma_start3A_625 : memref<1x128x64xf32, #tpu.memory_space<vmem>> -> memref<128x64xf32, #tpu.memory_space<vmem>>
        %dma_start3A_627 = arith.constant 0 : i32
        %dma_start3A_628 = tpu.memref_slice %arg6[%add3A_621, %dma_start3A_627] : memref<160x128xi32, #tpu.memory_space<vmem>> -> memref<1x128xi32, #tpu.memory_space<vmem>>
        %dma_start3A_629 = tpu.memref_squeeze %dma_start3A_628 : memref<1x128xi32, #tpu.memory_space<vmem>> -> memref<128xi32, #tpu.memory_space<vmem>>
        %dma_start3A_630 = arith.constant 0 : i32
        %dma_start3A_631 = arith.constant 0 : i32
        %dma_start3A_632 = tpu.memref_slice %arg2[%dma_start3A_630, %dma_start3A_631] : memref<20480x64xf32, #tpu.memory_space<hbm>> -> memref<20480x64xf32, #tpu.memory_space<hbm>>
        tpu.enqueue_indirect_dma source(%dma_start3A_632 : memref<20480x64xf32, #tpu.memory_space<hbm>>) target(%dma_start3A_626 : memref<128x64xf32, #tpu.memory_space<vmem>>) offsets(%dma_start3A_629 : memref<128xi32, #tpu.memory_space<vmem>>) semaphore(%arg10 : memref<!tpu.dma_semaphore, #tpu.memory_space<semaphore_mem>>)
      } else {
      }
      %dma_start3A_479 = arith.constant 1 : i32
      %dma_start3A_480 = arith.constant 0 : i32
      %dma_start3A_481 = arith.constant 0 : i32
      %dma_start3A_482 = tpu.memref_slice %arg8[%dma_start3A_479, %dma_start3A_480, %dma_start3A_481] : memref<5x128x64xf32, #tpu.memory_space<vmem>> -> memref<1x128x64xf32, #tpu.memory_space<vmem>>
      %dma_start3A_483 = tpu.memref_squeeze %dma_start3A_482 : memref<1x128x64xf32, #tpu.memory_space<vmem>> -> memref<128x64xf32, #tpu.memory_space<vmem>>
      %dma_start3A_484 = arith.constant 0 : i32
      %dma_start3A_485 = tpu.memref_slice %arg7[%add3A_450, %dma_start3A_484] : memref<160x128xi32, #tpu.memory_space<vmem>> -> memref<1x128xi32, #tpu.memory_space<vmem>>
      %dma_start3A_486 = tpu.memref_squeeze %dma_start3A_485 : memref<1x128xi32, #tpu.memory_space<vmem>> -> memref<128xi32, #tpu.memory_space<vmem>>
      %dma_start3A_487 = arith.constant 0 : i32
      %dma_start3A_488 = arith.constant 0 : i32
      %dma_start3A_489 = tpu.memref_slice %arg9[%dma_start3A_487, %dma_start3A_488] : memref<10240x64xf32, #tpu.memory_space<vmem_shared>> -> memref<10240x64xf32, #tpu.memory_space<vmem_shared>>
      tpu.enqueue_indirect_dma source(%dma_start3A_483 : memref<128x64xf32, #tpu.memory_space<vmem>>) target(%dma_start3A_489 : memref<10240x64xf32, #tpu.memory_space<vmem_shared>>) offsets(%dma_start3A_486 : memref<128xi32, #tpu.memory_space<vmem>>) semaphore(%arg16 : memref<!tpu.dma_semaphore, #tpu.memory_space<semaphore_mem>>) {add = true}
      %mul3A_490 = arith.constant 5 : i32
      %mul3A_491 = arith.muli %mul3A_490, %scan3A_407 : i32
      %add3A_492 = arith.constant 2 : i32
      %add3A_493 = arith.addi %mul3A_491, %add3A_492 : i32
      %dma_wait3A_494 = arith.constant 2 : i32
      %dma_wait3A_495 = arith.constant 0 : i32
      %dma_wait3A_496 = arith.constant 0 : i32
      %dma_wait3A_497 = tpu.memref_slice %arg8[%dma_wait3A_494, %dma_wait3A_495, %dma_wait3A_496] : memref<5x128x64xf32, #tpu.memory_space<vmem>> -> memref<1x128x64xf32, #tpu.memory_space<vmem>>
      %dma_wait3A_498 = tpu.memref_squeeze %dma_wait3A_497 : memref<1x128x64xf32, #tpu.memory_space<vmem>> -> memref<128x64xf32, #tpu.memory_space<vmem>>
      %dma_wait3A_499 = arith.constant 0 : i32
      %dma_wait3A_500 = tpu.memref_slice %arg6[%add3A_493, %dma_wait3A_499] : memref<160x128xi32, #tpu.memory_space<vmem>> -> memref<1x128xi32, #tpu.memory_space<vmem>>
      %dma_wait3A_501 = tpu.memref_squeeze %dma_wait3A_500 : memref<1x128xi32, #tpu.memory_space<vmem>> -> memref<128xi32, #tpu.memory_space<vmem>>
      %dma_wait3A_502 = arith.constant 0 : i32
      %dma_wait3A_503 = arith.constant 0 : i32
      %dma_wait3A_504 = tpu.memref_slice %arg2[%dma_wait3A_502, %dma_wait3A_503] : memref<20480x64xf32, #tpu.memory_space<hbm>> -> memref<20480x64xf32, #tpu.memory_space<hbm>>
      tpu.wait_indirect_dma semaphore(%arg12 : memref<!tpu.dma_semaphore, #tpu.memory_space<semaphore_mem>>) src(%dma_wait3A_504 : memref<20480x64xf32, #tpu.memory_space<hbm>>) dst(%dma_wait3A_498 : memref<128x64xf32, #tpu.memory_space<vmem>>)
      %ge3A_505 = arith.constant 1 : i32
      %ge3A_506 = arith.cmpi sge, %add3A_493, %ge3A_505 : i32
      %add3A_507 = arith.constant 4 : i32
      %add3A_508 = arith.addi %add3A_493, %add3A_507 : i32
      %lt3A_509 = arith.constant 160 : i32
      %lt3A_510 = arith.cmpi slt, %add3A_508, %lt3A_509 : i32
      %and3A_511 = arith.andi %ge3A_506, %lt3A_510 : i1
      %convert_element_type3A_512 = arith.extui %and3A_511 : i1 to i32
      %cond3A_513 = arith.constant 0 : i32
      %cond3A_514 = arith.cmpi ne, %convert_element_type3A_512, %cond3A_513 : i32
      scf.if %cond3A_514 {
        %sub3A = arith.constant 1 : i32
        %sub3A_620 = arith.subi %add3A_493, %sub3A : i32
        %dma_wait3A_621 = arith.constant 1 : i32
        %dma_wait3A_622 = arith.constant 0 : i32
        %dma_wait3A_623 = arith.constant 0 : i32
        %dma_wait3A_624 = tpu.memref_slice %arg8[%dma_wait3A_621, %dma_wait3A_622, %dma_wait3A_623] : memref<5x128x64xf32, #tpu.memory_space<vmem>> -> memref<1x128x64xf32, #tpu.memory_space<vmem>>
        %dma_wait3A_625 = tpu.memref_squeeze %dma_wait3A_624 : memref<1x128x64xf32, #tpu.memory_space<vmem>> -> memref<128x64xf32, #tpu.memory_space<vmem>>
        %dma_wait3A_626 = arith.constant 0 : i32
        %dma_wait3A_627 = tpu.memref_slice %arg7[%sub3A_620, %dma_wait3A_626] : memref<160x128xi32, #tpu.memory_space<vmem>> -> memref<1x128xi32, #tpu.memory_space<vmem>>
        %dma_wait3A_628 = tpu.memref_squeeze %dma_wait3A_627 : memref<1x128xi32, #tpu.memory_space<vmem>> -> memref<128xi32, #tpu.memory_space<vmem>>
        %dma_wait3A_629 = arith.constant 0 : i32
        %dma_wait3A_630 = arith.constant 0 : i32
        %dma_wait3A_631 = tpu.memref_slice %arg9[%dma_wait3A_629, %dma_wait3A_630] : memref<10240x64xf32, #tpu.memory_space<vmem_shared>> -> memref<10240x64xf32, #tpu.memory_space<vmem_shared>>
        tpu.wait_indirect_dma semaphore(%arg16 : memref<!tpu.dma_semaphore, #tpu.memory_space<semaphore_mem>>) src(%dma_wait3A_625 : memref<128x64xf32, #tpu.memory_space<vmem>>) dst(%dma_wait3A_631 : memref<10240x64xf32, #tpu.memory_space<vmem_shared>>)
      } else {
      }
      %add3A_515 = arith.constant 4 : i32
      %add3A_516 = arith.addi %add3A_493, %add3A_515 : i32
      %lt3A_517 = arith.constant 160 : i32
      %lt3A_518 = arith.cmpi slt, %add3A_516, %lt3A_517 : i32
      %convert_element_type3A_519 = arith.extui %lt3A_518 : i1 to i32
      %cond3A_520 = arith.constant 0 : i32
      %cond3A_521 = arith.cmpi ne, %convert_element_type3A_519, %cond3A_520 : i32
      scf.if %cond3A_521 {
        %add3A_620 = arith.constant 4 : i32
        %add3A_621 = arith.addi %add3A_493, %add3A_620 : i32
        %dma_start3A_622 = arith.constant 1 : i32
        %dma_start3A_623 = arith.constant 0 : i32
        %dma_start3A_624 = arith.constant 0 : i32
        %dma_start3A_625 = tpu.memref_slice %arg8[%dma_start3A_622, %dma_start3A_623, %dma_start3A_624] : memref<5x128x64xf32, #tpu.memory_space<vmem>> -> memref<1x128x64xf32, #tpu.memory_space<vmem>>
        %dma_start3A_626 = tpu.memref_squeeze %dma_start3A_625 : memref<1x128x64xf32, #tpu.memory_space<vmem>> -> memref<128x64xf32, #tpu.memory_space<vmem>>
        %dma_start3A_627 = arith.constant 0 : i32
        %dma_start3A_628 = tpu.memref_slice %arg6[%add3A_621, %dma_start3A_627] : memref<160x128xi32, #tpu.memory_space<vmem>> -> memref<1x128xi32, #tpu.memory_space<vmem>>
        %dma_start3A_629 = tpu.memref_squeeze %dma_start3A_628 : memref<1x128xi32, #tpu.memory_space<vmem>> -> memref<128xi32, #tpu.memory_space<vmem>>
        %dma_start3A_630 = arith.constant 0 : i32
        %dma_start3A_631 = arith.constant 0 : i32
        %dma_start3A_632 = tpu.memref_slice %arg2[%dma_start3A_630, %dma_start3A_631] : memref<20480x64xf32, #tpu.memory_space<hbm>> -> memref<20480x64xf32, #tpu.memory_space<hbm>>
        tpu.enqueue_indirect_dma source(%dma_start3A_632 : memref<20480x64xf32, #tpu.memory_space<hbm>>) target(%dma_start3A_626 : memref<128x64xf32, #tpu.memory_space<vmem>>) offsets(%dma_start3A_629 : memref<128xi32, #tpu.memory_space<vmem>>) semaphore(%arg11 : memref<!tpu.dma_semaphore, #tpu.memory_space<semaphore_mem>>)
      } else {
      }
      %dma_start3A_522 = arith.constant 2 : i32
      %dma_start3A_523 = arith.constant 0 : i32
      %dma_start3A_524 = arith.constant 0 : i32
      %dma_start3A_525 = tpu.memref_slice %arg8[%dma_start3A_522, %dma_start3A_523, %dma_start3A_524] : memref<5x128x64xf32, #tpu.memory_space<vmem>> -> memref<1x128x64xf32, #tpu.memory_space<vmem>>
      %dma_start3A_526 = tpu.memref_squeeze %dma_start3A_525 : memref<1x128x64xf32, #tpu.memory_space<vmem>> -> memref<128x64xf32, #tpu.memory_space<vmem>>
      %dma_start3A_527 = arith.constant 0 : i32
      %dma_start3A_528 = tpu.memref_slice %arg7[%add3A_493, %dma_start3A_527] : memref<160x128xi32, #tpu.memory_space<vmem>> -> memref<1x128xi32, #tpu.memory_space<vmem>>
      %dma_start3A_529 = tpu.memref_squeeze %dma_start3A_528 : memref<1x128xi32, #tpu.memory_space<vmem>> -> memref<128xi32, #tpu.memory_space<vmem>>
      %dma_start3A_530 = arith.constant 0 : i32
      %dma_start3A_531 = arith.constant 0 : i32
      %dma_start3A_532 = tpu.memref_slice %arg9[%dma_start3A_530, %dma_start3A_531] : memref<10240x64xf32, #tpu.memory_space<vmem_shared>> -> memref<10240x64xf32, #tpu.memory_space<vmem_shared>>
      tpu.enqueue_indirect_dma source(%dma_start3A_526 : memref<128x64xf32, #tpu.memory_space<vmem>>) target(%dma_start3A_532 : memref<10240x64xf32, #tpu.memory_space<vmem_shared>>) offsets(%dma_start3A_529 : memref<128xi32, #tpu.memory_space<vmem>>) semaphore(%arg17 : memref<!tpu.dma_semaphore, #tpu.memory_space<semaphore_mem>>) {add = true}
      %mul3A_533 = arith.constant 5 : i32
      %mul3A_534 = arith.muli %mul3A_533, %scan3A_407 : i32
      %add3A_535 = arith.constant 3 : i32
      %add3A_536 = arith.addi %mul3A_534, %add3A_535 : i32
      %dma_wait3A_537 = arith.constant 3 : i32
      %dma_wait3A_538 = arith.constant 0 : i32
      %dma_wait3A_539 = arith.constant 0 : i32
      %dma_wait3A_540 = tpu.memref_slice %arg8[%dma_wait3A_537, %dma_wait3A_538, %dma_wait3A_539] : memref<5x128x64xf32, #tpu.memory_space<vmem>> -> memref<1x128x64xf32, #tpu.memory_space<vmem>>
      %dma_wait3A_541 = tpu.memref_squeeze %dma_wait3A_540 : memref<1x128x64xf32, #tpu.memory_space<vmem>> -> memref<128x64xf32, #tpu.memory_space<vmem>>
      %dma_wait3A_542 = arith.constant 0 : i32
      %dma_wait3A_543 = tpu.memref_slice %arg6[%add3A_536, %dma_wait3A_542] : memref<160x128xi32, #tpu.memory_space<vmem>> -> memref<1x128xi32, #tpu.memory_space<vmem>>
      %dma_wait3A_544 = tpu.memref_squeeze %dma_wait3A_543 : memref<1x128xi32, #tpu.memory_space<vmem>> -> memref<128xi32, #tpu.memory_space<vmem>>
      %dma_wait3A_545 = arith.constant 0 : i32
      %dma_wait3A_546 = arith.constant 0 : i32
      %dma_wait3A_547 = tpu.memref_slice %arg2[%dma_wait3A_545, %dma_wait3A_546] : memref<20480x64xf32, #tpu.memory_space<hbm>> -> memref<20480x64xf32, #tpu.memory_space<hbm>>
      tpu.wait_indirect_dma semaphore(%arg13 : memref<!tpu.dma_semaphore, #tpu.memory_space<semaphore_mem>>) src(%dma_wait3A_547 : memref<20480x64xf32, #tpu.memory_space<hbm>>) dst(%dma_wait3A_541 : memref<128x64xf32, #tpu.memory_space<vmem>>)
      %ge3A_548 = arith.constant 1 : i32
      %ge3A_549 = arith.cmpi sge, %add3A_536, %ge3A_548 : i32
      %add3A_550 = arith.constant 4 : i32
      %add3A_551 = arith.addi %add3A_536, %add3A_550 : i32
      %lt3A_552 = arith.constant 160 : i32
      %lt3A_553 = arith.cmpi slt, %add3A_551, %lt3A_552 : i32
      %and3A_554 = arith.andi %ge3A_549, %lt3A_553 : i1
      %convert_element_type3A_555 = arith.extui %and3A_554 : i1 to i32
      %cond3A_556 = arith.constant 0 : i32
      %cond3A_557 = arith.cmpi ne, %convert_element_type3A_555, %cond3A_556 : i32
      scf.if %cond3A_557 {
        %sub3A = arith.constant 1 : i32
        %sub3A_620 = arith.subi %add3A_536, %sub3A : i32
        %dma_wait3A_621 = arith.constant 2 : i32
        %dma_wait3A_622 = arith.constant 0 : i32
        %dma_wait3A_623 = arith.constant 0 : i32
        %dma_wait3A_624 = tpu.memref_slice %arg8[%dma_wait3A_621, %dma_wait3A_622, %dma_wait3A_623] : memref<5x128x64xf32, #tpu.memory_space<vmem>> -> memref<1x128x64xf32, #tpu.memory_space<vmem>>
        %dma_wait3A_625 = tpu.memref_squeeze %dma_wait3A_624 : memref<1x128x64xf32, #tpu.memory_space<vmem>> -> memref<128x64xf32, #tpu.memory_space<vmem>>
        %dma_wait3A_626 = arith.constant 0 : i32
        %dma_wait3A_627 = tpu.memref_slice %arg7[%sub3A_620, %dma_wait3A_626] : memref<160x128xi32, #tpu.memory_space<vmem>> -> memref<1x128xi32, #tpu.memory_space<vmem>>
        %dma_wait3A_628 = tpu.memref_squeeze %dma_wait3A_627 : memref<1x128xi32, #tpu.memory_space<vmem>> -> memref<128xi32, #tpu.memory_space<vmem>>
        %dma_wait3A_629 = arith.constant 0 : i32
        %dma_wait3A_630 = arith.constant 0 : i32
        %dma_wait3A_631 = tpu.memref_slice %arg9[%dma_wait3A_629, %dma_wait3A_630] : memref<10240x64xf32, #tpu.memory_space<vmem_shared>> -> memref<10240x64xf32, #tpu.memory_space<vmem_shared>>
        tpu.wait_indirect_dma semaphore(%arg17 : memref<!tpu.dma_semaphore, #tpu.memory_space<semaphore_mem>>) src(%dma_wait3A_625 : memref<128x64xf32, #tpu.memory_space<vmem>>) dst(%dma_wait3A_631 : memref<10240x64xf32, #tpu.memory_space<vmem_shared>>)
      } else {
      }
      %add3A_558 = arith.constant 4 : i32
      %add3A_559 = arith.addi %add3A_536, %add3A_558 : i32
      %lt3A_560 = arith.constant 160 : i32
      %lt3A_561 = arith.cmpi slt, %add3A_559, %lt3A_560 : i32
      %convert_element_type3A_562 = arith.extui %lt3A_561 : i1 to i32
      %cond3A_563 = arith.constant 0 : i32
      %cond3A_564 = arith.cmpi ne, %convert_element_type3A_562, %cond3A_563 : i32
      scf.if %cond3A_564 {
        %add3A_620 = arith.constant 4 : i32
        %add3A_621 = arith.addi %add3A_536, %add3A_620 : i32
        %dma_start3A_622 = arith.constant 2 : i32
        %dma_start3A_623 = arith.constant 0 : i32
        %dma_start3A_624 = arith.constant 0 : i32
        %dma_start3A_625 = tpu.memref_slice %arg8[%dma_start3A_622, %dma_start3A_623, %dma_start3A_624] : memref<5x128x64xf32, #tpu.memory_space<vmem>> -> memref<1x128x64xf32, #tpu.memory_space<vmem>>
        %dma_start3A_626 = tpu.memref_squeeze %dma_start3A_625 : memref<1x128x64xf32, #tpu.memory_space<vmem>> -> memref<128x64xf32, #tpu.memory_space<vmem>>
        %dma_start3A_627 = arith.constant 0 : i32
        %dma_start3A_628 = tpu.memref_slice %arg6[%add3A_621, %dma_start3A_627] : memref<160x128xi32, #tpu.memory_space<vmem>> -> memref<1x128xi32, #tpu.memory_space<vmem>>
        %dma_start3A_629 = tpu.memref_squeeze %dma_start3A_628 : memref<1x128xi32, #tpu.memory_space<vmem>> -> memref<128xi32, #tpu.memory_space<vmem>>
        %dma_start3A_630 = arith.constant 0 : i32
        %dma_start3A_631 = arith.constant 0 : i32
        %dma_start3A_632 = tpu.memref_slice %arg2[%dma_start3A_630, %dma_start3A_631] : memref<20480x64xf32, #tpu.memory_space<hbm>> -> memref<20480x64xf32, #tpu.memory_space<hbm>>
        tpu.enqueue_indirect_dma source(%dma_start3A_632 : memref<20480x64xf32, #tpu.memory_space<hbm>>) target(%dma_start3A_626 : memref<128x64xf32, #tpu.memory_space<vmem>>) offsets(%dma_start3A_629 : memref<128xi32, #tpu.memory_space<vmem>>) semaphore(%arg12 : memref<!tpu.dma_semaphore, #tpu.memory_space<semaphore_mem>>)
      } else {
      }
      %dma_start3A_565 = arith.constant 3 : i32
      %dma_start3A_566 = arith.constant 0 : i32
      %dma_start3A_567 = arith.constant 0 : i32
      %dma_start3A_568 = tpu.memref_slice %arg8[%dma_start3A_565, %dma_start3A_566, %dma_start3A_567] : memref<5x128x64xf32, #tpu.memory_space<vmem>> -> memref<1x128x64xf32, #tpu.memory_space<vmem>>
      %dma_start3A_569 = tpu.memref_squeeze %dma_start3A_568 : memref<1x128x64xf32, #tpu.memory_space<vmem>> -> memref<128x64xf32, #tpu.memory_space<vmem>>
      %dma_start3A_570 = arith.constant 0 : i32
      %dma_start3A_571 = tpu.memref_slice %arg7[%add3A_536, %dma_start3A_570] : memref<160x128xi32, #tpu.memory_space<vmem>> -> memref<1x128xi32, #tpu.memory_space<vmem>>
      %dma_start3A_572 = tpu.memref_squeeze %dma_start3A_571 : memref<1x128xi32, #tpu.memory_space<vmem>> -> memref<128xi32, #tpu.memory_space<vmem>>
      %dma_start3A_573 = arith.constant 0 : i32
      %dma_start3A_574 = arith.constant 0 : i32
      %dma_start3A_575 = tpu.memref_slice %arg9[%dma_start3A_573, %dma_start3A_574] : memref<10240x64xf32, #tpu.memory_space<vmem_shared>> -> memref<10240x64xf32, #tpu.memory_space<vmem_shared>>
      tpu.enqueue_indirect_dma source(%dma_start3A_569 : memref<128x64xf32, #tpu.memory_space<vmem>>) target(%dma_start3A_575 : memref<10240x64xf32, #tpu.memory_space<vmem_shared>>) offsets(%dma_start3A_572 : memref<128xi32, #tpu.memory_space<vmem>>) semaphore(%arg18 : memref<!tpu.dma_semaphore, #tpu.memory_space<semaphore_mem>>) {add = true}
      %mul3A_576 = arith.constant 5 : i32
      %mul3A_577 = arith.muli %mul3A_576, %scan3A_407 : i32
      %add3A_578 = arith.constant 4 : i32
      %add3A_579 = arith.addi %mul3A_577, %add3A_578 : i32
      %dma_wait3A_580 = arith.constant 4 : i32
      %dma_wait3A_581 = arith.constant 0 : i32
      %dma_wait3A_582 = arith.constant 0 : i32
      %dma_wait3A_583 = tpu.memref_slice %arg8[%dma_wait3A_580, %dma_wait3A_581, %dma_wait3A_582] : memref<5x128x64xf32, #tpu.memory_space<vmem>> -> memref<1x128x64xf32, #tpu.memory_space<vmem>>
      %dma_wait3A_584 = tpu.memref_squeeze %dma_wait3A_583 : memref<1x128x64xf32, #tpu.memory_space<vmem>> -> memref<128x64xf32, #tpu.memory_space<vmem>>
      %dma_wait3A_585 = arith.constant 0 : i32
      %dma_wait3A_586 = tpu.memref_slice %arg6[%add3A_579, %dma_wait3A_585] : memref<160x128xi32, #tpu.memory_space<vmem>> -> memref<1x128xi32, #tpu.memory_space<vmem>>
      %dma_wait3A_587 = tpu.memref_squeeze %dma_wait3A_586 : memref<1x128xi32, #tpu.memory_space<vmem>> -> memref<128xi32, #tpu.memory_space<vmem>>
      %dma_wait3A_588 = arith.constant 0 : i32
      %dma_wait3A_589 = arith.constant 0 : i32
      %dma_wait3A_590 = tpu.memref_slice %arg2[%dma_wait3A_588, %dma_wait3A_589] : memref<20480x64xf32, #tpu.memory_space<hbm>> -> memref<20480x64xf32, #tpu.memory_space<hbm>>
      tpu.wait_indirect_dma semaphore(%arg14 : memref<!tpu.dma_semaphore, #tpu.memory_space<semaphore_mem>>) src(%dma_wait3A_590 : memref<20480x64xf32, #tpu.memory_space<hbm>>) dst(%dma_wait3A_584 : memref<128x64xf32, #tpu.memory_space<vmem>>)
      %ge3A_591 = arith.constant 1 : i32
      %ge3A_592 = arith.cmpi sge, %add3A_579, %ge3A_591 : i32
      %add3A_593 = arith.constant 4 : i32
      %add3A_594 = arith.addi %add3A_579, %add3A_593 : i32
      %lt3A_595 = arith.constant 160 : i32
      %lt3A_596 = arith.cmpi slt, %add3A_594, %lt3A_595 : i32
      %and3A_597 = arith.andi %ge3A_592, %lt3A_596 : i1
      %convert_element_type3A_598 = arith.extui %and3A_597 : i1 to i32
      %cond3A_599 = arith.constant 0 : i32
      %cond3A_600 = arith.cmpi ne, %convert_element_type3A_598, %cond3A_599 : i32
      scf.if %cond3A_600 {
        %sub3A = arith.constant 1 : i32
        %sub3A_620 = arith.subi %add3A_579, %sub3A : i32
        %dma_wait3A_621 = arith.constant 3 : i32
        %dma_wait3A_622 = arith.constant 0 : i32
        %dma_wait3A_623 = arith.constant 0 : i32
        %dma_wait3A_624 = tpu.memref_slice %arg8[%dma_wait3A_621, %dma_wait3A_622, %dma_wait3A_623] : memref<5x128x64xf32, #tpu.memory_space<vmem>> -> memref<1x128x64xf32, #tpu.memory_space<vmem>>
        %dma_wait3A_625 = tpu.memref_squeeze %dma_wait3A_624 : memref<1x128x64xf32, #tpu.memory_space<vmem>> -> memref<128x64xf32, #tpu.memory_space<vmem>>
        %dma_wait3A_626 = arith.constant 0 : i32
        %dma_wait3A_627 = tpu.memref_slice %arg7[%sub3A_620, %dma_wait3A_626] : memref<160x128xi32, #tpu.memory_space<vmem>> -> memref<1x128xi32, #tpu.memory_space<vmem>>
        %dma_wait3A_628 = tpu.memref_squeeze %dma_wait3A_627 : memref<1x128xi32, #tpu.memory_space<vmem>> -> memref<128xi32, #tpu.memory_space<vmem>>
        %dma_wait3A_629 = arith.constant 0 : i32
        %dma_wait3A_630 = arith.constant 0 : i32
        %dma_wait3A_631 = tpu.memref_slice %arg9[%dma_wait3A_629, %dma_wait3A_630] : memref<10240x64xf32, #tpu.memory_space<vmem_shared>> -> memref<10240x64xf32, #tpu.memory_space<vmem_shared>>
        tpu.wait_indirect_dma semaphore(%arg18 : memref<!tpu.dma_semaphore, #tpu.memory_space<semaphore_mem>>) src(%dma_wait3A_625 : memref<128x64xf32, #tpu.memory_space<vmem>>) dst(%dma_wait3A_631 : memref<10240x64xf32, #tpu.memory_space<vmem_shared>>)
      } else {
      }
      %add3A_601 = arith.constant 4 : i32
      %add3A_602 = arith.addi %add3A_579, %add3A_601 : i32
      %lt3A_603 = arith.constant 160 : i32
      %lt3A_604 = arith.cmpi slt, %add3A_602, %lt3A_603 : i32
      %convert_element_type3A_605 = arith.extui %lt3A_604 : i1 to i32
      %cond3A_606 = arith.constant 0 : i32
      %cond3A_607 = arith.cmpi ne, %convert_element_type3A_605, %cond3A_606 : i32
      scf.if %cond3A_607 {
        %add3A_620 = arith.constant 4 : i32
        %add3A_621 = arith.addi %add3A_579, %add3A_620 : i32
        %dma_start3A_622 = arith.constant 3 : i32
        %dma_start3A_623 = arith.constant 0 : i32
        %dma_start3A_624 = arith.constant 0 : i32
        %dma_start3A_625 = tpu.memref_slice %arg8[%dma_start3A_622, %dma_start3A_623, %dma_start3A_624] : memref<5x128x64xf32, #tpu.memory_space<vmem>> -> memref<1x128x64xf32, #tpu.memory_space<vmem>>
        %dma_start3A_626 = tpu.memref_squeeze %dma_start3A_625 : memref<1x128x64xf32, #tpu.memory_space<vmem>> -> memref<128x64xf32, #tpu.memory_space<vmem>>
        %dma_start3A_627 = arith.constant 0 : i32
        %dma_start3A_628 = tpu.memref_slice %arg6[%add3A_621, %dma_start3A_627] : memref<160x128xi32, #tpu.memory_space<vmem>> -> memref<1x128xi32, #tpu.memory_space<vmem>>
        %dma_start3A_629 = tpu.memref_squeeze %dma_start3A_628 : memref<1x128xi32, #tpu.memory_space<vmem>> -> memref<128xi32, #tpu.memory_space<vmem>>
        %dma_start3A_630 = arith.constant 0 : i32
        %dma_start3A_631 = arith.constant 0 : i32
        %dma_start3A_632 = tpu.memref_slice %arg2[%dma_start3A_630, %dma_start3A_631] : memref<20480x64xf32, #tpu.memory_space<hbm>> -> memref<20480x64xf32, #tpu.memory_space<hbm>>
        tpu.enqueue_indirect_dma source(%dma_start3A_632 : memref<20480x64xf32, #tpu.memory_space<hbm>>) target(%dma_start3A_626 : memref<128x64xf32, #tpu.memory_space<vmem>>) offsets(%dma_start3A_629 : memref<128xi32, #tpu.memory_space<vmem>>) semaphore(%arg13 : memref<!tpu.dma_semaphore, #tpu.memory_space<semaphore_mem>>)
      } else {
      }
      %dma_start3A_608 = arith.constant 4 : i32
      %dma_start3A_609 = arith.constant 0 : i32
      %dma_start3A_610 = arith.constant 0 : i32
      %dma_start3A_611 = tpu.memref_slice %arg8[%dma_start3A_608, %dma_start3A_609, %dma_start3A_610] : memref<5x128x64xf32, #tpu.memory_space<vmem>> -> memref<1x128x64xf32, #tpu.memory_space<vmem>>
      %dma_start3A_612 = tpu.memref_squeeze %dma_start3A_611 : memref<1x128x64xf32, #tpu.memory_space<vmem>> -> memref<128x64xf32, #tpu.memory_space<vmem>>
      %dma_start3A_613 = arith.constant 0 : i32
      %dma_start3A_614 = tpu.memref_slice %arg7[%add3A_579, %dma_start3A_613] : memref<160x128xi32, #tpu.memory_space<vmem>> -> memref<1x128xi32, #tpu.memory_space<vmem>>
      %dma_start3A_615 = tpu.memref_squeeze %dma_start3A_614 : memref<1x128xi32, #tpu.memory_space<vmem>> -> memref<128xi32, #tpu.memory_space<vmem>>
      %dma_start3A_616 = arith.constant 0 : i32
      %dma_start3A_617 = arith.constant 0 : i32
      %dma_start3A_618 = tpu.memref_slice %arg9[%dma_start3A_616, %dma_start3A_617] : memref<10240x64xf32, #tpu.memory_space<vmem_shared>> -> memref<10240x64xf32, #tpu.memory_space<vmem_shared>>
      tpu.enqueue_indirect_dma source(%dma_start3A_612 : memref<128x64xf32, #tpu.memory_space<vmem>>) target(%dma_start3A_618 : memref<10240x64xf32, #tpu.memory_space<vmem_shared>>) offsets(%dma_start3A_615 : memref<128xi32, #tpu.memory_space<vmem>>) semaphore(%arg19 : memref<!tpu.dma_semaphore, #tpu.memory_space<semaphore_mem>>) {add = true}
      %scan3A_619 = arith.constant 0 : i32
      scf.yield %scan3A_619 : i32
    }
    %scan3A_255 = arith.constant 32 : i32
    %dma_wait3A_256 = arith.constant 0 : i32
    %dma_wait3A_257 = arith.constant 155 : i32
    %dma_wait3A_258 = arith.constant 0 : i32
    %dma_wait3A_259 = arith.constant 0 : i32
    %dma_wait3A_260 = tpu.memref_slice %arg8[%dma_wait3A_256, %dma_wait3A_258, %dma_wait3A_259] : memref<5x128x64xf32, #tpu.memory_space<vmem>> -> memref<1x128x64xf32, #tpu.memory_space<vmem>>
    %dma_wait3A_261 = tpu.memref_squeeze %dma_wait3A_260 : memref<1x128x64xf32, #tpu.memory_space<vmem>> -> memref<128x64xf32, #tpu.memory_space<vmem>>
    %dma_wait3A_262 = arith.constant 0 : i32
    %dma_wait3A_263 = tpu.memref_slice %arg7[%dma_wait3A_257, %dma_wait3A_262] : memref<160x128xi32, #tpu.memory_space<vmem>> -> memref<1x128xi32, #tpu.memory_space<vmem>>
    %dma_wait3A_264 = tpu.memref_squeeze %dma_wait3A_263 : memref<1x128xi32, #tpu.memory_space<vmem>> -> memref<128xi32, #tpu.memory_space<vmem>>
    %dma_wait3A_265 = arith.constant 0 : i32
    %dma_wait3A_266 = arith.constant 0 : i32
    %dma_wait3A_267 = tpu.memref_slice %arg9[%dma_wait3A_265, %dma_wait3A_266] : memref<10240x64xf32, #tpu.memory_space<vmem_shared>> -> memref<10240x64xf32, #tpu.memory_space<vmem_shared>>
    tpu.wait_indirect_dma semaphore(%arg15 : memref<!tpu.dma_semaphore, #tpu.memory_space<semaphore_mem>>) src(%dma_wait3A_261 : memref<128x64xf32, #tpu.memory_space<vmem>>) dst(%dma_wait3A_267 : memref<10240x64xf32, #tpu.memory_space<vmem_shared>>)
    %dma_wait3A_268 = arith.constant 1 : i32
    %dma_wait3A_269 = arith.constant 156 : i32
    %dma_wait3A_270 = arith.constant 0 : i32
    %dma_wait3A_271 = arith.constant 0 : i32
    %dma_wait3A_272 = tpu.memref_slice %arg8[%dma_wait3A_268, %dma_wait3A_270, %dma_wait3A_271] : memref<5x128x64xf32, #tpu.memory_space<vmem>> -> memref<1x128x64xf32, #tpu.memory_space<vmem>>
    %dma_wait3A_273 = tpu.memref_squeeze %dma_wait3A_272 : memref<1x128x64xf32, #tpu.memory_space<vmem>> -> memref<128x64xf32, #tpu.memory_space<vmem>>
    %dma_wait3A_274 = arith.constant 0 : i32
    %dma_wait3A_275 = tpu.memref_slice %arg7[%dma_wait3A_269, %dma_wait3A_274] : memref<160x128xi32, #tpu.memory_space<vmem>> -> memref<1x128xi32, #tpu.memory_space<vmem>>
    %dma_wait3A_276 = tpu.memref_squeeze %dma_wait3A_275 : memref<1x128xi32, #tpu.memory_space<vmem>> -> memref<128xi32, #tpu.memory_space<vmem>>
    %dma_wait3A_277 = arith.constant 0 : i32
    %dma_wait3A_278 = arith.constant 0 : i32
    %dma_wait3A_279 = tpu.memref_slice %arg9[%dma_wait3A_277, %dma_wait3A_278] : memref<10240x64xf32, #tpu.memory_space<vmem_shared>> -> memref<10240x64xf32, #tpu.memory_space<vmem_shared>>
    tpu.wait_indirect_dma semaphore(%arg16 : memref<!tpu.dma_semaphore, #tpu.memory_space<semaphore_mem>>) src(%dma_wait3A_273 : memref<128x64xf32, #tpu.memory_space<vmem>>) dst(%dma_wait3A_279 : memref<10240x64xf32, #tpu.memory_space<vmem_shared>>)
    %dma_wait3A_280 = arith.constant 2 : i32
    %dma_wait3A_281 = arith.constant 157 : i32
    %dma_wait3A_282 = arith.constant 0 : i32
    %dma_wait3A_283 = arith.constant 0 : i32
    %dma_wait3A_284 = tpu.memref_slice %arg8[%dma_wait3A_280, %dma_wait3A_282, %dma_wait3A_283] : memref<5x128x64xf32, #tpu.memory_space<vmem>> -> memref<1x128x64xf32, #tpu.memory_space<vmem>>
    %dma_wait3A_285 = tpu.memref_squeeze %dma_wait3A_284 : memref<1x128x64xf32, #tpu.memory_space<vmem>> -> memref<128x64xf32, #tpu.memory_space<vmem>>
    %dma_wait3A_286 = arith.constant 0 : i32
    %dma_wait3A_287 = tpu.memref_slice %arg7[%dma_wait3A_281, %dma_wait3A_286] : memref<160x128xi32, #tpu.memory_space<vmem>> -> memref<1x128xi32, #tpu.memory_space<vmem>>
    %dma_wait3A_288 = tpu.memref_squeeze %dma_wait3A_287 : memref<1x128xi32, #tpu.memory_space<vmem>> -> memref<128xi32, #tpu.memory_space<vmem>>
    %dma_wait3A_289 = arith.constant 0 : i32
    %dma_wait3A_290 = arith.constant 0 : i32
    %dma_wait3A_291 = tpu.memref_slice %arg9[%dma_wait3A_289, %dma_wait3A_290] : memref<10240x64xf32, #tpu.memory_space<vmem_shared>> -> memref<10240x64xf32, #tpu.memory_space<vmem_shared>>
    tpu.wait_indirect_dma semaphore(%arg17 : memref<!tpu.dma_semaphore, #tpu.memory_space<semaphore_mem>>) src(%dma_wait3A_285 : memref<128x64xf32, #tpu.memory_space<vmem>>) dst(%dma_wait3A_291 : memref<10240x64xf32, #tpu.memory_space<vmem_shared>>)
    %dma_wait3A_292 = arith.constant 3 : i32
    %dma_wait3A_293 = arith.constant 158 : i32
    %dma_wait3A_294 = arith.constant 0 : i32
    %dma_wait3A_295 = arith.constant 0 : i32
    %dma_wait3A_296 = tpu.memref_slice %arg8[%dma_wait3A_292, %dma_wait3A_294, %dma_wait3A_295] : memref<5x128x64xf32, #tpu.memory_space<vmem>> -> memref<1x128x64xf32, #tpu.memory_space<vmem>>
    %dma_wait3A_297 = tpu.memref_squeeze %dma_wait3A_296 : memref<1x128x64xf32, #tpu.memory_space<vmem>> -> memref<128x64xf32, #tpu.memory_space<vmem>>
    %dma_wait3A_298 = arith.constant 0 : i32
    %dma_wait3A_299 = tpu.memref_slice %arg7[%dma_wait3A_293, %dma_wait3A_298] : memref<160x128xi32, #tpu.memory_space<vmem>> -> memref<1x128xi32, #tpu.memory_space<vmem>>
    %dma_wait3A_300 = tpu.memref_squeeze %dma_wait3A_299 : memref<1x128xi32, #tpu.memory_space<vmem>> -> memref<128xi32, #tpu.memory_space<vmem>>
    %dma_wait3A_301 = arith.constant 0 : i32
    %dma_wait3A_302 = arith.constant 0 : i32
    %dma_wait3A_303 = tpu.memref_slice %arg9[%dma_wait3A_301, %dma_wait3A_302] : memref<10240x64xf32, #tpu.memory_space<vmem_shared>> -> memref<10240x64xf32, #tpu.memory_space<vmem_shared>>
    tpu.wait_indirect_dma semaphore(%arg18 : memref<!tpu.dma_semaphore, #tpu.memory_space<semaphore_mem>>) src(%dma_wait3A_297 : memref<128x64xf32, #tpu.memory_space<vmem>>) dst(%dma_wait3A_303 : memref<10240x64xf32, #tpu.memory_space<vmem_shared>>)
    %dma_wait3A_304 = arith.constant 4 : i32
    %dma_wait3A_305 = arith.constant 159 : i32
    %dma_wait3A_306 = arith.constant 0 : i32
    %dma_wait3A_307 = arith.constant 0 : i32
    %dma_wait3A_308 = tpu.memref_slice %arg8[%dma_wait3A_304, %dma_wait3A_306, %dma_wait3A_307] : memref<5x128x64xf32, #tpu.memory_space<vmem>> -> memref<1x128x64xf32, #tpu.memory_space<vmem>>
    %dma_wait3A_309 = tpu.memref_squeeze %dma_wait3A_308 : memref<1x128x64xf32, #tpu.memory_space<vmem>> -> memref<128x64xf32, #tpu.memory_space<vmem>>
    %dma_wait3A_310 = arith.constant 0 : i32
    %dma_wait3A_311 = tpu.memref_slice %arg7[%dma_wait3A_305, %dma_wait3A_310] : memref<160x128xi32, #tpu.memory_space<vmem>> -> memref<1x128xi32, #tpu.memory_space<vmem>>
    %dma_wait3A_312 = tpu.memref_squeeze %dma_wait3A_311 : memref<1x128xi32, #tpu.memory_space<vmem>> -> memref<128xi32, #tpu.memory_space<vmem>>
    %dma_wait3A_313 = arith.constant 0 : i32
    %dma_wait3A_314 = arith.constant 0 : i32
    %dma_wait3A_315 = tpu.memref_slice %arg9[%dma_wait3A_313, %dma_wait3A_314] : memref<10240x64xf32, #tpu.memory_space<vmem_shared>> -> memref<10240x64xf32, #tpu.memory_space<vmem_shared>>
    tpu.wait_indirect_dma semaphore(%arg19 : memref<!tpu.dma_semaphore, #tpu.memory_space<semaphore_mem>>) src(%dma_wait3A_309 : memref<128x64xf32, #tpu.memory_space<vmem>>) dst(%dma_wait3A_315 : memref<10240x64xf32, #tpu.memory_space<vmem_shared>>)
    %barrier3A_316 = arith.constant 0 : index
    tpu.barrier barrier_id(%barrier3A_316)
    %mul3A_317 = arith.constant 640 : i32
    %mul3A_318 = arith.muli %arg1, %mul3A_317 : i32
    %add3A_319 = arith.constant 0 : i32
    %add3A_320 = arith.addi %mul3A_318, %add3A_319 : i32
    %mul3A_321 = arith.constant 64 : i32
    %mul3A_322 = arith.muli %arg0, %mul3A_321 : i32
    %dma_start3A_323 = tpu.memref_slice %arg5[%add3A_320, %mul3A_322] : memref<10240x128xf32, #tpu.memory_space<hbm>> -> memref<128x64xf32, #tpu.memory_space<hbm>>
    %dma_start3A_324 = arith.constant 0 : i32
    %dma_start3A_325 = tpu.memref_slice %arg9[%add3A_320, %dma_start3A_324] : memref<10240x64xf32, #tpu.memory_space<vmem_shared>> -> memref<128x64xf32, #tpu.memory_space<vmem_shared>>
    tpu.enqueue_dma source(%dma_start3A_325 : memref<128x64xf32, #tpu.memory_space<vmem_shared>>) target(%dma_start3A_323 : memref<128x64xf32, #tpu.memory_space<hbm>>) target_semaphore(%arg10 : memref<!tpu.dma_semaphore, #tpu.memory_space<semaphore_mem>>)
    %mul3A_326 = arith.constant 640 : i32
    %mul3A_327 = arith.muli %arg1, %mul3A_326 : i32
    %add3A_328 = arith.constant 128 : i32
    %add3A_329 = arith.addi %mul3A_327, %add3A_328 : i32
    %mul3A_330 = arith.constant 64 : i32
    %mul3A_331 = arith.muli %arg0, %mul3A_330 : i32
    %dma_start3A_332 = tpu.memref_slice %arg5[%add3A_329, %mul3A_331] : memref<10240x128xf32, #tpu.memory_space<hbm>> -> memref<128x64xf32, #tpu.memory_space<hbm>>
    %dma_start3A_333 = arith.constant 0 : i32
    %dma_start3A_334 = tpu.memref_slice %arg9[%add3A_329, %dma_start3A_333] : memref<10240x64xf32, #tpu.memory_space<vmem_shared>> -> memref<128x64xf32, #tpu.memory_space<vmem_shared>>
    tpu.enqueue_dma source(%dma_start3A_334 : memref<128x64xf32, #tpu.memory_space<vmem_shared>>) target(%dma_start3A_332 : memref<128x64xf32, #tpu.memory_space<hbm>>) target_semaphore(%arg10 : memref<!tpu.dma_semaphore, #tpu.memory_space<semaphore_mem>>)
    %mul3A_335 = arith.constant 640 : i32
    %mul3A_336 = arith.muli %arg1, %mul3A_335 : i32
    %add3A_337 = arith.constant 256 : i32
    %add3A_338 = arith.addi %mul3A_336, %add3A_337 : i32
    %mul3A_339 = arith.constant 64 : i32
    %mul3A_340 = arith.muli %arg0, %mul3A_339 : i32
    %dma_start3A_341 = tpu.memref_slice %arg5[%add3A_338, %mul3A_340] : memref<10240x128xf32, #tpu.memory_space<hbm>> -> memref<128x64xf32, #tpu.memory_space<hbm>>
    %dma_start3A_342 = arith.constant 0 : i32
    %dma_start3A_343 = tpu.memref_slice %arg9[%add3A_338, %dma_start3A_342] : memref<10240x64xf32, #tpu.memory_space<vmem_shared>> -> memref<128x64xf32, #tpu.memory_space<vmem_shared>>
    tpu.enqueue_dma source(%dma_start3A_343 : memref<128x64xf32, #tpu.memory_space<vmem_shared>>) target(%dma_start3A_341 : memref<128x64xf32, #tpu.memory_space<hbm>>) target_semaphore(%arg10 : memref<!tpu.dma_semaphore, #tpu.memory_space<semaphore_mem>>)
    %mul3A_344 = arith.constant 640 : i32
    %mul3A_345 = arith.muli %arg1, %mul3A_344 : i32
    %add3A_346 = arith.constant 384 : i32
    %add3A_347 = arith.addi %mul3A_345, %add3A_346 : i32
    %mul3A_348 = arith.constant 64 : i32
    %mul3A_349 = arith.muli %arg0, %mul3A_348 : i32
    %dma_start3A_350 = tpu.memref_slice %arg5[%add3A_347, %mul3A_349] : memref<10240x128xf32, #tpu.memory_space<hbm>> -> memref<128x64xf32, #tpu.memory_space<hbm>>
    %dma_start3A_351 = arith.constant 0 : i32
    %dma_start3A_352 = tpu.memref_slice %arg9[%add3A_347, %dma_start3A_351] : memref<10240x64xf32, #tpu.memory_space<vmem_shared>> -> memref<128x64xf32, #tpu.memory_space<vmem_shared>>
    tpu.enqueue_dma source(%dma_start3A_352 : memref<128x64xf32, #tpu.memory_space<vmem_shared>>) target(%dma_start3A_350 : memref<128x64xf32, #tpu.memory_space<hbm>>) target_semaphore(%arg10 : memref<!tpu.dma_semaphore, #tpu.memory_space<semaphore_mem>>)
    %mul3A_353 = arith.constant 640 : i32
    %mul3A_354 = arith.muli %arg1, %mul3A_353 : i32
    %add3A_355 = arith.constant 512 : i32
    %add3A_356 = arith.addi %mul3A_354, %add3A_355 : i32
    %mul3A_357 = arith.constant 64 : i32
    %mul3A_358 = arith.muli %arg0, %mul3A_357 : i32
    %dma_start3A_359 = tpu.memref_slice %arg5[%add3A_356, %mul3A_358] : memref<10240x128xf32, #tpu.memory_space<hbm>> -> memref<128x64xf32, #tpu.memory_space<hbm>>
    %dma_start3A_360 = arith.constant 0 : i32
    %dma_start3A_361 = tpu.memref_slice %arg9[%add3A_356, %dma_start3A_360] : memref<10240x64xf32, #tpu.memory_space<vmem_shared>> -> memref<128x64xf32, #tpu.memory_space<vmem_shared>>
    tpu.enqueue_dma source(%dma_start3A_361 : memref<128x64xf32, #tpu.memory_space<vmem_shared>>) target(%dma_start3A_359 : memref<128x64xf32, #tpu.memory_space<hbm>>) target_semaphore(%arg10 : memref<!tpu.dma_semaphore, #tpu.memory_space<semaphore_mem>>)
    %mul3A_362 = arith.constant 640 : i32
    %mul3A_363 = arith.muli %arg1, %mul3A_362 : i32
    %add3A_364 = arith.constant 0 : i32
    %add3A_365 = arith.addi %mul3A_363, %add3A_364 : i32
    %mul3A_366 = arith.constant 64 : i32
    %mul3A_367 = arith.muli %arg0, %mul3A_366 : i32
    %dma_wait3A_368 = tpu.memref_slice %arg5[%add3A_365, %mul3A_367] : memref<10240x128xf32, #tpu.memory_space<hbm>> -> memref<128x64xf32, #tpu.memory_space<hbm>>
    %dma_wait3A_369 = arith.constant 0 : i32
    %dma_wait3A_370 = tpu.memref_slice %arg9[%add3A_365, %dma_wait3A_369] : memref<10240x64xf32, #tpu.memory_space<vmem_shared>> -> memref<128x64xf32, #tpu.memory_space<vmem_shared>>
    tpu.wait_dma2 semaphore(%arg10 : memref<!tpu.dma_semaphore, #tpu.memory_space<semaphore_mem>>) src(%dma_wait3A_370 : memref<128x64xf32, #tpu.memory_space<vmem_shared>>) dst(%dma_wait3A_368 : memref<128x64xf32, #tpu.memory_space<hbm>>)
    %mul3A_371 = arith.constant 640 : i32
    %mul3A_372 = arith.muli %arg1, %mul3A_371 : i32
    %add3A_373 = arith.constant 128 : i32
    %add3A_374 = arith.addi %mul3A_372, %add3A_373 : i32
    %mul3A_375 = arith.constant 64 : i32
    %mul3A_376 = arith.muli %arg0, %mul3A_375 : i32
    %dma_wait3A_377 = tpu.memref_slice %arg5[%add3A_374, %mul3A_376] : memref<10240x128xf32, #tpu.memory_space<hbm>> -> memref<128x64xf32, #tpu.memory_space<hbm>>
    %dma_wait3A_378 = arith.constant 0 : i32
    %dma_wait3A_379 = tpu.memref_slice %arg9[%add3A_374, %dma_wait3A_378] : memref<10240x64xf32, #tpu.memory_space<vmem_shared>> -> memref<128x64xf32, #tpu.memory_space<vmem_shared>>
    tpu.wait_dma2 semaphore(%arg10 : memref<!tpu.dma_semaphore, #tpu.memory_space<semaphore_mem>>) src(%dma_wait3A_379 : memref<128x64xf32, #tpu.memory_space<vmem_shared>>) dst(%dma_wait3A_377 : memref<128x64xf32, #tpu.memory_space<hbm>>)
    %mul3A_380 = arith.constant 640 : i32
    %mul3A_381 = arith.muli %arg1, %mul3A_380 : i32
    %add3A_382 = arith.constant 256 : i32
    %add3A_383 = arith.addi %mul3A_381, %add3A_382 : i32
    %mul3A_384 = arith.constant 64 : i32
    %mul3A_385 = arith.muli %arg0, %mul3A_384 : i32
    %dma_wait3A_386 = tpu.memref_slice %arg5[%add3A_383, %mul3A_385] : memref<10240x128xf32, #tpu.memory_space<hbm>> -> memref<128x64xf32, #tpu.memory_space<hbm>>
    %dma_wait3A_387 = arith.constant 0 : i32
    %dma_wait3A_388 = tpu.memref_slice %arg9[%add3A_383, %dma_wait3A_387] : memref<10240x64xf32, #tpu.memory_space<vmem_shared>> -> memref<128x64xf32, #tpu.memory_space<vmem_shared>>
    tpu.wait_dma2 semaphore(%arg10 : memref<!tpu.dma_semaphore, #tpu.memory_space<semaphore_mem>>) src(%dma_wait3A_388 : memref<128x64xf32, #tpu.memory_space<vmem_shared>>) dst(%dma_wait3A_386 : memref<128x64xf32, #tpu.memory_space<hbm>>)
    %mul3A_389 = arith.constant 640 : i32
    %mul3A_390 = arith.muli %arg1, %mul3A_389 : i32
    %add3A_391 = arith.constant 384 : i32
    %add3A_392 = arith.addi %mul3A_390, %add3A_391 : i32
    %mul3A_393 = arith.constant 64 : i32
    %mul3A_394 = arith.muli %arg0, %mul3A_393 : i32
    %dma_wait3A_395 = tpu.memref_slice %arg5[%add3A_392, %mul3A_394] : memref<10240x128xf32, #tpu.memory_space<hbm>> -> memref<128x64xf32, #tpu.memory_space<hbm>>
    %dma_wait3A_396 = arith.constant 0 : i32
    %dma_wait3A_397 = tpu.memref_slice %arg9[%add3A_392, %dma_wait3A_396] : memref<10240x64xf32, #tpu.memory_space<vmem_shared>> -> memref<128x64xf32, #tpu.memory_space<vmem_shared>>
    tpu.wait_dma2 semaphore(%arg10 : memref<!tpu.dma_semaphore, #tpu.memory_space<semaphore_mem>>) src(%dma_wait3A_397 : memref<128x64xf32, #tpu.memory_space<vmem_shared>>) dst(%dma_wait3A_395 : memref<128x64xf32, #tpu.memory_space<hbm>>)
    %mul3A_398 = arith.constant 640 : i32
    %mul3A_399 = arith.muli %arg1, %mul3A_398 : i32
    %add3A_400 = arith.constant 512 : i32
    %add3A_401 = arith.addi %mul3A_399, %add3A_400 : i32
    %mul3A_402 = arith.constant 64 : i32
    %mul3A_403 = arith.muli %arg0, %mul3A_402 : i32
    %dma_wait3A_404 = tpu.memref_slice %arg5[%add3A_401, %mul3A_403] : memref<10240x128xf32, #tpu.memory_space<hbm>> -> memref<128x64xf32, #tpu.memory_space<hbm>>
    %dma_wait3A_405 = arith.constant 0 : i32
    %dma_wait3A_406 = tpu.memref_slice %arg9[%add3A_401, %dma_wait3A_405] : memref<10240x64xf32, #tpu.memory_space<vmem_shared>> -> memref<128x64xf32, #tpu.memory_space<vmem_shared>>
    tpu.wait_dma2 semaphore(%arg10 : memref<!tpu.dma_semaphore, #tpu.memory_space<semaphore_mem>>) src(%dma_wait3A_406 : memref<128x64xf32, #tpu.memory_space<vmem_shared>>) dst(%dma_wait3A_404 : memref<128x64xf32, #tpu.memory_space<hbm>>)
    return
  }
}

module attributes {stable_mosaic.version = 14 : i64} {
  func.func @_mm0_body(%arg0: memref<10240x128xf32, #tpu.memory_space<vmem>>, %arg1: memref<128x128xf32, #tpu.memory_space<vmem>>, %arg2: memref<2x10240x1xf32, #tpu.memory_space<vmem>>, %arg3: memref<10240x128xf32, #tpu.memory_space<vmem>>) attributes {dimension_semantics = [], scalar_prefetch = 0 : i64, scratch_operands = 0 : i64, tpu.core_type = #tpu.core_type<tc>} {
    %get3A = arith.constant 0 : index
    %get3A_0 = arith.constant 0 : index
    %get3A_1 = arith.constant 0 : index
    %get3A_2 = vector.load %arg2[%get3A, %get3A_0, %get3A_1] : memref<2x10240x1xf32, #tpu.memory_space<vmem>>, vector<1x10240x1xf32>
    %get3A_3 = vector.shape_cast %get3A_2 : vector<1x10240x1xf32> to vector<10240x1xf32>
    %get3A_4 = arith.constant 1 : index
    %get3A_5 = arith.constant 0 : index
    %get3A_6 = arith.constant 0 : index
    %get3A_7 = vector.load %arg2[%get3A_4, %get3A_5, %get3A_6] : memref<2x10240x1xf32, #tpu.memory_space<vmem>>, vector<1x10240x1xf32>
    %get3A_8 = vector.shape_cast %get3A_7 : vector<1x10240x1xf32> to vector<10240x1xf32>
    %add3A = arith.addf %get3A_3, %get3A_8 : vector<10240x1xf32>
    %max3A = arith.constant 1.000000e+00 : f32
    %max3A_9 = vector.broadcast %max3A : f32 to vector<10240x1xf32>
    %max3A_10 = arith.maximumf %add3A, %max3A_9 : vector<10240x1xf32>
    %rsqrt3A = math.rsqrt %max3A_10 : vector<10240x1xf32>
    %get3A_11 = arith.constant 0 : index
    %get3A_12 = arith.constant 0 : index
    %get3A_13 = vector.load %arg0[%get3A_11, %get3A_12] : memref<10240x128xf32, #tpu.memory_space<vmem>>, vector<10240x128xf32>
    %mul3A = vector.broadcast %rsqrt3A : vector<10240x1xf32> to vector<10240x128xf32>
    %mul3A_14 = arith.mulf %get3A_13, %mul3A : vector<10240x128xf32>
    %get3A_15 = arith.constant 0 : index
    %get3A_16 = arith.constant 0 : index
    %get3A_17 = vector.load %arg1[%get3A_15, %get3A_16] : memref<128x128xf32, #tpu.memory_space<vmem>>, vector<128x128xf32>
    %dot_general3A = arith.constant dense<0.000000e+00> : vector<10240x128xf32>
    %dot_general3A_18 = tpu.matmul %mul3A_14, %get3A_17, %dot_general3A {dimension_numbers = #tpu.dot_dimension_numbers<[1], [0], [0], [1], [0, 0, 1, 1], [], []>, transpose_lhs_hint = false} : vector<10240x128xf32>, vector<128x128xf32>, vector<10240x128xf32> -> vector<10240x128xf32>
    %swap3A = arith.constant 0 : index
    %swap3A_19 = arith.constant 0 : index
    %swap3A_20 = vector.load %arg3[%swap3A, %swap3A_19] : memref<10240x128xf32, #tpu.memory_space<vmem>>, vector<10240x128xf32>
    tpu.vector_store %arg3[%swap3A, %swap3A_19], %dot_general3A_18 {strides = array<i32>} : memref<10240x128xf32, #tpu.memory_space<vmem>>, vector<10240x128xf32>,
    return
  }
}

module attributes {stable_mosaic.version = 14 : i64} {
  func.func @_finmm_body(%arg0: memref<10240x128xf32, #tpu.memory_space<vmem>>, %arg1: memref<1x128xf32, #tpu.memory_space<vmem>>, %arg2: memref<128x128xf32, #tpu.memory_space<vmem>>, %arg3: memref<2x10240x1xf32, #tpu.memory_space<vmem>>, %arg4: memref<2x10240x1xf32, #tpu.memory_space<vmem>>, %arg5: memref<10240x128xf32, #tpu.memory_space<vmem>>, %arg6: memref<10240x128xf32, #tpu.memory_space<vmem>>) attributes {dimension_semantics = [], scalar_prefetch = 0 : i64, scratch_operands = 0 : i64, tpu.core_type = #tpu.core_type<tc>} {
    %get3A = arith.constant 0 : index
    %get3A_0 = arith.constant 0 : index
    %get3A_1 = arith.constant 0 : index
    %get3A_2 = vector.load %arg4[%get3A, %get3A_0, %get3A_1] : memref<2x10240x1xf32, #tpu.memory_space<vmem>>, vector<1x10240x1xf32>
    %get3A_3 = vector.shape_cast %get3A_2 : vector<1x10240x1xf32> to vector<10240x1xf32>
    %get3A_4 = arith.constant 1 : index
    %get3A_5 = arith.constant 0 : index
    %get3A_6 = arith.constant 0 : index
    %get3A_7 = vector.load %arg4[%get3A_4, %get3A_5, %get3A_6] : memref<2x10240x1xf32, #tpu.memory_space<vmem>>, vector<1x10240x1xf32>
    %get3A_8 = vector.shape_cast %get3A_7 : vector<1x10240x1xf32> to vector<10240x1xf32>
    %add3A = arith.addf %get3A_3, %get3A_8 : vector<10240x1xf32>
    %max3A = arith.constant 1.000000e+00 : f32
    %max3A_9 = vector.broadcast %max3A : f32 to vector<10240x1xf32>
    %max3A_10 = arith.maximumf %add3A, %max3A_9 : vector<10240x1xf32>
    %rsqrt3A = math.rsqrt %max3A_10 : vector<10240x1xf32>
    %get3A_11 = arith.constant 0 : index
    %get3A_12 = arith.constant 0 : index
    %get3A_13 = arith.constant 0 : index
    %get3A_14 = vector.load %arg3[%get3A_11, %get3A_12, %get3A_13] : memref<2x10240x1xf32, #tpu.memory_space<vmem>>, vector<1x10240x1xf32>
    %get3A_15 = vector.shape_cast %get3A_14 : vector<1x10240x1xf32> to vector<10240x1xf32>
    %get3A_16 = arith.constant 1 : index
    %get3A_17 = arith.constant 0 : index
    %get3A_18 = arith.constant 0 : index
    %get3A_19 = vector.load %arg3[%get3A_16, %get3A_17, %get3A_18] : memref<2x10240x1xf32, #tpu.memory_space<vmem>>, vector<1x10240x1xf32>
    %get3A_20 = vector.shape_cast %get3A_19 : vector<1x10240x1xf32> to vector<10240x1xf32>
    %add3A_21 = arith.addf %get3A_15, %get3A_20 : vector<10240x1xf32>
    %max3A_22 = arith.constant 1.000000e+00 : f32
    %max3A_23 = vector.broadcast %max3A_22 : f32 to vector<10240x1xf32>
    %max3A_24 = arith.maximumf %add3A_21, %max3A_23 : vector<10240x1xf32>
    %rsqrt3A_25 = math.rsqrt %max3A_24 : vector<10240x1xf32>
    %get3A_26 = arith.constant 0 : index
    %get3A_27 = arith.constant 0 : index
    %get3A_28 = vector.load %arg0[%get3A_26, %get3A_27] : memref<10240x128xf32, #tpu.memory_space<vmem>>, vector<10240x128xf32>
    %mul3A = vector.broadcast %rsqrt3A : vector<10240x1xf32> to vector<10240x128xf32>
    %mul3A_29 = arith.mulf %get3A_28, %mul3A : vector<10240x128xf32>
    %get3A_30 = arith.constant 0 : index
    %get3A_31 = arith.constant 0 : index
    %get3A_32 = vector.load %arg1[%get3A_30, %get3A_31] : memref<1x128xf32, #tpu.memory_space<vmem>>, vector<1x128xf32>
    %add3A_33 = vector.broadcast %get3A_32 : vector<1x128xf32> to vector<10240x128xf32>
    %add3A_34 = arith.addf %mul3A_29, %add3A_33 : vector<10240x128xf32>
    %swap3A = arith.constant 0 : index
    %swap3A_35 = arith.constant 0 : index
    %swap3A_36 = vector.load %arg5[%swap3A, %swap3A_35] : memref<10240x128xf32, #tpu.memory_space<vmem>>, vector<10240x128xf32>
    tpu.vector_store %arg5[%swap3A, %swap3A_35], %add3A_34 {strides = array<i32>} : memref<10240x128xf32, #tpu.memory_space<vmem>>, vector<10240x128xf32>,
    %max3A_37 = arith.constant 0.000000e+00 : f32
    %max3A_38 = vector.broadcast %max3A_37 : f32 to vector<10240x128xf32>
    %max3A_39 = arith.maximumf %add3A_34, %max3A_38 : vector<10240x128xf32>
    %mul3A_40 = vector.broadcast %rsqrt3A_25 : vector<10240x1xf32> to vector<10240x128xf32>
    %mul3A_41 = arith.mulf %max3A_39, %mul3A_40 : vector<10240x128xf32>
    %get3A_42 = arith.constant 0 : index
    %get3A_43 = arith.constant 0 : index
    %get3A_44 = vector.load %arg2[%get3A_42, %get3A_43] : memref<128x128xf32, #tpu.memory_space<vmem>>, vector<128x128xf32>
    %dot_general3A = arith.constant dense<0.000000e+00> : vector<10240x128xf32>
    %dot_general3A_45 = tpu.matmul %mul3A_41, %get3A_44, %dot_general3A {dimension_numbers = #tpu.dot_dimension_numbers<[1], [0], [0], [1], [0, 0, 1, 1], [], []>, transpose_lhs_hint = false} : vector<10240x128xf32>, vector<128x128xf32>, vector<10240x128xf32> -> vector<10240x128xf32>
    %swap3A_46 = arith.constant 0 : index
    %swap3A_47 = arith.constant 0 : index
    %swap3A_48 = vector.load %arg6[%swap3A_46, %swap3A_47] : memref<10240x128xf32, #tpu.memory_space<vmem>>, vector<10240x128xf32>
    tpu.vector_store %arg6[%swap3A_46, %swap3A_47], %dot_general3A_45 {strides = array<i32>} : memref<10240x128xf32, #tpu.memory_space<vmem>>, vector<10240x128xf32>,
    return
  }
}

</mosaic_0001>

<sc_bundles>
// kernel: closed_call.24.cloned.1.call-start
scs
__scs_entry_jumppad:
0x0: {  	(pc) =	sbr.rel $0x88, $3  }
0x1: {  	(tag) =	ssettag $0x0;
	lr =	simm.s32 $0x1  }
0x2: {  	[smem:$0x3F9B] =	sst lr;
	_ =	strace $0xD0000000  }
0x3: {  	_ = 	snop  }
0x4: {  	_ = 	snop  }
0x5: {  	_ = 	snop  }
0x6: {  	_ = 	snop  }
0x7: {  	_ = 	snop  }
__scs_overlays_trampoline_lowered:
0x8: {  	[smem:$0x3FAA] =	sst s0  }
0x9: {  	[smem:$0x3FAB] =	sst s1  }
0xa: {  	[smem:$0x3FAC] =	sst s2  }
0xb: {  	[smem:$0x3FAD] =	sst s3  }
0xc: {  	[smem:$0x3FAE] =	sst s4  }
0xd: {  	[smem:$0x3FAF] =	sst s5  }
0xe: {  	[smem:$0x3FB0] =	sst s6  }
0xf: {  	[smem:$0x3FB1] =	sst s7  }
0x10: {  	[smem:$0x3FB2] =	sst s8  }
0x11: {  	[smem:$0x3FB3] =	sst s9;
	s0 =	simm.s32 @!p0 $0x0  }
0x12: {  	s1 =	sld [smem:$0x3F99];
	s0 =	simm.s32 @p0 $0x1  }
0x13: {  	[smem:$0x3FB4] =	sst s0;
	s0 =	simm.s32 @!p1 $0x0  }
0x14: {  	s2 =	sld [smem:$0x3F98];
	s0 =	simm.s32 @p1 $0x1  }
0x15: {  	[smem:$0x3FB5] =	sst s0;
	s0 =	simm.s32 @!p2 $0x0  }
0x16: {  	s3 =	sld [smem:$0x3FDB];
	s0 =	simm.s32 @p2 $0x1  }
0x17: {  	s4 =	simm.s32 $0x1BF5;
	[smem:$0x3FB7] =	sst s0  }
0x18: {  	s0 =	sld [smem:$0x3F9A];
	_ =	swait.ge [sflag:s4], $0x0  }
0x19: {  	s7 =	sld [smem:$0x3F9B]  }
0x1a: {  	s8 =	sadd.s32 $0xFFFFE003, lr  }
0x1b: {  	s9 =	sadd.s32 $0xFFFFFEF7, lr;
	s5 =	simm.s32 $0xFFFFFFFF;
	p2 =	slt.u32 s8, $0xFFFFF086  }
0x1c: {  	p1 =	slt.u32 s9, $0xF7A;
	s5 =	simm.s32 @!p2 $0x0  }
0x1d: {  	s5 =	simm.s32 @p1 $0x1;
	p0 =	seq.s32 s7, s2  }
0x1e: {  	s7 =	smul.u32 @!p0 $0xF7A, s2;
	p2 =	seq.s32 @!p0 s5, $0x0  }
0x1f: {  	s9 =	smul.u32 $0xF7A, s1;
	s8 =	simm.s32 @!p0 $0x1BF5;
	p2 =	por !p2, p0  }
0x20: {  	[sflag:s8] =	ssyncset.s32 @!p0 $0xFFFFF086;
	s6 =	sadd.s32 @!p0 s3, s7;
	s7 =	simm.s32 @!p0 $0x108  }
0x21: {  	s3 =	sadd.s32 s3, s9;
	s6 =	sadd.s32 @!p0 $0x88, s6;
	s7 =	simm.s32 @p2 $0x1082  }
0x22: {  	[simem:s7], [sflag:s8] =	dma.local @!p0 [hbm:s6], $0xF7A  }
0x23: {  	s9 =	sor.u32 $0xD0000000, s2;
	s6 =	simm.s32 $0x108;
	_ =	swait.ge @!p0 [sflag:s8], $0x0  }
0x24: {  	s3 =	sadd.s32 $0x88, s3;
	s6 =	simm.s32 @!p1 $0x1082;
	[sflag:s4] =	ssyncset.s32 $0xFFFFF086  }
0x25: {  	[simem:s6], [sflag:s4] =	dma.local [hbm:s3], $0xF7A  }
0x26: {  	[smem:$0x3F9B] =	sst s1;
	(tag) =	ssettag s2;
	_ =	strace s9  }
0x27: {  	s1 =	sld [smem:$0x3FAB]  }
0x28: {  	s2 =	sld [smem:$0x3FAC]  }
0x29: {  	s4 =	sld [smem:$0x3FAE]  }
0x2a: {  	p0 =	seq.s32 s5, $0x0;
	s5 =	sld [smem:$0x3FAF]  }
0x2b: {  	s6 =	sld [smem:$0x3FB0]  }
0x2c: {  	s7 =	sld [smem:$0x3FB1]  }
0x2d: {  	s3 =	simm.s32 $0x108;
	s8 =	sld [smem:$0x3FB2]  }
0x2e: {  	s3 =	simm.s32 @!p0 $0x1082;
	s9 =	sld [smem:$0x3FB3]  }
0x2f: {  	lr =	sadd.s32 s0, s3;
	s0 =	sld [smem:$0x3FAA]  }
0x30: {  	s3 =	sld [smem:$0x3FAD]  }
0x31: {  	[smem:$0x3FB6] =	sst s10  }
0x32: {  	s10 =	sld [smem:$0x3FB4];
	_ =	sdelay $0x3  }
0x33: {  	p0 =	seq.s32 s10, $0x1;
	s10 =	sld [smem:$0x3FB6];
	_ =	sdelay $0x3  }
0x34: {  	[smem:$0x3FB6] =	sst s10  }
0x35: {  	s10 =	sld [smem:$0x3FB5];
	_ =	sdelay $0x3  }
0x36: {  	p1 =	seq.s32 s10, $0x1;
	s10 =	sld [smem:$0x3FB6];
	_ =	sdelay $0x3  }
0x37: {  	[smem:$0x3FB6] =	sst s10  }
0x38: {  	s10 =	sld [smem:$0x3FB7]  }
0x39: {  	_ = 	snop;
	(pc) =	sbr.ind lr, $3  }
0x3a: {  	_ = 	snop  }
0x3b: {  	_ = 	snop  }
0x3c: {  	p2 =	seq.s32 s10, $0x1;
	s10 =	sld [smem:$0x3FB6]  }
0x3d: {  	_ =	shalt  }
0x3e: {  	_ =	shalt  }
0x3f: {  	_ =	shalt  }
0x40: {  	_ =	shalt  }
0x41: {  	_ =	shalt  }
0x42: {  	_ =	shalt  }
0x43: {  	_ =	shalt  }
0x44: {  	_ =	shalt  }
0x45: {  	_ =	shalt  }
0x46: {  	_ =	shalt  }
0x47: {  	_ =	shalt  }
0x48: {  	_ =	shalt  }
0x49: {  	_ =	shalt  }
0x4a: {  	_ =	shalt  }
0x4b: {  	_ =	shalt  }
0x4c: {  	_ =	shalt  }
0x4d: {  	_ =	shalt  }
0x4e: {  	_ =	shalt  }
0x4f: {  	_ =	shalt  }
0x50: {  	_ =	shalt  }
0x51: {  	_ =	shalt  }
0x52: {  	_ =	shalt  }
0x53: {  	_ =	shalt  }
0x54: {  	_ =	shalt  }
0x55: {  	_ =	shalt  }
0x56: {  	_ =	shalt  }
0x57: {  	_ =	shalt  }
0x58: {  	_ =	shalt  }
0x59: {  	_ =	shalt  }
0x5a: {  	_ =	shalt  }
0x5b: {  	_ =	shalt  }
0x5c: {  	_ =	shalt  }
0x5d: {  	_ =	shalt  }
0x5e: {  	_ =	shalt  }
0x5f: {  	_ =	shalt  }
0x60: {  	_ =	shalt  }
0x61: {  	_ =	shalt  }
0x62: {  	_ =	shalt  }
0x63: {  	_ =	shalt  }
0x64: {  	_ =	shalt  }
0x65: {  	_ =	shalt  }
0x66: {  	_ =	shalt  }
0x67: {  	_ =	shalt  }
0x68: {  	_ =	shalt  }
0x69: {  	_ =	shalt  }
0x6a: {  	_ =	shalt  }
0x6b: {  	_ =	shalt  }
0x6c: {  	_ =	shalt  }
0x6d: {  	_ =	shalt  }
0x6e: {  	_ =	shalt  }
0x6f: {  	_ =	shalt  }
0x70: {  	_ =	shalt  }
0x71: {  	_ =	shalt  }
0x72: {  	_ =	shalt  }
0x73: {  	_ =	shalt  }
0x74: {  	_ =	shalt  }
0x75: {  	_ =	shalt  }
0x76: {  	_ =	shalt  }
0x77: {  	_ =	shalt  }
0x78: {  	_ =	shalt  }
0x79: {  	_ =	shalt  }
0x7a: {  	_ =	shalt  }
0x7b: {  	_ =	shalt  }
0x7c: {  	_ =	shalt  }
0x7d: {  	_ =	shalt  }
0x7e: {  	_ =	shalt  }
0x7f: {  	_ =	shalt  }
0x80: {  	_ =	shalt  }
0x81: {  	_ =	shalt  }
0x82: {  	_ =	shalt  }
0x83: {  	_ =	shalt  }
0x84: {  	_ =	shalt  }
0x85: {  	_ =	shalt  }
0x86: {  	_ =	shalt  }
0x87: {  	_ =	shalt  }
.Lfunc_end0:
.L_simem_size_0:
called_computation_lowered:
.L_overlay_start_0:
0x88: {  	s2 =	sld [smem:$0x3FD9]  }
0x89: {  	s3 =	sld [smem:$0x3FFE];
	_ =	sdelay $0x1  }
0x8a: {  	s1 =	srdreg.scid  }
0x8b: {  	s0 =	sand.u32 $0x1, s1  }
0x8c: {  	s17 =	sshll.u32 s0, $0xA;
	s2 =	sadd.s32 s3, s2  }
0x8d: {  	s2 =	sadd.s32 s2, s17  }
0x8e: {  	[smem:$0x3FC2] =	sst s2  }
0x8f: {  	_ = 	snop  }
0x90: {  	s2 =	sld [smem:$0x3FD0];
	(tm) =	ssettm $0x1  }
0x91: {  	s18 =	sld [smem:$0x3FFB];
	_ =	sdelay $0x3  }
0x92: {  	_ =	strace s18  }
0x93: {  	s3 =	sld [smem:$0x3FFC];
	_ =	sdelay $0x3  }
0x94: {  	_ =	strace s3  }
0x95: {  	s3 =	sld [smem:$0x3FFD];
	_ =	sdelay $0x3  }
0x96: {  	_ =	strace s3  }
0x97: {  	_ =	strace $0x8FFFFFFF  }
0x98: {  	s19 =	sld [smem:$0x3FDB];
	_ =	sdelay $0x1  }
0x99: {  	s4 =	simm.s32 $_scs_section_size  }
0x9a: {  	s5 =	simm.s32 $_size__tile_overlayer_lowered;
	s6 =	simm.s32 $_tile_overlayer_lowered  }
0x9b: {  	s22 =	simm.s32 $0x1BFF;
	s21 =	sshll.u32 s6, $0x1;
	s3 =	sadd.s32 s4, s19  }
0x9c: {  	s7 =	simm.s32 $0x0;
	s20 =	sshll.u32 s5, $0x1;
	s5 =	sadd.s32 s21, s3  }
0x9d: {  	[timem:s7], [sflag:s22] =	dma.local [hbm:s5], s20  }
0x9e: {  	_ =	swait.ge [sflag:s22], s20  }
0x9f: {  	s4 =	ssub.s32 $0x0, s20;
	[sflag:s22] =	ssyncset.done $0x0  }
0xa0: {  	[sflag:s22] =	ssyncadd.s32 s4;
	_ =	sdelay $0x1  }
0xa1: {  	s23 =	simm.s32 $0x1B8B  }
0xa2: {  	_ =	swait.ge [sflag:s23], $0x1  }
0xa3: {  	[sflag:s23] =	ssyncset.done $0x0  }
0xa4: {  	s25 =	simm.s32 $0x1B8E;
	s24 =	sld [smem:$0x3FFE];
	[sflag:s23] =	ssyncadd.s32 $0xFFFFFFFF  }
0xa5: {  	s26 =	simm.s32 $execute0_lowered;
	[smem:$0x3FD2] =	sst s25  }
0xa6: {  	s5 =	sshll.u32 s26, $0x1;
	_ =	strace $0x80000049;
	[dreg:$0x1] =	wrdreg $0xFFFFFFFF  }
0xa7: {  	s28 =	simm.s32 $_size_execute0_lowered;
	s3 =	sadd.s32 s3, s5;
	[dreg:$0x0] =	wrdreg $0x0  }
0xa8: {  	s5 =	sshll.u32 s28, $0x1;
	[dreg:$0x2] =	wrdreg s3  }
0xa9: {  	[dreg:$0x3] =	wrdreg s5  }
0xaa: {  	[dreg:$0x4] =	wrdreg $0xC0  }
0xab: {  	_ =	task [dreg:s7], $0x5FFFF  }
0xac: {  	[dreg:$0x1] =	wrdreg $0xFFFFFFFF  }
0xad: {  	[dreg:$0x0] =	wrdreg $0x60  }
0xae: {  	[dreg:$0x2] =	wrdreg s24  }
0xaf: {  	[dreg:$0x3] =	wrdreg s2  }
0xb0: {  	[dreg:$0x4] =	wrdreg $0x140000  }
0xb1: {  	[dreg:$0x5] =	wrdreg $0x9  }
0xb2: {  	_ =	task.clear_ibuf [dreg:s7], $0x6FFFF;
	_ =	strace $0x90000049  }
0xb3: {  	s29 =	simm.s32 $0x9;
	_ =	strace $0x8000004B  }
0xb4: {  	_ =	swait.ge [sflag:s29], $0x1  }
0xb5: {  	[sflag:s29] =	ssyncadd.s32 $0xFFFFFFFF  }
0xb6: {  	_ =	strace $0x9000004B  }
0xb7: {  	_ =	sfence  }
0xb8: {  	s30 =	sld [smem:$0x0];
	_ =	sdelay $0x2  }
0xb9: {  	s31 =	sshll.u32 s1, $0xD;
	s1 =	sshrl.u32 s1, $0x2  }
0xba: {  	s3 =	sand.u32 $0x4000, s31;
	s1 =	sadd.s32 s1, s30  }
0xbb: {  	s0 =	sor.u32 s3, s0;
	s1 =	sshll.u32 s1, $0x11  }
0xbc: {  	s0 =	sor.u32 s1, s0  }
0xbd: {  	s0 =	sadd.s32 $0x8F2B, s0  }
0xbe: {  	[sflag:s0] =	ssyncadd.remote.s32 $0x1  }
0xbf: {  	_ =	sfence.sel $0xFFFF  }
0xc0: {  	[dreg:$0x0] =	wrdreg $0xFFFFFFFF;
	(pc) =	sbr.abs _section_cstart, $3  }
0xc1: {  	[dreg:$0x1] =	wrdreg $0xFFFFFFFF  }
0xc2: {  	_ =	task.clear_ibuf [dreg:s7], $0x2FFFF;
	_ =	strace $0x9FFFFFFF  }
0xc3: {  	(tm) =	ssettm $0x7FFFFFFF  }
tec
execute0_lowered:
.L_overlay_start_1:
0x0: {  	(tag) =	ssettag $0x1  }
0x1: {  	s0 =	rddreg [dreg:$0x0]  }
0x2: {  	s1 =	rddreg [dreg:$0x1]  }
0x3: {  	s2 =	rddreg [dreg:$0x2];
	s14 =	stileid.u32  }
0x4: {  	s5 =	simm.s32 $0x0;
	s4 =	srdreg.scid;
	s3 =	smul.u32 $0x5000, s14  }
0x5: {  	s29 =	simm.s32 $0x10000;
	s31 =	simm.s32 $0x12000;
	s26 =	smul.u32 $0x28000, s14  }
0x6: {  	s28 =	simm.s32 $0x7;
	s30 =	simm.s32 $0x8;
	s11 =	smul.u32 $0x280, s14  }
0x7: {  	[smem:$0x7FF] =	sst s5;
	s25 =	sand.u32 $0x1, s4;
	s19 =	smul.u32 $0x14000, s14  }
0x8: {  	s4 =	sadd.s32 $0x85400, s0;
	_ =	strace $0x8000004A;
	s7 =	smul.u32 $0x50000, s25  }
0x9: {  	s8 =	ssub.s32 $0x2, s25;
	s5 =	sshll.u32 s25, $0x6;
	s6 =	sshrl.u32 s3, $0x3  }
0xa: {  	s9 =	sshrl.u32 s8, $0x1;
	s10 =	sshrl.u32 s26, $0x2;
	s15 =	sadd.s32 $0x80, s11  }
0xb: {  	s17 =	sadd.s32 $0x100, s11;
	s20 =	sadd.s32 $0x200, s11;
	s6 =	sadd.s32 s6, s0  }
0xc: {  	s0 =	sadd.s32 $0xAD400, s0;
	s3 =	sadd.s32 s3, s7;
	s12 =	ssub.s32 s8, s9  }
0xd: {  	s7 =	sadd.s32 s10, s2;
	s16 =	sshll.u32 s15, $0x6;
	s18 =	sshll.u32 s17, $0x6  }
0xe: {  	s21 =	sshll.u32 s17, $0x7;
	s23 =	sshll.u32 s20, $0x7;
	s3 =	sshrl.u32 s3, $0x3  }
0xf: {  	s13 =	sadd.s32 $0x1E00, s6;
	s8 =	sadd.s32 s16, s2;
	s9 =	sadd.s32 s18, s2  }
0x10: {  	s26 =	smax.u32 s12, $0x1;
	s6 =	simm.s32 $0x10;
	s12 =	simm.s32 $0x0  }
0x11: {  	s1 =	sadd.s32 s1, s3;
	[dreg:$0x5] =	wrdreg s13;
	s13 =	sadd.s32 $0x180, s11  }
0x12: {  	s11 =	sshll.u32 s20, $0x6;
	s3 =	sor.u32 s5, s19;
	[dreg:$0xb] =	wrdreg s26  }
0x13: {  	s19 =	simm.s32 $0xA000;
	s20 =	simm.s32 $0x3;
	s26 =	simm.s32 $0xE000  }
0x14: {  	[dreg:$0x4] =	wrdreg s1;
	s10 =	sshll.u32 s13, $0x6;
	s1 =	sshll.u32 s15, $0x7  }
0x15: {  	s11 =	sadd.s32 s11, s2;
	s3 =	sshrl.u32 s3, $0x3;
	s22 =	sshll.u32 s13, $0x7  }
0x16: {  	s15 =	simm.s32 $0x5000;
	s1 =	sor.u32 s5, s1;
	s3 =	sadd.s32 s0, s3  }
0x17: {  	s10 =	sadd.s32 s10, s2;
	s1 =	sshrl.u32 s1, $0x3;
	[dreg:$0x6] =	wrdreg s3  }
0x18: {  	s3 =	sor.u32 s5, s22;
	s22 =	simm.s32 $0x2;
	s1 =	sadd.s32 s0, s1  }
0x19: {  	s24 =	sshrl.u32 s3, $0x3;
	s3 =	simm.s32 $0x9;
	[dreg:$0x7] =	wrdreg s1  }
0x1a: {  	s1 =	sor.u32 s5, s21;
	s5 =	sor.u32 s5, s23;
	s21 =	simm.s32 $0x1  }
.Ltmp0:
0x1b: {  	s23 =	simm.s32 $0x80;
	s1 =	sshrl.u32 s1, $0x3;
	(pc) =	sbr.rel .LBB2_1-.Ltmp0, $4  }
0x1c: {  	s25 =	sshrl.u32 s5, $0x3;
	s5 =	simm.s32 $0xA;
	s1 =	sadd.s32 s0, s1  }
0x1d: {  	[dreg:$0x8] =	wrdreg s1;
	s1 =	sadd.s32 s0, s24;
	s0 =	sadd.s32 s0, s25  }
0x1e: {  	s24 =	simm.s32 $0xC000;
	s25 =	simm.s32 $0x4;
	[dreg:$0x9] =	wrdreg s1  }
0x1f: {  	v0 =	vimm.f32 $0.0e+00;
	[dreg:$0xa] =	wrdreg s0;
	s0 =	simm.s32 $0x6;
	s1 =	simm.s32 $0x5  }
.LBB2_6:
0x20: {  	[spmem:s2] =	stream.indirect.scatter.add.f32 [tilespmem:s29], [sflag:$0x9], $0x40, s18, s23, $0xb8;
	[tilespmem:$0x1E000] =	vst v63  }
0x21: {  	_ =	swait.ge [sflag:s1], $0x2000  }
0x22: {  	[sflag:s1] =	ssyncset.done $0x0  }
0x23: {  	s13 =	sadd.s32 $0x5480, s14;
	[sflag:s1] =	ssyncadd.s32 $0xFFFFE000  }
0x24: {  	[spmem:s2] =	stream.indirect.scatter.add.f32 [tilespmem:s31], [sflag:$0xA], $0x40, s13, s23, $0xb8;
	[tilespmem:$0x1E000] =	vst v63  }
0x25: {  	_ =	swait.ge [sflag:s0], $0x2000  }
0x26: {  	[sflag:s0] =	ssyncset.done $0x0  }
0x27: {  	[sflag:s0] =	ssyncadd.s32 $0xFFFFE000  }
0x28: {  	_ =	swait.ge [sflag:s28], $0x2000  }
0x29: {  	[sflag:s28] =	ssyncset.done $0x0  }
0x2a: {  	[sflag:s28] =	ssyncadd.s32 $0xFFFFE000  }
0x2b: {  	_ =	swait.ge [sflag:s30], $0x2000  }
0x2c: {  	[sflag:s30] =	ssyncset.done $0x0  }
0x2d: {  	[sflag:s30] =	ssyncadd.s32 $0xFFFFE000  }
0x2e: {  	_ =	swait.ge [sflag:s3], $0x2000  }
0x2f: {  	[sflag:s3] =	ssyncset.done $0x0  }
0x30: {  	[sflag:s3] =	ssyncadd.s32 $0xFFFFE000  }
0x31: {  	_ =	swait.ge [sflag:s5], $0x2000  }
0x32: {  	[sflag:s5] =	ssyncset.done $0x0  }
0x33: {  	s15 =	stileid.u32;
	[sflag:s5] =	ssyncadd.s32 $0xFFFFE000  }
0x34: {  	s13 =	sshll.u32 s15, $0x6;
	[bflag:$0x0] =	sbarrier.arrive $0xFFFF  }
0x35: {  	s16 =	sshrl.u32 s7, $0x3;
	s13 =	sor.u32 $0x1C01, s13;
	s15 =	rddreg [dreg:$0x6]  }
0x36: {  	[hbm:s15@s6], [sflag:s13] =	dma.strided [spmem:s16@s30], $0x400, s21, $0x8   }
0x37: {  	s17 =	sshrl.u32 s8, $0x3;
	s15 =	rddreg [dreg:$0x7]  }
0x38: {  	[hbm:s15@s6], [sflag:s13] =	dma.strided [spmem:s17@s30], $0x400, s21, $0x8   }
0x39: {  	s18 =	sshrl.u32 s9, $0x3;
	s15 =	rddreg [dreg:$0x8]  }
0x3a: {  	[hbm:s15@s6], [sflag:s13] =	dma.strided [spmem:s18@s30], $0x400, s21, $0x8   }
0x3b: {  	s16 =	sshrl.u32 s10, $0x3;
	s15 =	rddreg [dreg:$0x9]  }
0x3c: {  	[hbm:s15@s6], [sflag:s13] =	dma.strided [spmem:s16@s30], $0x400, s21, $0x8   }
0x3d: {  	s17 =	sshrl.u32 s11, $0x3;
	s15 =	rddreg [dreg:$0xa]  }
0x3e: {  	[hbm:s15@s6], [sflag:s13] =	dma.strided [spmem:s17@s30], $0x400, s21, $0x8   }
0x3f: {  	_ =	swait.ge [sflag:s21], $0x400  }
0x40: {  	[sflag:s21] =	ssyncset.done $0x0  }
0x41: {  	[sflag:s21] =	ssyncadd.s32 $0xFFFFFC00  }
0x42: {  	_ =	swait.ge [sflag:s21], $0x400  }
0x43: {  	[sflag:s21] =	ssyncset.done $0x0  }
0x44: {  	[sflag:s21] =	ssyncadd.s32 $0xFFFFFC00  }
0x45: {  	_ =	swait.ge [sflag:s21], $0x400  }
0x46: {  	[sflag:s21] =	ssyncset.done $0x0  }
0x47: {  	[sflag:s21] =	ssyncadd.s32 $0xFFFFFC00  }
0x48: {  	_ =	swait.ge [sflag:s21], $0x400  }
0x49: {  	[sflag:s21] =	ssyncset.done $0x0  }
0x4a: {  	[sflag:s21] =	ssyncadd.s32 $0xFFFFFC00  }
0x4b: {  	_ =	swait.ge [sflag:s21], $0x400  }
0x4c: {  	s12 =	sadd.s32 $0x1, s12;
	s18 =	rddreg [dreg:$0xb]  }
0x4d: {  	p0 =	sne.s32 s12, s18  }
.Ltmp1:
0x4e: {  	_ = 	snop;
	(pc) =	sbr.rel @!p0 .LBB2_7-.Ltmp1, $3  }
0x4f: {  	_ =	sdelay $0x1  }
0x50: {  	[sflag:s21] =	ssyncset.done $0x0  }
0x51: {  	s15 =	simm.s32 $0x5000;
	[sflag:s21] =	ssyncadd.s32 $0xFFFFFC00  }
.LBB2_1:
0x52: {  	s13 =	simm.s32 $0x0;
	s14 =	rddreg [dreg:$0x4]  }
0x53: {  	[tilespmem:s13], [sflag:$0x1] =	stream.linear.gather [hbm4b:s14+s13], $0x5000, $0x38;
	[tilespmem:$0x1E000] =	vst v63  }
0x54: {  	s18 =	rddreg [dreg:$0x5]  }
0x55: {  	[tilespmem:s15], [sflag:$0x2] =	stream.linear.gather [hbm4b:s18+s13], $0x5000, $0x38;
	[tilespmem:$0x1E000] =	vst v63  }
0x56: {  	s14 =	simm.s32 $0x100;
	s13 =	simm.s32 $0x0  }
.LBB2_2:
0x57: {  	p0 =	sne.s32 s14, $0x7F00;
	[tilespmem:s13+$0xA030] =	vst v0;
	s18 =	smov.u32 s14;
	s14 =	sadd.s32 $0x100, s14  }
.Ltmp2:
0x58: {  	[tilespmem:s13+$0xA020] =	vst v0;
	(pc) =	sbr.rel @p0 .LBB2_2-.Ltmp2, $3  }
0x59: {  	[tilespmem:s13+$0xA000] =	vst v0  }
0x5a: {  	[tilespmem:s13+$0xA010] =	vst v0;
	_ =	sdelay $0x1  }
0x5b: {  	s13 =	sshra.s32 s18, $0x2  }
0x5c: {  	[tilespmem:s13+$0xA030] =	vst v0  }
0x5d: {  	[tilespmem:s13+$0xA020] =	vst v0  }
0x5e: {  	[tilespmem:s13+$0xA000] =	vst v0  }
0x5f: {  	[tilespmem:s13+$0xA010] =	vst v0  }
0x60: {  	[spmem:s7] =	stream.linear.scatter [tilespmem:s19], [sflag:$0x3], $0x2000, $0x38;
	[tilespmem:$0x1E000] =	vst v63  }
0x61: {  	_ = 	snop  }
0x62: {  	[spmem:s8] =	stream.linear.scatter [tilespmem:s19], [sflag:$0x3], $0x2000, $0x38;
	[tilespmem:$0x1E000] =	vst v63  }
0x63: {  	_ = 	snop  }
0x64: {  	[spmem:s9] =	stream.linear.scatter [tilespmem:s19], [sflag:$0x3], $0x2000, $0x38;
	[tilespmem:$0x1E000] =	vst v63  }
0x65: {  	_ = 	snop  }
0x66: {  	[spmem:s10] =	stream.linear.scatter [tilespmem:s19], [sflag:$0x3], $0x2000, $0x38;
	[tilespmem:$0x1E000] =	vst v63  }
0x67: {  	_ = 	snop  }
0x68: {  	[spmem:s11] =	stream.linear.scatter [tilespmem:s19], [sflag:$0x3], $0x2000, $0x38;
	[tilespmem:$0x1E000] =	vst v63  }
0x69: {  	_ =	swait.ge [sflag:s20], $0x2000  }
0x6a: {  	[sflag:s20] =	ssyncset.done $0x0  }
0x6b: {  	[sflag:s20] =	ssyncadd.s32 $0xFFFFE000  }
0x6c: {  	_ =	swait.ge [sflag:s20], $0x2000  }
0x6d: {  	[sflag:s20] =	ssyncset.done $0x0  }
0x6e: {  	[sflag:s20] =	ssyncadd.s32 $0xFFFFE000  }
0x6f: {  	_ =	swait.ge [sflag:s20], $0x2000  }
0x70: {  	[sflag:s20] =	ssyncset.done $0x0  }
0x71: {  	[sflag:s20] =	ssyncadd.s32 $0xFFFFE000  }
0x72: {  	_ =	swait.ge [sflag:s20], $0x2000  }
0x73: {  	[sflag:s20] =	ssyncset.done $0x0  }
0x74: {  	[sflag:s20] =	ssyncadd.s32 $0xFFFFE000  }
0x75: {  	_ =	swait.ge [sflag:s20], $0x2000  }
0x76: {  	[sflag:s20] =	ssyncset.done $0x0  }
0x77: {  	[sflag:s20] =	ssyncadd.s32 $0xFFFFE000  }
0x78: {  	_ =	swait.ge [sflag:s21], $0x5000  }
0x79: {  	[sflag:s21] =	ssyncset.done $0x0  }
0x7a: {  	[sflag:s21] =	ssyncadd.s32 $0xFFFFB000  }
0x7b: {  	_ =	swait.ge [sflag:s22], $0x5000  }
0x7c: {  	[sflag:s22] =	ssyncset.done $0x0  }
0x7d: {  	[sflag:s22] =	ssyncadd.s32 $0xFFFFB000  }
0x7e: {  	s13 =	simm.s32 $0x0;
	[bflag:$0x0] =	sbarrier.arrive $0xFFFF  }
0x7f: {  	[tilespmem:s19], [sflag:$0x1] =	stream.indirect.gather [hbm4b:s4+s23], $0x40, s13, s23, $0xb8;
	[tilespmem:$0x1E000] =	vst v63  }
0x80: {  	_ = 	snop  }
0x81: {  	[tilespmem:s24], [sflag:$0x2] =	stream.indirect.gather [hbm4b:s4+s23], $0x40, s23, s23, $0xb8;
	[tilespmem:$0x1E000] =	vst v63  }
0x82: {  	s14 =	simm.s32 $0x100  }
0x83: {  	[tilespmem:s26], [sflag:$0x3] =	stream.indirect.gather [hbm4b:s4+s23], $0x40, s14, s23, $0xb8;
	[tilespmem:$0x1E000] =	vst v63  }
0x84: {  	s17 =	simm.s32 $0x180  }
0x85: {  	[tilespmem:s29], [sflag:$0x4] =	stream.indirect.gather [hbm4b:s4+s23], $0x40, s17, s23, $0xb8;
	[tilespmem:$0x1E000] =	vst v63  }
0x86: {  	_ =	swait.ge [sflag:s21], $0x2000  }
0x87: {  	[sflag:s21] =	ssyncset.done $0x0  }
0x88: {  	s18 =	simm.s32 $0x200;
	[sflag:s21] =	ssyncadd.s32 $0xFFFFE000  }
0x89: {  	[tilespmem:s31], [sflag:$0x5] =	stream.indirect.gather [hbm4b:s4+s23], $0x40, s18, s23, $0xb8;
	[tilespmem:$0x1E000] =	vst v63  }
0x8a: {  	_ = 	snop  }
0x8b: {  	[spmem:s2] =	stream.indirect.scatter.add.f32 [tilespmem:s19], [sflag:$0x6], $0x40, s15, s23, $0xb8;
	[tilespmem:$0x1E000] =	vst v63  }
0x8c: {  	_ =	swait.ge [sflag:s22], $0x2000  }
0x8d: {  	[sflag:s22] =	ssyncset.done $0x0  }
0x8e: {  	[sflag:s22] =	ssyncadd.s32 $0xFFFFE000  }
0x8f: {  	_ =	swait.ge [sflag:s0], $0x2000  }
0x90: {  	[sflag:s0] =	ssyncset.done $0x0  }
0x91: {  	s15 =	simm.s32 $0x280;
	[sflag:s0] =	ssyncadd.s32 $0xFFFFE000  }
0x92: {  	[tilespmem:s19], [sflag:$0x1] =	stream.indirect.gather [hbm4b:s4+s23], $0x40, s15, s23, $0xb8;
	[tilespmem:$0x1E000] =	vst v63  }
0x93: {  	s16 =	simm.s32 $0x5080  }
0x94: {  	[spmem:s2] =	stream.indirect.scatter.add.f32 [tilespmem:s24], [sflag:$0x7], $0x40, s16, s23, $0xb8;
	[tilespmem:$0x1E000] =	vst v63  }
0x95: {  	_ =	swait.ge [sflag:s20], $0x2000  }
0x96: {  	[sflag:s20] =	ssyncset.done $0x0  }
0x97: {  	[sflag:s20] =	ssyncadd.s32 $0xFFFFE000  }
0x98: {  	_ =	swait.ge [sflag:s28], $0x2000  }
0x99: {  	[sflag:s28] =	ssyncset.done $0x0  }
0x9a: {  	s17 =	simm.s32 $0x300;
	[sflag:s28] =	ssyncadd.s32 $0xFFFFE000  }
0x9b: {  	[tilespmem:s24], [sflag:$0x2] =	stream.indirect.gather [hbm4b:s4+s23], $0x40, s17, s23, $0xb8;
	[tilespmem:$0x1E000] =	vst v63  }
0x9c: {  	s18 =	simm.s32 $0x5100  }
0x9d: {  	[spmem:s2] =	stream.indirect.scatter.add.f32 [tilespmem:s26], [sflag:$0x8], $0x40, s18, s23, $0xb8;
	[tilespmem:$0x1E000] =	vst v63  }
0x9e: {  	_ =	swait.ge [sflag:s25], $0x2000  }
0x9f: {  	[sflag:s25] =	ssyncset.done $0x0  }
0xa0: {  	[sflag:s25] =	ssyncadd.s32 $0xFFFFE000  }
0xa1: {  	_ =	swait.ge [sflag:s30], $0x2000  }
0xa2: {  	[sflag:s30] =	ssyncset.done $0x0  }
0xa3: {  	s15 =	simm.s32 $0x380;
	[sflag:s30] =	ssyncadd.s32 $0xFFFFE000  }
0xa4: {  	[tilespmem:s26], [sflag:$0x3] =	stream.indirect.gather [hbm4b:s4+s23], $0x40, s15, s23, $0xb8;
	[tilespmem:$0x1E000] =	vst v63  }
0xa5: {  	s16 =	simm.s32 $0x5180  }
0xa6: {  	[spmem:s2] =	stream.indirect.scatter.add.f32 [tilespmem:s29], [sflag:$0x9], $0x40, s16, s23, $0xb8;
	[tilespmem:$0x1E000] =	vst v63  }
0xa7: {  	_ =	swait.ge [sflag:s1], $0x2000  }
0xa8: {  	[sflag:s1] =	ssyncset.done $0x0  }
0xa9: {  	[sflag:s1] =	ssyncadd.s32 $0xFFFFE000  }
0xaa: {  	_ =	swait.ge [sflag:s3], $0x2000  }
0xab: {  	[sflag:s3] =	ssyncset.done $0x0  }
0xac: {  	s17 =	simm.s32 $0x400;
	[sflag:s3] =	ssyncadd.s32 $0xFFFFE000  }
0xad: {  	[tilespmem:s29], [sflag:$0x4] =	stream.indirect.gather [hbm4b:s4+s23], $0x40, s17, s23, $0xb8;
	[tilespmem:$0x1E000] =	vst v63  }
0xae: {  	s18 =	simm.s32 $0x5200  }
0xaf: {  	[spmem:s2] =	stream.indirect.scatter.add.f32 [tilespmem:s31], [sflag:$0xA], $0x40, s18, s23, $0xb8;
	[tilespmem:$0x1E000] =	vst v63  }
.LBB2_4:
0xb0: {  	_ =	swait.ge [sflag:s21], $0x2000  }
0xb1: {  	[sflag:s21] =	ssyncset.done $0x0  }
0xb2: {  	[sflag:s21] =	ssyncadd.s32 $0xFFFFE000  }
0xb3: {  	_ =	swait.ge [sflag:s5], $0x2000  }
0xb4: {  	s14 =	sshra.s32 s13, $0x2;
	[sflag:s5] =	ssyncset.done $0x0  }
0xb5: {  	s18 =	sadd.s32 $0x480, s14;
	[sflag:s5] =	ssyncadd.s32 $0xFFFFE000  }
0xb6: {  	[tilespmem:s31], [sflag:$0x5] =	stream.indirect.gather [hbm4b:s4+s23], $0x40, s18, s23, $0xb8;
	[tilespmem:$0x1E000] =	vst v63  }
0xb7: {  	s17 =	sadd.s32 $0x5280, s14  }
0xb8: {  	[spmem:s2] =	stream.indirect.scatter.add.f32 [tilespmem:s19], [sflag:$0x6], $0x40, s17, s23, $0xb8;
	[tilespmem:$0x1E000] =	vst v63  }
0xb9: {  	p0 =	seq.s32 s13, $0x12C00;
	_ =	swait.ge [sflag:s22], $0x2000  }
0xba: {  	s15 =	simm.s32 @p0 $0x80;
	s18 =	sshra.s32 @p0 s13, $0x2;
	[sflag:s22] =	ssyncset.done $0x0  }
0xbb: {  	s16 =	simm.s32 @p0 $0xC000;
	s18 =	sadd.s32 @p0 $0x5300, s18;
	[sflag:s22] =	ssyncadd.s32 $0xFFFFE000  }
0xbc: {  	[spmem:s2] =	stream.indirect.scatter.add.f32 @p0 [tilespmem:s16], [sflag:$0x7], $0x40, s18, s15, $0xb8;
	[tilespmem:$0x1E000] =	vst v63  }
0xbd: {  	s15 =	simm.s32 @p0 $0x3  }
0xbe: {  	_ =	swait.ge @p0 [sflag:s15], $0x2000  }
0xbf: {  	[sflag:s15] =	ssyncset.done @p0 $0x0  }
0xc0: {  	[sflag:s15] =	ssyncadd.s32 @p0 $0xFFFFE000;
	s15 =	simm.s32 @!p0 $0x6  }
0xc1: {  	_ =	swait.ge @!p0 [sflag:s15], $0x2000  }
0xc2: {  	[sflag:s15] =	ssyncset.done @!p0 $0x0  }
0xc3: {  	[sflag:s15] =	ssyncadd.s32 @!p0 $0xFFFFE000;
	s15 =	sshra.s32 @!p0 s13, $0x2  }
0xc4: {  	s17 =	simm.s32 @!p0 $0xA000;
	s18 =	simm.s32 @!p0 $0x80;
	s16 =	sadd.s32 @!p0 $0x500, s15  }
0xc5: {  	[tilespmem:s17], [sflag:$0x1] =	stream.indirect.gather @!p0 [hbm4b:s4+s18], $0x40, s16, s18, $0xb8;
	[tilespmem:$0x1E000] =	vst v63  }
0xc6: {  	s16 =	sadd.s32 @!p0 $0x5300, s15;
	s17 =	simm.s32 @!p0 $0xC000  }
0xc7: {  	[spmem:s2] =	stream.indirect.scatter.add.f32 @!p0 [tilespmem:s17], [sflag:$0x7], $0x40, s16, s18, $0xb8;
	[tilespmem:$0x1E000] =	vst v63  }
0xc8: {  	s16 =	simm.s32 @!p0 $0x3  }
0xc9: {  	_ =	swait.ge @!p0 [sflag:s16], $0x2000  }
0xca: {  	[sflag:s16] =	ssyncset.done @!p0 $0x0  }
0xcb: {  	[sflag:s16] =	ssyncadd.s32 @!p0 $0xFFFFE000;
	s16 =	simm.s32 @!p0 $0x7  }
0xcc: {  	_ =	swait.ge @!p0 [sflag:s16], $0x2000  }
0xcd: {  	[sflag:s16] =	ssyncset.done @!p0 $0x0  }
0xce: {  	s15 =	sadd.s32 @!p0 $0x580, s15;
	[sflag:s16] =	ssyncadd.s32 @!p0 $0xFFFFE000  }
0xcf: {  	[tilespmem:s17], [sflag:$0x2] =	stream.indirect.gather @!p0 [hbm4b:s4+s18], $0x40, s15, s18, $0xb8;
	[tilespmem:$0x1E000] =	vst v63  }
.Ltmp3:
0xd0: {  	s18 =	sadd.s32 $0x5380, s14;
	(pc) =	sbr.rel @p0 .LBB2_6-.Ltmp3, $4  }
0xd1: {  	[spmem:s2] =	stream.indirect.scatter.add.f32 [tilespmem:s26], [sflag:$0x8], $0x40, s18, s23, $0xb8;
	[tilespmem:$0x1E000] =	vst v63  }
0xd2: {  	_ =	swait.ge [sflag:s25], $0x2000  }
0xd3: {  	[sflag:s25] =	ssyncset.done $0x0  }
0xd4: {  	s18 =	sadd.s32 $0x5400, s14;
	[sflag:s25] =	ssyncadd.s32 $0xFFFFE000  }
0xd5: {  	_ =	swait.ge [sflag:s30], $0x2000  }
0xd6: {  	[sflag:s30] =	ssyncset.done $0x0  }
0xd7: {  	s15 =	sadd.s32 $0x600, s14;
	[sflag:s30] =	ssyncadd.s32 $0xFFFFE000  }
0xd8: {  	[tilespmem:s26], [sflag:$0x3] =	stream.indirect.gather [hbm4b:s4+s23], $0x40, s15, s23, $0xb8;
	[tilespmem:$0x1E000] =	vst v63  }
0xd9: {  	_ = 	snop  }
0xda: {  	[spmem:s2] =	stream.indirect.scatter.add.f32 [tilespmem:s29], [sflag:$0x9], $0x40, s18, s23, $0xb8;
	[tilespmem:$0x1E000] =	vst v63  }
0xdb: {  	_ =	swait.ge [sflag:s1], $0x2000  }
0xdc: {  	[sflag:s1] =	ssyncset.done $0x0  }
0xdd: {  	[sflag:s1] =	ssyncadd.s32 $0xFFFFE000  }
0xde: {  	_ =	swait.ge [sflag:s3], $0x2000  }
.Ltmp4:
0xdf: {  	[sflag:s3] =	ssyncset.done $0x0;
	(pc) =	sbr.rel .LBB2_4-.Ltmp4, $4  }
0xe0: {  	s17 =	sadd.s32 $0x680, s14;
	[sflag:s3] =	ssyncadd.s32 $0xFFFFE000  }
0xe1: {  	[tilespmem:s29], [sflag:$0x4] =	stream.indirect.gather [hbm4b:s4+s23], $0x40, s17, s23, $0xb8;
	[tilespmem:$0x1E000] =	vst v63  }
0xe2: {  	s13 =	sadd.s32 $0xA00, s13;
	s18 =	sadd.s32 $0x5480, s14  }
0xe3: {  	[spmem:s2] =	stream.indirect.scatter.add.f32 [tilespmem:s31], [sflag:$0xA], $0x40, s18, s23, $0xb8;
	[tilespmem:$0x1E000] =	vst v63  }
.LBB2_7:
0xe4: {  	_ =	sfence.sel $0x180000  }
0xe5: {  	[bflag:$0x0] =	sbarrier.arrive $0xFFFF  }
0xe6: {  	_ =	strace $0x9000004A  }
0xe7: {  	s0 =	stileid.u32;
	[bflag:$0x2] =	sbarrier.arrive $0xFFFF  }
0xe8: {  	p0 =	sne.s32 s0, $0x0;
	s0 =	rddreg [dreg:$0x3]  }
0xe9: {  	s0 =	sadd.s32 @!p0 $0x100000, s0  }
0xea: {  	[sflag:s0] =	ssyncadd.tile.s32 @!p0 $0x1;
	_ =	shalt  }
.Lfunc_end2:
_tile_overlayer_lowered:
.L_overlay_start_2:
0xeb: {  	(tag) =	ssettag $0x2  }
0xec: {  	s0 =	rddreg [dreg:$0x0];
	s2 =	stileid.u32  }
0xed: {  	s1 =	rddreg [dreg:$0x1];
	p0 =	sne.s32 s2, $0x0  }
0xee: {  	s3 =	rddreg [dreg:$0x2];
	[bflag:$0x3] =	sbarrier.arrive $0xFFFF;
	s2 =	simm.s32 @!p0 $0x1C0B  }
0xef: {  	[timem:s3], [sflag:s2] =	dma.local @!p0 [hbm:s0], s1  }
0xf0: {  	s0 =	simm.s32 @!p0 $0xB  }
0xf1: {  	_ =	swait.ge @!p0 [sflag:s0], s1  }
0xf2: {  	s1 =	ssub.s32 @!p0 $0x0, s1;
	[sflag:s0] =	ssyncset.done @!p0 $0x0  }
0xf3: {  	[sflag:s0] =	ssyncadd.s32 @!p0 s1  }
0xf4: {  	[bflag:$0x3] =	sbarrier.arrive $0xFFFF  }
0xf5: {  	_ =	shalt  }

// kernel: kernel.4.cloned.1.call-start
scs
__scs_entry_jumppad:
0x0: {  	(pc) =	sbr.rel $0x88, $3  }
0x1: {  	(tag) =	ssettag $0x0;
	lr =	simm.s32 $0x1  }
0x2: {  	[smem:$0x3F9B] =	sst lr;
	_ =	strace $0xD0000000  }
0x3: {  	_ = 	snop  }
0x4: {  	_ = 	snop  }
0x5: {  	_ = 	snop  }
0x6: {  	_ = 	snop  }
0x7: {  	_ = 	snop  }
__scs_overlays_trampoline_lowered:
0x8: {  	[smem:$0x3FAA] =	sst s0  }
0x9: {  	[smem:$0x3FAB] =	sst s1  }
0xa: {  	[smem:$0x3FAC] =	sst s2  }
0xb: {  	[smem:$0x3FAD] =	sst s3  }
0xc: {  	[smem:$0x3FAE] =	sst s4  }
0xd: {  	[smem:$0x3FAF] =	sst s5  }
0xe: {  	[smem:$0x3FB0] =	sst s6  }
0xf: {  	[smem:$0x3FB1] =	sst s7  }
0x10: {  	[smem:$0x3FB2] =	sst s8  }
0x11: {  	[smem:$0x3FB3] =	sst s9;
	s0 =	simm.s32 @!p0 $0x0  }
0x12: {  	s1 =	sld [smem:$0x3F99];
	s0 =	simm.s32 @p0 $0x1  }
0x13: {  	[smem:$0x3FB4] =	sst s0;
	s0 =	simm.s32 @!p1 $0x0  }
0x14: {  	s2 =	sld [smem:$0x3F98];
	s0 =	simm.s32 @p1 $0x1  }
0x15: {  	[smem:$0x3FB5] =	sst s0;
	s0 =	simm.s32 @!p2 $0x0  }
0x16: {  	s3 =	sld [smem:$0x3FDB];
	s0 =	simm.s32 @p2 $0x1  }
0x17: {  	s4 =	simm.s32 $0x1BF5;
	[smem:$0x3FB7] =	sst s0  }
0x18: {  	s0 =	sld [smem:$0x3F9A];
	_ =	swait.ge [sflag:s4], $0x0  }
0x19: {  	s7 =	sld [smem:$0x3F9B]  }
0x1a: {  	s8 =	sadd.s32 $0xFFFFE003, lr  }
0x1b: {  	s9 =	sadd.s32 $0xFFFFFEF7, lr;
	s5 =	simm.s32 $0xFFFFFFFF;
	p2 =	slt.u32 s8, $0xFFFFF086  }
0x1c: {  	p1 =	slt.u32 s9, $0xF7A;
	s5 =	simm.s32 @!p2 $0x0  }
0x1d: {  	s5 =	simm.s32 @p1 $0x1;
	p0 =	seq.s32 s7, s2  }
0x1e: {  	s7 =	smul.u32 @!p0 $0xF7A, s2;
	p2 =	seq.s32 @!p0 s5, $0x0  }
0x1f: {  	s9 =	smul.u32 $0xF7A, s1;
	s8 =	simm.s32 @!p0 $0x1BF5;
	p2 =	por !p2, p0  }
0x20: {  	[sflag:s8] =	ssyncset.s32 @!p0 $0xFFFFF086;
	s6 =	sadd.s32 @!p0 s3, s7;
	s7 =	simm.s32 @!p0 $0x108  }
0x21: {  	s3 =	sadd.s32 s3, s9;
	s6 =	sadd.s32 @!p0 $0x88, s6;
	s7 =	simm.s32 @p2 $0x1082  }
0x22: {  	[simem:s7], [sflag:s8] =	dma.local @!p0 [hbm:s6], $0xF7A  }
0x23: {  	s9 =	sor.u32 $0xD0000000, s2;
	s6 =	simm.s32 $0x108;
	_ =	swait.ge @!p0 [sflag:s8], $0x0  }
0x24: {  	s3 =	sadd.s32 $0x88, s3;
	s6 =	simm.s32 @!p1 $0x1082;
	[sflag:s4] =	ssyncset.s32 $0xFFFFF086  }
0x25: {  	[simem:s6], [sflag:s4] =	dma.local [hbm:s3], $0xF7A  }
0x26: {  	[smem:$0x3F9B] =	sst s1;
	(tag) =	ssettag s2;
	_ =	strace s9  }
0x27: {  	s1 =	sld [smem:$0x3FAB]  }
0x28: {  	s2 =	sld [smem:$0x3FAC]  }
0x29: {  	s4 =	sld [smem:$0x3FAE]  }
0x2a: {  	p0 =	seq.s32 s5, $0x0;
	s5 =	sld [smem:$0x3FAF]  }
0x2b: {  	s6 =	sld [smem:$0x3FB0]  }
0x2c: {  	s7 =	sld [smem:$0x3FB1]  }
0x2d: {  	s3 =	simm.s32 $0x108;
	s8 =	sld [smem:$0x3FB2]  }
0x2e: {  	s3 =	simm.s32 @!p0 $0x1082;
	s9 =	sld [smem:$0x3FB3]  }
0x2f: {  	lr =	sadd.s32 s0, s3;
	s0 =	sld [smem:$0x3FAA]  }
0x30: {  	s3 =	sld [smem:$0x3FAD]  }
0x31: {  	[smem:$0x3FB6] =	sst s10  }
0x32: {  	s10 =	sld [smem:$0x3FB4];
	_ =	sdelay $0x3  }
0x33: {  	p0 =	seq.s32 s10, $0x1;
	s10 =	sld [smem:$0x3FB6];
	_ =	sdelay $0x3  }
0x34: {  	[smem:$0x3FB6] =	sst s10  }
0x35: {  	s10 =	sld [smem:$0x3FB5];
	_ =	sdelay $0x3  }
0x36: {  	p1 =	seq.s32 s10, $0x1;
	s10 =	sld [smem:$0x3FB6];
	_ =	sdelay $0x3  }
0x37: {  	[smem:$0x3FB6] =	sst s10  }
0x38: {  	s10 =	sld [smem:$0x3FB7]  }
0x39: {  	_ = 	snop;
	(pc) =	sbr.ind lr, $3  }
0x3a: {  	_ = 	snop  }
0x3b: {  	_ = 	snop  }
0x3c: {  	p2 =	seq.s32 s10, $0x1;
	s10 =	sld [smem:$0x3FB6]  }
0x3d: {  	_ =	shalt  }
0x3e: {  	_ =	shalt  }
0x3f: {  	_ =	shalt  }
0x40: {  	_ =	shalt  }
0x41: {  	_ =	shalt  }
0x42: {  	_ =	shalt  }
0x43: {  	_ =	shalt  }
0x44: {  	_ =	shalt  }
0x45: {  	_ =	shalt  }
0x46: {  	_ =	shalt  }
0x47: {  	_ =	shalt  }
0x48: {  	_ =	shalt  }
0x49: {  	_ =	shalt  }
0x4a: {  	_ =	shalt  }
0x4b: {  	_ =	shalt  }
0x4c: {  	_ =	shalt  }
0x4d: {  	_ =	shalt  }
0x4e: {  	_ =	shalt  }
0x4f: {  	_ =	shalt  }
0x50: {  	_ =	shalt  }
0x51: {  	_ =	shalt  }
0x52: {  	_ =	shalt  }
0x53: {  	_ =	shalt  }
0x54: {  	_ =	shalt  }
0x55: {  	_ =	shalt  }
0x56: {  	_ =	shalt  }
0x57: {  	_ =	shalt  }
0x58: {  	_ =	shalt  }
0x59: {  	_ =	shalt  }
0x5a: {  	_ =	shalt  }
0x5b: {  	_ =	shalt  }
0x5c: {  	_ =	shalt  }
0x5d: {  	_ =	shalt  }
0x5e: {  	_ =	shalt  }
0x5f: {  	_ =	shalt  }
0x60: {  	_ =	shalt  }
0x61: {  	_ =	shalt  }
0x62: {  	_ =	shalt  }
0x63: {  	_ =	shalt  }
0x64: {  	_ =	shalt  }
0x65: {  	_ =	shalt  }
0x66: {  	_ =	shalt  }
0x67: {  	_ =	shalt  }
0x68: {  	_ =	shalt  }
0x69: {  	_ =	shalt  }
0x6a: {  	_ =	shalt  }
0x6b: {  	_ =	shalt  }
0x6c: {  	_ =	shalt  }
0x6d: {  	_ =	shalt  }
0x6e: {  	_ =	shalt  }
0x6f: {  	_ =	shalt  }
0x70: {  	_ =	shalt  }
0x71: {  	_ =	shalt  }
0x72: {  	_ =	shalt  }
0x73: {  	_ =	shalt  }
0x74: {  	_ =	shalt  }
0x75: {  	_ =	shalt  }
0x76: {  	_ =	shalt  }
0x77: {  	_ =	shalt  }
0x78: {  	_ =	shalt  }
0x79: {  	_ =	shalt  }
0x7a: {  	_ =	shalt  }
0x7b: {  	_ =	shalt  }
0x7c: {  	_ =	shalt  }
0x7d: {  	_ =	shalt  }
0x7e: {  	_ =	shalt  }
0x7f: {  	_ =	shalt  }
0x80: {  	_ =	shalt  }
0x81: {  	_ =	shalt  }
0x82: {  	_ =	shalt  }
0x83: {  	_ =	shalt  }
0x84: {  	_ =	shalt  }
0x85: {  	_ =	shalt  }
0x86: {  	_ =	shalt  }
0x87: {  	_ =	shalt  }
.Lfunc_end0:
.L_simem_size_0:
called_computation.1_lowered:
.L_overlay_start_0:
0x88: {  	s2 =	sld [smem:$0x3FD9]  }
0x89: {  	s3 =	sld [smem:$0x3FFE];
	_ =	sdelay $0x1  }
0x8a: {  	s1 =	srdreg.scid  }
0x8b: {  	s0 =	sand.u32 $0x1, s1  }
0x8c: {  	s17 =	sshll.u32 s0, $0xA;
	s2 =	sadd.s32 s3, s2  }
0x8d: {  	s2 =	sadd.s32 s2, s17  }
0x8e: {  	[smem:$0x3FC2] =	sst s2  }
0x8f: {  	_ = 	snop  }
0x90: {  	s2 =	sld [smem:$0x3FD0];
	(tm) =	ssettm $0x1  }
0x91: {  	s18 =	sld [smem:$0x3FFB];
	_ =	sdelay $0x3  }
0x92: {  	_ =	strace s18  }
0x93: {  	s3 =	sld [smem:$0x3FFC];
	_ =	sdelay $0x3  }
0x94: {  	_ =	strace s3  }
0x95: {  	s3 =	sld [smem:$0x3FFD];
	_ =	sdelay $0x3  }
0x96: {  	_ =	strace s3  }
0x97: {  	_ =	strace $0x8FFFFFFF  }
0x98: {  	s19 =	sld [smem:$0x3FDB];
	_ =	sdelay $0x1  }
0x99: {  	s4 =	simm.s32 $_scs_section_size  }
0x9a: {  	s5 =	simm.s32 $_size__tile_overlayer_lowered;
	s6 =	simm.s32 $_tile_overlayer_lowered  }
0x9b: {  	s22 =	simm.s32 $0x1BFF;
	s21 =	sshll.u32 s6, $0x1;
	s3 =	sadd.s32 s4, s19  }
0x9c: {  	s7 =	simm.s32 $0x0;
	s20 =	sshll.u32 s5, $0x1;
	s5 =	sadd.s32 s21, s3  }
0x9d: {  	[timem:s7], [sflag:s22] =	dma.local [hbm:s5], s20  }
0x9e: {  	_ =	swait.ge [sflag:s22], s20  }
0x9f: {  	s4 =	ssub.s32 $0x0, s20;
	[sflag:s22] =	ssyncset.done $0x0  }
0xa0: {  	[sflag:s22] =	ssyncadd.s32 s4;
	_ =	sdelay $0x1  }
0xa1: {  	s23 =	simm.s32 $0x1B8B  }
0xa2: {  	_ =	swait.ge [sflag:s23], $0x1  }
0xa3: {  	[sflag:s23] =	ssyncset.done $0x0  }
0xa4: {  	s25 =	simm.s32 $0x1B8E;
	s24 =	sld [smem:$0x3FFE];
	[sflag:s23] =	ssyncadd.s32 $0xFFFFFFFF  }
0xa5: {  	s26 =	simm.s32 $execute0_lowered;
	[smem:$0x3FD2] =	sst s25  }
0xa6: {  	s5 =	sshll.u32 s26, $0x1;
	_ =	strace $0x80000046;
	[dreg:$0x1] =	wrdreg $0xFFFFFFFF  }
0xa7: {  	s28 =	simm.s32 $_size_execute0_lowered;
	s3 =	sadd.s32 s3, s5;
	[dreg:$0x0] =	wrdreg $0x0  }
0xa8: {  	s5 =	sshll.u32 s28, $0x1;
	[dreg:$0x2] =	wrdreg s3  }
0xa9: {  	[dreg:$0x3] =	wrdreg s5  }
0xaa: {  	[dreg:$0x4] =	wrdreg $0xC0  }
0xab: {  	_ =	task [dreg:s7], $0x5FFFF  }
0xac: {  	[dreg:$0x1] =	wrdreg $0xFFFFFFFF  }
0xad: {  	[dreg:$0x0] =	wrdreg $0x60  }
0xae: {  	[dreg:$0x2] =	wrdreg s2  }
0xaf: {  	[dreg:$0x3] =	wrdreg s24  }
0xb0: {  	[dreg:$0x4] =	wrdreg $0x53000  }
0xb1: {  	[dreg:$0x5] =	wrdreg $0x55800  }
0xb2: {  	[dreg:$0x6] =	wrdreg $0x9  }
0xb3: {  	_ =	task.clear_ibuf [dreg:s7], $0x7FFFF;
	_ =	strace $0x90000046  }
0xb4: {  	s29 =	simm.s32 $0x9;
	_ =	strace $0x80000048  }
0xb5: {  	_ =	swait.ge [sflag:s29], $0x1  }
0xb6: {  	[sflag:s29] =	ssyncadd.s32 $0xFFFFFFFF  }
0xb7: {  	_ =	strace $0x90000048  }
0xb8: {  	_ =	sfence  }
0xb9: {  	s30 =	sld [smem:$0x0];
	_ =	sdelay $0x2  }
0xba: {  	s31 =	sshll.u32 s1, $0xD;
	s1 =	sshrl.u32 s1, $0x2  }
0xbb: {  	s3 =	sand.u32 $0x4000, s31;
	s1 =	sadd.s32 s1, s30  }
0xbc: {  	s0 =	sor.u32 s3, s0;
	s1 =	sshll.u32 s1, $0x11  }
0xbd: {  	s0 =	sor.u32 s1, s0  }
0xbe: {  	s0 =	sadd.s32 $0x8F2B, s0  }
0xbf: {  	[sflag:s0] =	ssyncadd.remote.s32 $0x1  }
0xc0: {  	_ =	sfence.sel $0xFFFF  }
0xc1: {  	[dreg:$0x0] =	wrdreg $0xFFFFFFFF;
	(pc) =	sbr.abs _section_cstart, $3  }
0xc2: {  	[dreg:$0x1] =	wrdreg $0xFFFFFFFF  }
0xc3: {  	_ =	task.clear_ibuf [dreg:s7], $0x2FFFF;
	_ =	strace $0x9FFFFFFF  }
0xc4: {  	(tm) =	ssettm $0x7FFFFFFF  }
0xc5: {  	_ =	shalt  }
tec
execute0_lowered:
.L_overlay_start_1:
0x0: {  	(tag) =	ssettag $0x1  }
0x1: {  	s0 =	rddreg [dreg:$0x0]  }
0x2: {  	s5 =	rddreg [dreg:$0x1]  }
0x3: {  	s2 =	rddreg [dreg:$0x2];
	s4 =	srdreg.scid  }
0x4: {  	s3 =	rddreg [dreg:$0x3];
	s1 =	stileid.u32;
	s13 =	simm.s32 $0x2800  }
0x5: {  	s14 =	simm.s32 $0x5080;
	s15 =	simm.s32 $0x80;
	s16 =	simm.s32 $0x5000  }
0x6: {  	s24 =	simm.s32 $0x280;
	s25 =	simm.s32 $0x2A80;
	s26 =	simm.s32 $0x300  }
0x7: {  	s28 =	simm.s32 $0x2B00;
	s29 =	simm.s32 $0x380;
	s30 =	simm.s32 $0x2B80  }
0x8: {  	s31 =	simm.s32 $0x1;
	s17 =	simm.s32 $0x0;
	s6 =	sand.u32 $0x1, s4  }
0x9: {  	s8 =	smul.u32 $0x280, s1;
	s4 =	simm.s32 $0x0;
	s7 =	sshll.u32 s6, $0x4  }
0xa: {  	s9 =	smul.u32 $0x5000, s6;
	s6 =	ssub.s32 $0x2, s6;
	s7 =	sor.u32 s1, s7  }
0xb: {  	[smem:$0x7FF] =	sst s4;
	s11 =	sshrl.u32 s6, $0x1;
	s7 =	smul.u32 $0x500, s7  }
0xc: {  	_ =	strace $0x80000047;
	s9 =	sadd.s32 s8, s9;
	s11 =	ssub.s32 s6, s11  }
0xd: {  	s9 =	sshrl.u32 s9, $0x3;
	s11 =	smax.u32 s11, $0x1;
	s10 =	sadd.s32 s7, s5  }
0xe: {  	s12 =	sadd.s32 s9, s5;
	s5 =	sadd.s32 s0, s7;
	s7 =	sadd.s32 s8, s2  }
0xf: {  	s8 =	sadd.s32 s8, s3;
	s0 =	simm.s32 $0x2;
	s6 =	sadd.s32 $0x1E00, s10  }
0x10: {  	v0 =	vimm.f32 $1.000000000e+00;
	v1 =	vimm.f32 $0.0e+00;
	s9 =	sadd.s32 $0xBE00, s12;
	s10 =	sadd.s32 $0xC300, s12;
	s12 =	simm.s32 $0x3  }
.LBB2_1:
0x11: {  	[tilespmem:s4], [sflag:$0x3] =	stream.linear.gather [hbm4b:s5+s4], $0x2800, $0x38;
	[tilespmem:$0x5800] =	vst v63  }
0x12: {  	_ =	swait.ge [sflag:s12], $0x2800  }
0x13: {  	[sflag:s12] =	ssyncset.done $0x0  }
0x14: {  	[sflag:s12] =	ssyncadd.s32 $0xFFFFD800  }
0x15: {  	[tilespmem:s13], [sflag:$0x3] =	stream.linear.gather [hbm4b:s6+s4], $0x2800, $0x38;
	[tilespmem:$0x5800] =	vst v63  }
0x16: {  	_ =	swait.ge [sflag:s12], $0x2800  }
0x17: {  	[sflag:s12] =	ssyncset.done $0x0  }
0x18: {  	[sflag:s12] =	ssyncadd.s32 $0xFFFFD800  }
0x19: {  	[tilespmem:$0x5000] =	vst v0  }
0x1a: {  	[tilespmem:$0x5010] =	vst v0  }
0x1b: {  	[tilespmem:$0x5020] =	vst v0  }
0x1c: {  	[tilespmem:$0x5030] =	vst v0  }
0x1d: {  	[tilespmem:$0x5040] =	vst v0  }
0x1e: {  	[tilespmem:$0x5050] =	vst v0  }
0x1f: {  	[tilespmem:$0x5060] =	vst v0  }
0x20: {  	[tilespmem:$0x5070] =	vst v0  }
0x21: {  	[tilespmem:$0x5080] =	vst v1  }
0x22: {  	[tilespmem:$0x5090] =	vst v1  }
0x23: {  	[tilespmem:$0x50A0] =	vst v1  }
0x24: {  	[tilespmem:$0x50B0] =	vst v1  }
0x25: {  	[tilespmem:$0x50C0] =	vst v1  }
0x26: {  	[tilespmem:$0x50D0] =	vst v1  }
0x27: {  	[tilespmem:$0x50E0] =	vst v1  }
0x28: {  	[tilespmem:$0x50F0] =	vst v1  }
0x29: {  	[tilespmem:$0x5100] =	vst v1  }
0x2a: {  	[tilespmem:$0x5110] =	vst v1  }
0x2b: {  	[tilespmem:$0x5120] =	vst v1  }
0x2c: {  	[tilespmem:$0x5130] =	vst v1  }
0x2d: {  	[tilespmem:$0x5140] =	vst v1  }
0x2e: {  	[tilespmem:$0x5150] =	vst v1  }
0x2f: {  	[tilespmem:$0x5160] =	vst v1  }
0x30: {  	[tilespmem:$0x5170] =	vst v1  }
0x31: {  	[tilespmem:$0x5180] =	vst v1  }
0x32: {  	[tilespmem:$0x5190] =	vst v1  }
0x33: {  	[tilespmem:$0x51A0] =	vst v1  }
0x34: {  	[tilespmem:$0x51B0] =	vst v1  }
0x35: {  	[tilespmem:$0x51C0] =	vst v1  }
0x36: {  	[tilespmem:$0x51D0] =	vst v1  }
0x37: {  	[tilespmem:$0x51E0] =	vst v1  }
0x38: {  	[tilespmem:$0x51F0] =	vst v1  }
0x39: {  	[tilespmem:$0x5200] =	vst v1  }
0x3a: {  	[tilespmem:$0x5210] =	vst v1  }
0x3b: {  	[tilespmem:$0x5220] =	vst v1  }
0x3c: {  	[tilespmem:$0x5230] =	vst v1  }
0x3d: {  	[tilespmem:$0x5240] =	vst v1  }
0x3e: {  	[tilespmem:$0x5250] =	vst v1  }
0x3f: {  	[tilespmem:$0x5260] =	vst v1  }
0x40: {  	[tilespmem:$0x5270] =	vst v1  }
0x41: {  	[tilespmem:$0x5280] =	vst v1  }
0x42: {  	[tilespmem:$0x5290] =	vst v1  }
0x43: {  	[tilespmem:$0x52A0] =	vst v1  }
0x44: {  	[tilespmem:$0x52B0] =	vst v1  }
0x45: {  	[tilespmem:$0x52C0] =	vst v1  }
0x46: {  	[tilespmem:$0x52D0] =	vst v1  }
0x47: {  	[tilespmem:$0x52E0] =	vst v1  }
0x48: {  	[tilespmem:$0x52F0] =	vst v1  }
0x49: {  	[spmem:s7] =	stream.linear.scatter [tilespmem:s14], [sflag:$0x3], $0x280, $0x38;
	[tilespmem:$0x5800] =	vst v63  }
0x4a: {  	_ =	swait.ge [sflag:s12], $0x280  }
0x4b: {  	[sflag:s12] =	ssyncset.done $0x0  }
0x4c: {  	[sflag:s12] =	ssyncadd.s32 $0xFFFFFD80  }
0x4d: {  	[spmem:s8] =	stream.linear.scatter [tilespmem:s14], [sflag:$0x3], $0x280, $0x38;
	[tilespmem:$0x5800] =	vst v63  }
0x4e: {  	_ =	swait.ge [sflag:s12], $0x280  }
0x4f: {  	[sflag:s12] =	ssyncset.done $0x0  }
0x50: {  	[sflag:s12] =	ssyncadd.s32 $0xFFFFFD80  }
0x51: {  	[bflag:$0x0] =	sbarrier.arrive $0xFFFF  }
0x52: {  	[spmem:s2] =	stream.indirect.scatter.add.f32 [tilespmem:s16], [sflag:$0x1], $0x1, s4, s15, $0xb8;
	[tilespmem:$0x5800] =	vst v63  }
0x53: {  	_ = 	snop  }
0x54: {  	[spmem:s3] =	stream.indirect.scatter.add.f32 [tilespmem:s16], [sflag:$0x2], $0x1, s13, s15, $0xb8;
	[tilespmem:$0x5800] =	vst v63  }
0x55: {  	_ = 	snop  }
0x56: {  	[spmem:s2] =	stream.indirect.scatter.add.f32 [tilespmem:s16], [sflag:$0x1], $0x1, s15, s15, $0xb8;
	[tilespmem:$0x5800] =	vst v63  }
0x57: {  	s18 =	simm.s32 $0x2880  }
0x58: {  	[spmem:s3] =	stream.indirect.scatter.add.f32 [tilespmem:s16], [sflag:$0x2], $0x1, s18, s15, $0xb8;
	[tilespmem:$0x5800] =	vst v63  }
0x59: {  	s23 =	simm.s32 $0x100  }
0x5a: {  	[spmem:s2] =	stream.indirect.scatter.add.f32 [tilespmem:s16], [sflag:$0x1], $0x1, s23, s15, $0xb8;
	[tilespmem:$0x5800] =	vst v63  }
0x5b: {  	s19 =	simm.s32 $0x2900  }
0x5c: {  	[spmem:s3] =	stream.indirect.scatter.add.f32 [tilespmem:s16], [sflag:$0x2], $0x1, s19, s15, $0xb8;
	[tilespmem:$0x5800] =	vst v63  }
0x5d: {  	s20 =	simm.s32 $0x180  }
0x5e: {  	[spmem:s2] =	stream.indirect.scatter.add.f32 [tilespmem:s16], [sflag:$0x1], $0x1, s20, s15, $0xb8;
	[tilespmem:$0x5800] =	vst v63  }
0x5f: {  	s21 =	simm.s32 $0x2980  }
0x60: {  	[spmem:s3] =	stream.indirect.scatter.add.f32 [tilespmem:s16], [sflag:$0x2], $0x1, s21, s15, $0xb8;
	[tilespmem:$0x5800] =	vst v63  }
0x61: {  	s22 =	simm.s32 $0x200  }
0x62: {  	[spmem:s2] =	stream.indirect.scatter.add.f32 [tilespmem:s16], [sflag:$0x1], $0x1, s22, s15, $0xb8;
	[tilespmem:$0x5800] =	vst v63  }
0x63: {  	s23 =	simm.s32 $0x2A00  }
0x64: {  	[spmem:s3] =	stream.indirect.scatter.add.f32 [tilespmem:s16], [sflag:$0x2], $0x1, s23, s15, $0xb8;
	[tilespmem:$0x5800] =	vst v63  }
0x65: {  	_ = 	snop  }
0x66: {  	[spmem:s2] =	stream.indirect.scatter.add.f32 [tilespmem:s16], [sflag:$0x1], $0x1, s24, s15, $0xb8;
	[tilespmem:$0x5800] =	vst v63  }
0x67: {  	_ = 	snop  }
0x68: {  	[spmem:s3] =	stream.indirect.scatter.add.f32 [tilespmem:s16], [sflag:$0x2], $0x1, s25, s15, $0xb8;
	[tilespmem:$0x5800] =	vst v63  }
0x69: {  	_ = 	snop  }
0x6a: {  	[spmem:s2] =	stream.indirect.scatter.add.f32 [tilespmem:s16], [sflag:$0x1], $0x1, s26, s15, $0xb8;
	[tilespmem:$0x5800] =	vst v63  }
0x6b: {  	_ = 	snop  }
0x6c: {  	[spmem:s3] =	stream.indirect.scatter.add.f32 [tilespmem:s16], [sflag:$0x2], $0x1, s28, s15, $0xb8;
	[tilespmem:$0x5800] =	vst v63  }
0x6d: {  	_ = 	snop  }
0x6e: {  	[spmem:s2] =	stream.indirect.scatter.add.f32 [tilespmem:s16], [sflag:$0x1], $0x1, s29, s15, $0xb8;
	[tilespmem:$0x5800] =	vst v63  }
0x6f: {  	p0 =	por $0x0, $0x0  }
0x70: {  	[spmem:s3] =	stream.indirect.scatter.add.f32 [tilespmem:s16], [sflag:$0x2], $0x1, s30, s15, $0xb8;
	[tilespmem:$0x5800] =	vst v63  }
0x71: {  	s18 =	simm.s32 @!p0 $0x80;
	s19 =	simm.s32 @!p0 $0x400;
	s20 =	simm.s32 @!p0 $0x5000  }
0x72: {  	[spmem:s2] =	stream.indirect.scatter.add.f32 @!p0 [tilespmem:s20], [sflag:$0x1], $0x1, s19, s18, $0xb8;
	[tilespmem:$0x5800] =	vst v63  }
0x73: {  	s19 =	simm.s32 @!p0 $0x2C00  }
0x74: {  	[spmem:s3] =	stream.indirect.scatter.add.f32 @!p0 [tilespmem:s20], [sflag:$0x2], $0x1, s19, s18, $0xb8;
	[tilespmem:$0x5800] =	vst v63  }
0x75: {  	s19 =	simm.s32 @!p0 $0x480  }
0x76: {  	[spmem:s2] =	stream.indirect.scatter.add.f32 @!p0 [tilespmem:s20], [sflag:$0x1], $0x1, s19, s18, $0xb8;
	[tilespmem:$0x5800] =	vst v63  }
0x77: {  	s19 =	simm.s32 @!p0 $0x2C80  }
0x78: {  	[spmem:s3] =	stream.indirect.scatter.add.f32 @!p0 [tilespmem:s20], [sflag:$0x2], $0x1, s19, s18, $0xb8;
	[tilespmem:$0x5800] =	vst v63  }
0x79: {  	s19 =	simm.s32 @!p0 $0x500  }
0x7a: {  	[spmem:s2] =	stream.indirect.scatter.add.f32 @!p0 [tilespmem:s20], [sflag:$0x1], $0x1, s19, s18, $0xb8;
	[tilespmem:$0x5800] =	vst v63  }
0x7b: {  	s19 =	simm.s32 @!p0 $0x2D00  }
0x7c: {  	[spmem:s3] =	stream.indirect.scatter.add.f32 @!p0 [tilespmem:s20], [sflag:$0x2], $0x1, s19, s18, $0xb8;
	[tilespmem:$0x5800] =	vst v63  }
0x7d: {  	s19 =	simm.s32 @!p0 $0x580  }
0x7e: {  	[spmem:s2] =	stream.indirect.scatter.add.f32 @!p0 [tilespmem:s20], [sflag:$0x1], $0x1, s19, s18, $0xb8;
	[tilespmem:$0x5800] =	vst v63  }
0x7f: {  	s19 =	simm.s32 @!p0 $0x2D80  }
0x80: {  	[spmem:s3] =	stream.indirect.scatter.add.f32 @!p0 [tilespmem:s20], [sflag:$0x2], $0x1, s19, s18, $0xb8;
	[tilespmem:$0x5800] =	vst v63  }
0x81: {  	s19 =	simm.s32 @!p0 $0x600  }
0x82: {  	[spmem:s2] =	stream.indirect.scatter.add.f32 @!p0 [tilespmem:s20], [sflag:$0x1], $0x1, s19, s18, $0xb8;
	[tilespmem:$0x5800] =	vst v63  }
0x83: {  	s19 =	simm.s32 @!p0 $0x2E00  }
0x84: {  	[spmem:s3] =	stream.indirect.scatter.add.f32 @!p0 [tilespmem:s20], [sflag:$0x2], $0x1, s19, s18, $0xb8;
	[tilespmem:$0x5800] =	vst v63  }
0x85: {  	s19 =	simm.s32 @!p0 $0x680  }
0x86: {  	[spmem:s2] =	stream.indirect.scatter.add.f32 @!p0 [tilespmem:s20], [sflag:$0x1], $0x1, s19, s18, $0xb8;
	[tilespmem:$0x5800] =	vst v63  }
0x87: {  	s19 =	simm.s32 @!p0 $0x2E80  }
0x88: {  	[spmem:s3] =	stream.indirect.scatter.add.f32 @!p0 [tilespmem:s20], [sflag:$0x2], $0x1, s19, s18, $0xb8;
	[tilespmem:$0x5800] =	vst v63  }
0x89: {  	s19 =	simm.s32 @!p0 $0x700  }
0x8a: {  	[spmem:s2] =	stream.indirect.scatter.add.f32 @!p0 [tilespmem:s20], [sflag:$0x1], $0x1, s19, s18, $0xb8;
	[tilespmem:$0x5800] =	vst v63  }
0x8b: {  	s19 =	simm.s32 @!p0 $0x2F00  }
0x8c: {  	[spmem:s3] =	stream.indirect.scatter.add.f32 @!p0 [tilespmem:s20], [sflag:$0x2], $0x1, s19, s18, $0xb8;
	[tilespmem:$0x5800] =	vst v63  }
0x8d: {  	s19 =	simm.s32 @!p0 $0x780  }
0x8e: {  	[spmem:s2] =	stream.indirect.scatter.add.f32 @!p0 [tilespmem:s20], [sflag:$0x1], $0x1, s19, s18, $0xb8;
	[tilespmem:$0x5800] =	vst v63  }
0x8f: {  	s19 =	simm.s32 @!p0 $0x2F80  }
0x90: {  	[spmem:s3] =	stream.indirect.scatter.add.f32 @!p0 [tilespmem:s20], [sflag:$0x2], $0x1, s19, s18, $0xb8;
	[tilespmem:$0x5800] =	vst v63  }
0x91: {  	_ =	swait.ge [sflag:s31], $0x80  }
0x92: {  	[sflag:s31] =	ssyncset.done $0x0  }
0x93: {  	[sflag:s31] =	ssyncadd.s32 $0xFFFFFF80  }
0x94: {  	_ =	swait.ge [sflag:s0], $0x80  }
0x95: {  	[sflag:s0] =	ssyncset.done $0x0  }
0x96: {  	[sflag:s0] =	ssyncadd.s32 $0xFFFFFF80  }
0x97: {  	_ =	swait.ge [sflag:s31], $0x80  }
0x98: {  	[sflag:s31] =	ssyncset.done $0x0  }
0x99: {  	[sflag:s31] =	ssyncadd.s32 $0xFFFFFF80  }
0x9a: {  	_ =	swait.ge [sflag:s0], $0x80  }
0x9b: {  	[sflag:s0] =	ssyncset.done $0x0  }
0x9c: {  	[sflag:s0] =	ssyncadd.s32 $0xFFFFFF80  }
0x9d: {  	_ =	swait.ge [sflag:s31], $0x80  }
0x9e: {  	[sflag:s31] =	ssyncset.done $0x0  }
0x9f: {  	[sflag:s31] =	ssyncadd.s32 $0xFFFFFF80  }
0xa0: {  	_ =	swait.ge [sflag:s0], $0x80  }
0xa1: {  	[sflag:s0] =	ssyncset.done $0x0  }
0xa2: {  	[sflag:s0] =	ssyncadd.s32 $0xFFFFFF80  }
0xa3: {  	_ =	swait.ge [sflag:s31], $0x80  }
0xa4: {  	[sflag:s31] =	ssyncset.done $0x0  }
0xa5: {  	[sflag:s31] =	ssyncadd.s32 $0xFFFFFF80  }
0xa6: {  	_ =	swait.ge [sflag:s0], $0x80  }
0xa7: {  	[sflag:s0] =	ssyncset.done $0x0  }
0xa8: {  	[sflag:s0] =	ssyncadd.s32 $0xFFFFFF80  }
0xa9: {  	_ =	swait.ge [sflag:s31], $0x80  }
0xaa: {  	[sflag:s31] =	ssyncset.done $0x0  }
0xab: {  	[sflag:s31] =	ssyncadd.s32 $0xFFFFFF80  }
0xac: {  	_ =	swait.ge [sflag:s0], $0x80  }
0xad: {  	[sflag:s0] =	ssyncset.done $0x0  }
0xae: {  	[sflag:s0] =	ssyncadd.s32 $0xFFFFFF80  }
0xaf: {  	_ =	swait.ge [sflag:s31], $0x80  }
0xb0: {  	[sflag:s31] =	ssyncset.done $0x0  }
0xb1: {  	[sflag:s31] =	ssyncadd.s32 $0xFFFFFF80  }
0xb2: {  	_ =	swait.ge [sflag:s0], $0x80  }
0xb3: {  	[sflag:s0] =	ssyncset.done $0x0  }
0xb4: {  	[sflag:s0] =	ssyncadd.s32 $0xFFFFFF80  }
0xb5: {  	_ =	swait.ge [sflag:s31], $0x80  }
0xb6: {  	[sflag:s31] =	ssyncset.done $0x0  }
0xb7: {  	[sflag:s31] =	ssyncadd.s32 $0xFFFFFF80  }
0xb8: {  	_ =	swait.ge [sflag:s0], $0x80  }
0xb9: {  	[sflag:s0] =	ssyncset.done $0x0  }
0xba: {  	[sflag:s0] =	ssyncadd.s32 $0xFFFFFF80  }
0xbb: {  	_ =	swait.ge [sflag:s31], $0x80  }
0xbc: {  	[sflag:s31] =	ssyncset.done $0x0  }
0xbd: {  	p1 =	por $0x0, $0x0;
	[sflag:s31] =	ssyncadd.s32 $0xFFFFFF80  }
0xbe: {  	s21 =	simm.s32 @!p1 $0x400;
	_ =	swait.ge [sflag:s0], $0x80  }
0xbf: {  	s18 =	simm.s32 $0x2000;
	s20 =	simm.s32 @!p1 $0x80;
	[sflag:s0] =	ssyncset.done $0x0  }
.LBB2_2:
0xc0: {  	s19 =	sadd.s32 @!p1 $0x400, s21;
	s22 =	simm.s32 @!p1 $0x5000;
	[sflag:s0] =	ssyncadd.s32 $0xFFFFFF80  }
0xc1: {  	[spmem:s2] =	stream.indirect.scatter.add.f32 @!p1 [tilespmem:s22], [sflag:$0x1], $0x1, s19, s20, $0xb8;
	[tilespmem:$0x5800] =	vst v63  }
0xc2: {  	s23 =	sadd.s32 @!p1 $0x2C00, s21;
	s19 =	smov.u32 s18;
	s18 =	sadd.s32 $0x1000, s18  }
0xc3: {  	[spmem:s3] =	stream.indirect.scatter.add.f32 @!p1 [tilespmem:s22], [sflag:$0x2], $0x1, s23, s20, $0xb8;
	[tilespmem:$0x5800] =	vst v63  }
0xc4: {  	p0 =	sne.s32 s18, $0xA000;
	s23 =	sadd.s32 @!p1 $0x480, s21  }
0xc5: {  	[spmem:s2] =	stream.indirect.scatter.add.f32 @!p1 [tilespmem:s22], [sflag:$0x1], $0x1, s23, s20, $0xb8;
	[tilespmem:$0x5800] =	vst v63  }
0xc6: {  	s23 =	sadd.s32 @!p1 $0x2C80, s21  }
0xc7: {  	[spmem:s3] =	stream.indirect.scatter.add.f32 @!p1 [tilespmem:s22], [sflag:$0x2], $0x1, s23, s20, $0xb8;
	[tilespmem:$0x5800] =	vst v63  }
0xc8: {  	s23 =	sadd.s32 @!p1 $0x500, s21  }
0xc9: {  	[spmem:s2] =	stream.indirect.scatter.add.f32 @!p1 [tilespmem:s22], [sflag:$0x1], $0x1, s23, s20, $0xb8;
	[tilespmem:$0x5800] =	vst v63  }
0xca: {  	s23 =	sadd.s32 @!p1 $0x2D00, s21  }
0xcb: {  	[spmem:s3] =	stream.indirect.scatter.add.f32 @!p1 [tilespmem:s22], [sflag:$0x2], $0x1, s23, s20, $0xb8;
	[tilespmem:$0x5800] =	vst v63  }
0xcc: {  	s23 =	sadd.s32 @!p1 $0x580, s21  }
0xcd: {  	[spmem:s2] =	stream.indirect.scatter.add.f32 @!p1 [tilespmem:s22], [sflag:$0x1], $0x1, s23, s20, $0xb8;
	[tilespmem:$0x5800] =	vst v63  }
0xce: {  	s23 =	sadd.s32 @!p1 $0x2D80, s21  }
0xcf: {  	[spmem:s3] =	stream.indirect.scatter.add.f32 @!p1 [tilespmem:s22], [sflag:$0x2], $0x1, s23, s20, $0xb8;
	[tilespmem:$0x5800] =	vst v63  }
0xd0: {  	s23 =	sadd.s32 @!p1 $0x600, s21  }
0xd1: {  	[spmem:s2] =	stream.indirect.scatter.add.f32 @!p1 [tilespmem:s22], [sflag:$0x1], $0x1, s23, s20, $0xb8;
	[tilespmem:$0x5800] =	vst v63  }
0xd2: {  	s23 =	sadd.s32 @!p1 $0x2E00, s21  }
0xd3: {  	[spmem:s3] =	stream.indirect.scatter.add.f32 @!p1 [tilespmem:s22], [sflag:$0x2], $0x1, s23, s20, $0xb8;
	[tilespmem:$0x5800] =	vst v63  }
0xd4: {  	s23 =	sadd.s32 @!p1 $0x680, s21  }
0xd5: {  	[spmem:s2] =	stream.indirect.scatter.add.f32 @!p1 [tilespmem:s22], [sflag:$0x1], $0x1, s23, s20, $0xb8;
	[tilespmem:$0x5800] =	vst v63  }
0xd6: {  	s23 =	sadd.s32 @!p1 $0x2E80, s21  }
0xd7: {  	[spmem:s3] =	stream.indirect.scatter.add.f32 @!p1 [tilespmem:s22], [sflag:$0x2], $0x1, s23, s20, $0xb8;
	[tilespmem:$0x5800] =	vst v63  }
0xd8: {  	s23 =	sadd.s32 @!p1 $0x700, s21  }
0xd9: {  	[spmem:s2] =	stream.indirect.scatter.add.f32 @!p1 [tilespmem:s22], [sflag:$0x1], $0x1, s23, s20, $0xb8;
	[tilespmem:$0x5800] =	vst v63  }
0xda: {  	s23 =	sadd.s32 @!p1 $0x2F00, s21  }
0xdb: {  	[spmem:s3] =	stream.indirect.scatter.add.f32 @!p1 [tilespmem:s22], [sflag:$0x2], $0x1, s23, s20, $0xb8;
	[tilespmem:$0x5800] =	vst v63  }
0xdc: {  	s23 =	sadd.s32 @!p1 $0x780, s21  }
0xdd: {  	[spmem:s2] =	stream.indirect.scatter.add.f32 @!p1 [tilespmem:s22], [sflag:$0x1], $0x1, s23, s20, $0xb8;
	[tilespmem:$0x5800] =	vst v63  }
0xde: {  	s21 =	sadd.s32 @!p1 $0x2F80, s21  }
0xdf: {  	[spmem:s3] =	stream.indirect.scatter.add.f32 @!p1 [tilespmem:s22], [sflag:$0x2], $0x1, s21, s20, $0xb8;
	[tilespmem:$0x5800] =	vst v63  }
0xe0: {  	_ =	swait.ge [sflag:s31], $0x80  }
0xe1: {  	[sflag:s31] =	ssyncset.done $0x0  }
0xe2: {  	[sflag:s31] =	ssyncadd.s32 $0xFFFFFF80  }
0xe3: {  	_ =	swait.ge [sflag:s0], $0x80  }
0xe4: {  	[sflag:s0] =	ssyncset.done $0x0  }
0xe5: {  	[sflag:s0] =	ssyncadd.s32 $0xFFFFFF80  }
0xe6: {  	_ =	swait.ge [sflag:s31], $0x80  }
0xe7: {  	[sflag:s31] =	ssyncset.done $0x0  }
0xe8: {  	[sflag:s31] =	ssyncadd.s32 $0xFFFFFF80  }
0xe9: {  	_ =	swait.ge [sflag:s0], $0x80  }
0xea: {  	[sflag:s0] =	ssyncset.done $0x0  }
0xeb: {  	[sflag:s0] =	ssyncadd.s32 $0xFFFFFF80  }
0xec: {  	_ =	swait.ge [sflag:s31], $0x80  }
0xed: {  	[sflag:s31] =	ssyncset.done $0x0  }
0xee: {  	[sflag:s31] =	ssyncadd.s32 $0xFFFFFF80  }
0xef: {  	_ =	swait.ge [sflag:s0], $0x80  }
0xf0: {  	[sflag:s0] =	ssyncset.done $0x0  }
0xf1: {  	[sflag:s0] =	ssyncadd.s32 $0xFFFFFF80  }
0xf2: {  	_ =	swait.ge [sflag:s31], $0x80  }
0xf3: {  	[sflag:s31] =	ssyncset.done $0x0  }
0xf4: {  	[sflag:s31] =	ssyncadd.s32 $0xFFFFFF80  }
0xf5: {  	_ =	swait.ge [sflag:s0], $0x80  }
0xf6: {  	[sflag:s0] =	ssyncset.done $0x0  }
0xf7: {  	[sflag:s0] =	ssyncadd.s32 $0xFFFFFF80  }
0xf8: {  	_ =	swait.ge [sflag:s31], $0x80  }
0xf9: {  	[sflag:s31] =	ssyncset.done $0x0  }
0xfa: {  	[sflag:s31] =	ssyncadd.s32 $0xFFFFFF80  }
0xfb: {  	_ =	swait.ge [sflag:s0], $0x80  }
0xfc: {  	[sflag:s0] =	ssyncset.done $0x0  }
0xfd: {  	[sflag:s0] =	ssyncadd.s32 $0xFFFFFF80  }
0xfe: {  	_ =	swait.ge [sflag:s31], $0x80  }
0xff: {  	[sflag:s31] =	ssyncset.done $0x0  }
0x100: {  	[sflag:s31] =	ssyncadd.s32 $0xFFFFFF80  }
0x101: {  	_ =	swait.ge [sflag:s0], $0x80  }
0x102: {  	[sflag:s0] =	ssyncset.done $0x0  }
0x103: {  	[sflag:s0] =	ssyncadd.s32 $0xFFFFFF80  }
0x104: {  	_ =	swait.ge [sflag:s31], $0x80  }
0x105: {  	[sflag:s31] =	ssyncset.done $0x0  }
0x106: {  	[sflag:s31] =	ssyncadd.s32 $0xFFFFFF80  }
0x107: {  	_ =	swait.ge [sflag:s0], $0x80  }
0x108: {  	[sflag:s0] =	ssyncset.done $0x0  }
0x109: {  	[sflag:s0] =	ssyncadd.s32 $0xFFFFFF80  }
.Ltmp0:
0x10a: {  	_ =	swait.ge [sflag:s31], $0x80;
	(pc) =	sbr.rel @p0 .LBB2_2-.Ltmp0, $4  }
0x10b: {  	[sflag:s31] =	ssyncset.done $0x0  }
0x10c: {  	[sflag:s31] =	ssyncadd.s32 $0xFFFFFF80  }
0x10d: {  	p1 =	seq.s32 s19, $0x9000;
	_ =	swait.ge [sflag:s0], $0x80  }
0x10e: {  	s21 =	sshra.s32 @!p1 s19, $0x2;
	s20 =	simm.s32 @!p1 $0x80;
	[sflag:s0] =	ssyncset.done $0x0  }
0x10f: {  	s18 =	sadd.s32 @!p1 $0x400, s21;
	s19 =	simm.s32 @!p1 $0x5000;
	[sflag:s0] =	ssyncadd.s32 $0xFFFFFF80  }
0x110: {  	[spmem:s2] =	stream.indirect.scatter.add.f32 @!p1 [tilespmem:s19], [sflag:$0x1], $0x1, s18, s20, $0xb8;
	[tilespmem:$0x5800] =	vst v63  }
0x111: {  	s18 =	sadd.s32 @!p1 $0x2C00, s21  }
0x112: {  	[spmem:s3] =	stream.indirect.scatter.add.f32 @!p1 [tilespmem:s19], [sflag:$0x2], $0x1, s18, s20, $0xb8;
	[tilespmem:$0x5800] =	vst v63  }
0x113: {  	s18 =	sadd.s32 @!p1 $0x480, s21  }
0x114: {  	[spmem:s2] =	stream.indirect.scatter.add.f32 @!p1 [tilespmem:s19], [sflag:$0x1], $0x1, s18, s20, $0xb8;
	[tilespmem:$0x5800] =	vst v63  }
0x115: {  	s18 =	sadd.s32 @!p1 $0x2C80, s21  }
0x116: {  	[spmem:s3] =	stream.indirect.scatter.add.f32 @!p1 [tilespmem:s19], [sflag:$0x2], $0x1, s18, s20, $0xb8;
	[tilespmem:$0x5800] =	vst v63  }
0x117: {  	s18 =	sadd.s32 @!p1 $0x500, s21  }
0x118: {  	[spmem:s2] =	stream.indirect.scatter.add.f32 @!p1 [tilespmem:s19], [sflag:$0x1], $0x1, s18, s20, $0xb8;
	[tilespmem:$0x5800] =	vst v63  }
0x119: {  	s18 =	sadd.s32 @!p1 $0x2D00, s21  }
0x11a: {  	[spmem:s3] =	stream.indirect.scatter.add.f32 @!p1 [tilespmem:s19], [sflag:$0x2], $0x1, s18, s20, $0xb8;
	[tilespmem:$0x5800] =	vst v63  }
0x11b: {  	s18 =	sadd.s32 @!p1 $0x580, s21  }
0x11c: {  	[spmem:s2] =	stream.indirect.scatter.add.f32 @!p1 [tilespmem:s19], [sflag:$0x1], $0x1, s18, s20, $0xb8;
	[tilespmem:$0x5800] =	vst v63  }
0x11d: {  	s18 =	sadd.s32 @!p1 $0x2D80, s21  }
0x11e: {  	[spmem:s3] =	stream.indirect.scatter.add.f32 @!p1 [tilespmem:s19], [sflag:$0x2], $0x1, s18, s20, $0xb8;
	[tilespmem:$0x5800] =	vst v63  }
0x11f: {  	s18 =	sadd.s32 @!p1 $0x600, s21  }
0x120: {  	[spmem:s2] =	stream.indirect.scatter.add.f32 @!p1 [tilespmem:s19], [sflag:$0x1], $0x1, s18, s20, $0xb8;
	[tilespmem:$0x5800] =	vst v63  }
0x121: {  	s18 =	sadd.s32 @!p1 $0x2E00, s21  }
0x122: {  	[spmem:s3] =	stream.indirect.scatter.add.f32 @!p1 [tilespmem:s19], [sflag:$0x2], $0x1, s18, s20, $0xb8;
	[tilespmem:$0x5800] =	vst v63  }
0x123: {  	s18 =	sadd.s32 @!p1 $0x680, s21  }
0x124: {  	[spmem:s2] =	stream.indirect.scatter.add.f32 @!p1 [tilespmem:s19], [sflag:$0x1], $0x1, s18, s20, $0xb8;
	[tilespmem:$0x5800] =	vst v63  }
0x125: {  	s18 =	sadd.s32 @!p1 $0x2E80, s21  }
0x126: {  	[spmem:s3] =	stream.indirect.scatter.add.f32 @!p1 [tilespmem:s19], [sflag:$0x2], $0x1, s18, s20, $0xb8;
	[tilespmem:$0x5800] =	vst v63  }
0x127: {  	s18 =	sadd.s32 @!p1 $0x700, s21  }
0x128: {  	[spmem:s2] =	stream.indirect.scatter.add.f32 @!p1 [tilespmem:s19], [sflag:$0x1], $0x1, s18, s20, $0xb8;
	[tilespmem:$0x5800] =	vst v63  }
0x129: {  	s18 =	sadd.s32 @!p1 $0x2F00, s21  }
0x12a: {  	[spmem:s3] =	stream.indirect.scatter.add.f32 @!p1 [tilespmem:s19], [sflag:$0x2], $0x1, s18, s20, $0xb8;
	[tilespmem:$0x5800] =	vst v63  }
0x12b: {  	s18 =	sadd.s32 @!p1 $0x780, s21  }
0x12c: {  	[spmem:s2] =	stream.indirect.scatter.add.f32 @!p1 [tilespmem:s19], [sflag:$0x1], $0x1, s18, s20, $0xb8;
	[tilespmem:$0x5800] =	vst v63  }
0x12d: {  	s18 =	sadd.s32 @!p1 $0x2F80, s21  }
0x12e: {  	[spmem:s3] =	stream.indirect.scatter.add.f32 @!p1 [tilespmem:s19], [sflag:$0x2], $0x1, s18, s20, $0xb8;
	[tilespmem:$0x5800] =	vst v63  }
0x12f: {  	_ =	swait.ge [sflag:s31], $0x80  }
0x130: {  	[sflag:s31] =	ssyncset.done $0x0  }
0x131: {  	[sflag:s31] =	ssyncadd.s32 $0xFFFFFF80  }
0x132: {  	_ =	swait.ge [sflag:s0], $0x80  }
0x133: {  	[sflag:s0] =	ssyncset.done $0x0  }
0x134: {  	[sflag:s0] =	ssyncadd.s32 $0xFFFFFF80  }
0x135: {  	_ =	swait.ge [sflag:s31], $0x80  }
0x136: {  	[sflag:s31] =	ssyncset.done $0x0  }
0x137: {  	[sflag:s31] =	ssyncadd.s32 $0xFFFFFF80  }
0x138: {  	_ =	swait.ge [sflag:s0], $0x80  }
0x139: {  	[sflag:s0] =	ssyncset.done $0x0  }
0x13a: {  	[sflag:s0] =	ssyncadd.s32 $0xFFFFFF80  }
0x13b: {  	_ =	swait.ge [sflag:s31], $0x80  }
0x13c: {  	[sflag:s31] =	ssyncset.done $0x0  }
0x13d: {  	[sflag:s31] =	ssyncadd.s32 $0xFFFFFF80  }
0x13e: {  	_ =	swait.ge [sflag:s0], $0x80  }
0x13f: {  	[sflag:s0] =	ssyncset.done $0x0  }
0x140: {  	[sflag:s0] =	ssyncadd.s32 $0xFFFFFF80  }
0x141: {  	_ =	swait.ge [sflag:s31], $0x80  }
0x142: {  	[sflag:s31] =	ssyncset.done $0x0  }
0x143: {  	[sflag:s31] =	ssyncadd.s32 $0xFFFFFF80  }
0x144: {  	_ =	swait.ge [sflag:s0], $0x80  }
0x145: {  	[sflag:s0] =	ssyncset.done $0x0  }
0x146: {  	[sflag:s0] =	ssyncadd.s32 $0xFFFFFF80  }
0x147: {  	_ =	swait.ge [sflag:s31], $0x80  }
0x148: {  	[sflag:s31] =	ssyncset.done $0x0  }
0x149: {  	[sflag:s31] =	ssyncadd.s32 $0xFFFFFF80  }
0x14a: {  	_ =	swait.ge [sflag:s0], $0x80  }
0x14b: {  	[sflag:s0] =	ssyncset.done $0x0  }
0x14c: {  	[sflag:s0] =	ssyncadd.s32 $0xFFFFFF80  }
0x14d: {  	_ =	swait.ge [sflag:s31], $0x80  }
0x14e: {  	[sflag:s31] =	ssyncset.done $0x0  }
0x14f: {  	[sflag:s31] =	ssyncadd.s32 $0xFFFFFF80  }
0x150: {  	_ =	swait.ge [sflag:s0], $0x80  }
0x151: {  	[sflag:s0] =	ssyncset.done $0x0  }
0x152: {  	[sflag:s0] =	ssyncadd.s32 $0xFFFFFF80  }
0x153: {  	_ =	swait.ge [sflag:s31], $0x80  }
0x154: {  	[sflag:s31] =	ssyncset.done $0x0  }
0x155: {  	[sflag:s31] =	ssyncadd.s32 $0xFFFFFF80  }
0x156: {  	_ =	swait.ge [sflag:s0], $0x80  }
0x157: {  	[sflag:s0] =	ssyncset.done $0x0  }
0x158: {  	[sflag:s0] =	ssyncadd.s32 $0xFFFFFF80  }
0x159: {  	_ =	swait.ge [sflag:s31], $0x80  }
0x15a: {  	[sflag:s31] =	ssyncset.done $0x0  }
0x15b: {  	[sflag:s31] =	ssyncadd.s32 $0xFFFFFF80  }
0x15c: {  	_ =	swait.ge [sflag:s0], $0x80  }
0x15d: {  	[sflag:s0] =	ssyncset.done $0x0  }
0x15e: {  	s21 =	sshll.u32 s1, $0x6;
	[sflag:s0] =	ssyncadd.s32 $0xFFFFFF80  }
0x15f: {  	s22 =	sshrl.u32 s7, $0x3;
	s18 =	sor.u32 $0x1C03, s21;
	[bflag:$0x0] =	sbarrier.arrive $0xFFFF  }
0x160: {  	[hbm:s9], [sflag:s18] =	dma.local [spmem:s22], $0x50  }
0x161: {  	s17 =	sadd.s32 $0x1, s17;
	_ =	swait.ge [sflag:s12], $0x50  }
0x162: {  	p0 =	sne.s32 s17, s11;
	[sflag:s12] =	ssyncset.done $0x0  }
.Ltmp1:
0x163: {  	s23 =	sshrl.u32 s8, $0x3;
	[sflag:s12] =	ssyncadd.s32 $0xFFFFFFB0;
	(pc) =	sbr.rel @p0 .LBB2_1-.Ltmp1, $4  }
0x164: {  	[hbm:s10], [sflag:s18] =	dma.local [spmem:s23], $0x50  }
0x165: {  	_ =	swait.ge [sflag:s12], $0x50  }
0x166: {  	[sflag:s12] =	ssyncset.done $0x0  }
0x167: {  	[sflag:s12] =	ssyncadd.s32 $0xFFFFFFB0  }
0x168: {  	_ =	sfence.sel $0x180000  }
0x169: {  	[bflag:$0x0] =	sbarrier.arrive $0xFFFF  }
0x16a: {  	_ =	strace $0x90000047  }
0x16b: {  	[bflag:$0x2] =	sbarrier.arrive $0xFFFF  }
0x16c: {  	p0 =	sne.s32 s1, $0x0;
	s0 =	rddreg [dreg:$0x4]  }
0x16d: {  	s0 =	sadd.s32 @!p0 $0x100000, s0  }
0x16e: {  	[sflag:s0] =	ssyncadd.tile.s32 @!p0 $0x1;
	_ =	shalt  }
.Lfunc_end2:
_tile_overlayer_lowered:
.L_overlay_start_2:
0x16f: {  	(tag) =	ssettag $0x2  }
0x170: {  	s0 =	rddreg [dreg:$0x0];
	s2 =	stileid.u32  }
0x171: {  	s1 =	rddreg [dreg:$0x1];
	p0 =	sne.s32 s2, $0x0  }
0x172: {  	s3 =	rddreg [dreg:$0x2];
	[bflag:$0x3] =	sbarrier.arrive $0xFFFF;
	s2 =	simm.s32 @!p0 $0x1C03  }
0x173: {  	[timem:s3], [sflag:s2] =	dma.local @!p0 [hbm:s0], s1  }
0x174: {  	s0 =	simm.s32 @!p0 $0x3  }
0x175: {  	_ =	swait.ge @!p0 [sflag:s0], s1  }
0x176: {  	s1 =	ssub.s32 @!p0 $0x0, s1;
	[sflag:s0] =	ssyncset.done @!p0 $0x0  }
0x177: {  	[sflag:s0] =	ssyncadd.s32 @!p0 s1  }
0x178: {  	[bflag:$0x3] =	sbarrier.arrive $0xFFFF  }
0x179: {  	_ =	shalt  }

</sc_bundles>
